<compile_context>
chip_gen: v7x
topology: tpu7x:2x2x1
jax: 0.10.2.dev20260603
libtpu: 0.0.44.dev20260713+nightly
codegen_flags: <defaults>
</compile_context>

<pallas_src>
import functools

import jax
import jax.numpy as jnp
from jax import lax
from jax.experimental import pallas as pl
from jax.experimental.pallas import tpu as pltpu
from jax.experimental.pallas import tpu_sc as plsc

BATCH = 16384
DIM = 64
NUSERS = 1000000

_info = plsc.get_sparse_core_info()
NC, NS, L = _info.num_cores, _info.num_subcores, _info.num_lanes
NW = NC * NS
BPW = BATCH // NW
NBLK = (NUSERS + 127) // 128
NBPT = (NBLK + NW - 1) // NW
RING = 5
SR = 8
BIG = 2**31 - 1
CHU = 128
NVR = BATCH // L

_mesh = plsc.VectorSubcoreMesh(core_axis_name="c", subcore_axis_name="s")


@functools.partial(
    pl.kernel,
    mesh=_mesh,
    compiler_params=pltpu.CompilerParams(use_tc_tiling_on_sc=True, needs_layout_passes=False),
    out_type=jax.ShapeDtypeStruct((BATCH * 2 * DIM,), jnp.float32),
    scratch_types=[
        pltpu.VMEM((BATCH,), jnp.int32),
        pltpu.VMEM((BATCH + L,), jnp.int32),
        pltpu.VMEM((256,), jnp.int32),
        pltpu.VMEM((256,), jnp.int32),
        pltpu.VMEM((256,), jnp.int32),
        pltpu.VMEM((L + 1,), jnp.int32),
        pltpu.VMEM((RING, DIM, CHU), jnp.float32),
        pltpu.VMEM((RING, DIM, CHU), jnp.float32),
        pltpu.VMEM((SR, 2 * DIM), jnp.float32),
        pltpu.SemaphoreType.DMA,
        pltpu.SemaphoreType.DMA,
    ],
)
def _gather_phase(u_hbm, sT_hbm, bT_hbm, sb_hbm,
                  u_v, wl2, cnts, bases, cur, tmp, s_ch, b_ch, row_ring,
                  sem, sem2):
    wid = lax.axis_index("s") * NC + lax.axis_index("c")
    lane = lax.iota(jnp.int32, L)
    lo = wid * NBPT
    hi = jnp.minimum(lo + NBPT, NBLK)
    nch = hi - lo

    pltpu.sync_copy(u_hbm, u_v)

    def prime(q):
        b = q % RING
        offm = chunk_off_early(q)
        pltpu.async_copy(sT_hbm.at[:, pl.ds(offm, CHU)], s_ch.at[b], sem)
        pltpu.async_copy(bT_hbm.at[:, pl.ds(offm, CHU)], b_ch.at[b], sem)

    def chunk_off_early(q):
        return pl.multiple_of(jnp.minimum((lo + q) * 128, NUSERS - CHU), 128)

    for p in range(RING - 1):
        @pl.when(p < nch)
        def _():
            prime(p)

    for i in range(256 // L):
        cnts[pl.ds(i * L, L)] = jnp.zeros((L,), jnp.int32)

    def count(ci, c):
        uvec = u_v[pl.ds(ci * L, L)]
        blk = uvec >> 7
        m = (blk >= lo) & (blk < hi)
        bs = jnp.minimum(jnp.where(m, blk - lo, 255), 255)
        plsc.addupdate_scatter(cnts, [bs], jnp.where(m, 1, 0), mask=m)
        return c

    lax.fori_loop(0, NVR, count, 0)

    def prefix(i, run):
        cv = cnts[pl.ds(i * L, L)]
        inc = plsc.cumsum(cv)
        ev = run + inc - cv
        bases[pl.ds(i * L, L)] = ev
        cur[pl.ds(i * L, L)] = ev
        return run + jnp.sum(jnp.where(lane == L - 1, inc, 0))

    lax.fori_loop(0, 256 // L, prefix, jnp.int32(0))

    def place(ci, c):
        uvec = u_v[pl.ds(ci * L, L)]
        blk = uvec >> 7
        m = (blk >= lo) & (blk < hi)
        key = jnp.where(m, blk, BIG)
        val = ((ci * L + lane) << 7) | (uvec & 127)
        key_s, val_s = plsc.sort_key_val(key, val)
        m_s = key_s < BIG
        bs = jnp.minimum(jnp.where(m_s, key_s - lo, 255), 255)
        tmp[pl.ds(1, L)] = key_s
        prev = tmp[pl.ds(0, L)]
        boundary = (key_s != prev) | (lane == 0)
        runpos = lane - plsc.cummax(jnp.where(boundary, lane, 0))
        pos = plsc.load_gather(cur, [bs]) + runpos
        plsc.store_scatter(wl2, [pos], val_s, mask=m_s)
        plsc.addupdate_scatter(cur, [bs], jnp.where(m_s, 1, 0), mask=m_s)
        return c

    lax.fori_loop(0, NVR, place, 0)

    def blk_cnt(q):
        cv = cnts[pl.ds((q >> 4) << 4, L)]
        return jnp.sum(jnp.where(lane == (q & 15), cv, 0))

    def blk_base(q):
        bv = bases[pl.ds((q >> 4) << 4, L)]
        return jnp.sum(jnp.where(lane == (q & 15), bv, 0))

    def chunk_off(q):
        return pl.multiple_of(jnp.minimum((lo + q) * 128, NUSERS - CHU), 128)

    def issue(q):
        @pl.when(blk_cnt(q) > 0)
        def _():
            b = q % RING
            offm = chunk_off(q)
            pltpu.async_copy(sT_hbm.at[:, pl.ds(offm, CHU)], s_ch.at[b], sem)
            pltpu.async_copy(bT_hbm.at[:, pl.ds(offm, CHU)], b_ch.at[b], sem)

    def chunk(q, se):
        cq = blk_cnt(q)

        @pl.when(q + RING - 1 < nch)
        def _():
            issue(q + RING - 1)

        @pl.when((q < RING - 1) & (cq == 0))
        def _():
            b = q % RING
            offm = chunk_off(q)
            pltpu.make_async_copy(
                sT_hbm.at[:, pl.ds(offm, CHU)], s_ch.at[b], sem).wait()
            pltpu.make_async_copy(
                bT_hbm.at[:, pl.ds(offm, CHU)], b_ch.at[b], sem).wait()

        def work(se):
            b = q % RING
            offm = chunk_off(q)
            delta = (lo + q) * 128 - offm
            pltpu.make_async_copy(
                sT_hbm.at[:, pl.ds(offm, CHU)], s_ch.at[b], sem).wait()
            pltpu.make_async_copy(
                bT_hbm.at[:, pl.ds(offm, CHU)], b_ch.at[b], sem).wait()
            base_q = blk_base(q)

            def elem(e, se):
                v16 = wl2[pl.ds(base_q + e, L)]
                val = jnp.sum(jnp.where(lane == 0, v16, 0))
                eid = val >> 7
                col = (val & 127) + delta
                cs = jnp.broadcast_to(col, (L,)).astype(jnp.int32)
                slot = se % SR

                @pl.when(se >= SR)
                def _():
                    pltpu.make_async_copy(
                        sb_hbm.at[pl.ds(0, 2 * DIM)], row_ring.at[0], sem2).wait()

                for j in range(DIM // L):
                    rvec = j * L + lane
                    row_ring[slot, pl.ds(j * L, L)] = plsc.load_gather(
                        s_ch.at[b], [rvec, cs])
                    row_ring[slot, pl.ds(DIM + j * L, L)] = plsc.load_gather(
                        b_ch.at[b], [rvec, cs])
                dst = pl.multiple_of(eid * (2 * DIM), 128)
                pltpu.async_copy(
                    row_ring.at[slot], sb_hbm.at[pl.ds(dst, 2 * DIM)], sem2)
                return se + 1

            return lax.fori_loop(0, cq, elem, se)

        return lax.cond(cq > 0, work, lambda t: t, se)

    se = lax.fori_loop(0, nch, chunk, jnp.int32(0))

    def drain(i, c):
        pltpu.make_async_copy(
            sb_hbm.at[pl.ds(0, 2 * DIM)], row_ring.at[0], sem2).wait()
        return c

    lax.fori_loop(0, jnp.minimum(se, SR), drain, 0)


@functools.partial(
    pl.kernel,
    mesh=_mesh,
    compiler_params=pltpu.CompilerParams(use_tc_tiling_on_sc=False),
    out_type=jax.ShapeDtypeStruct((BATCH, DIM), jnp.float32),
    scratch_types=[
        pltpu.VMEM((BPW, DIM), jnp.float32),
        pltpu.VMEM((BPW * 2 * DIM,), jnp.float32),
        pltpu.SemaphoreType.DMA,
    ],
)
def _apply_phase(x_hbm, sb_hbm, out_hbm, x_v, sb_v, sem):
    wid = lax.axis_index("s") * NC + lax.axis_index("c")
    base = wid * BPW
    rows = pl.ds(base, BPW)
    c1 = pltpu.async_copy(sb_hbm.at[pl.ds(base * 2 * DIM, BPW * 2 * DIM)], sb_v, sem)
    pltpu.sync_copy(x_hbm.at[rows], x_v)
    c1.wait()

    @plsc.parallel_loop(0, BPW, 1, unroll=4)
    def row(r):
        for j in range(DIM // L):
            sl = pl.ds(j * L, L)
            x_v[r, sl] = (x_v[r, sl] * sb_v[pl.ds(r * 2 * DIM + j * L, L)]
                          + sb_v[pl.ds(r * 2 * DIM + DIM + j * L, L)])
    pltpu.sync_copy(x_v, out_hbm.at[rows])


def kernel(x, u, scale_weight, bias_weight):
    sb = _gather_phase(u, scale_weight.T, bias_weight.T)
    return _apply_phase(x, sb)

# --- scband reference (transcript-rebuilt; emitter-appended) ---
"""Pipeline reference for scband-personal-calibration-16063177687466 (READ-ONLY COPY).

The authoritative reference and input builder live on the scoring server;
editing this copy changes nothing except your own understanding.
"""

import jax, jax.numpy as jnp
import numpy as np

N_USERS = 1000000
DIM = 64
BATCH = 16384


def setup_inputs(seed: int = 0) -> dict:
    key = jax.random.key(seed)
    k_x, k_u = jax.random.split(key, 2)
    x = jax.random.normal(k_x, (BATCH, DIM), dtype=jnp.float32)
    u = jax.random.randint(k_u, (BATCH,), 0, N_USERS, dtype=jnp.int64 if jax.config.jax_enable_x64 else jnp.int32).astype(jnp.int32)
    # Learned parameters, matching torch init: scale=ones, bias=zeros
    scale_weight = jnp.ones((N_USERS, DIM), dtype=jnp.float32)
    bias_weight = jnp.zeros((N_USERS, DIM), dtype=jnp.float32)
    return {"x": x, "u": u, "scale_weight": scale_weight, "bias_weight": bias_weight}


def reference(x, u, scale_weight, bias_weight):
    # PersonalCalibration.forward: x * scale(u) + bias(u)
    s = jnp.take(scale_weight, u, axis=0)
    b = jnp.take(bias_weight, u, axis=0)
    return x * s + b

if __name__ == "__main__":
    import jax
    _d = setup_inputs()
    print(jax.jit(kernel)(*tuple(_d.values())))

</pallas_src>

<mosaic_0001>
#map = affine_map<(d0, d1) -> (0, 0)>
#map1 = affine_map<(d0, d1) -> (0)>
module attributes {stable_mosaic.version = 14 : i64} {
  func.func @_apply_phase(%arg0: i32, %arg1: i32, %arg2: memref<16384x64xf32, #tpu.memory_space<hbm>>, %arg3: memref<2097152xf32, #tpu.memory_space<hbm>>, %arg4: memref<16384x64xf32, #tpu.memory_space<hbm>>, %arg5: memref<512x64xf32, #tpu.memory_space<vmem>>, %arg6: memref<65536xf32, #tpu.memory_space<vmem>>, %arg7: memref<!tpu.dma_semaphore, #tpu.memory_space<semaphore_mem>>) attributes {dimension_semantics = [#tpu.dimension_semantics<core_parallel>, #tpu.dimension_semantics<subcore_parallel>], iteration_bounds = array<i64: 2, 16>, scalar_prefetch = 0 : i64, scratch_operands = 3 : i64, tpu.core_type = #tpu.core_type<sc_vector_subcore>, window_params = [{transform_indices = #map}, {transform_indices = #map1}, {transform_indices = #map}]} {
    %mul3A = arith.constant 2 : i32
    %mul3A_0 = arith.muli %arg1, %mul3A : i32
    %add3A = arith.addi %mul3A_0, %arg0 : i32
    %mul3A_1 = arith.constant 512 : i32
    %mul3A_2 = arith.muli %add3A, %mul3A_1 : i32
    %mul3A_3 = arith.constant 2 : i32
    %mul3A_4 = arith.muli %mul3A_2, %mul3A_3 : i32
    %mul3A_5 = arith.constant 64 : i32
    %mul3A_6 = arith.muli %mul3A_4, %mul3A_5 : i32
    %dma_start3A = tpu.memref_slice %arg3[%mul3A_6] : memref<2097152xf32, #tpu.memory_space<hbm>> -> memref<65536xf32, #tpu.memory_space<hbm>>
    %dma_start3A_7 = tpu.memref_slice %arg3[%mul3A_6] : memref<2097152xf32, #tpu.memory_space<hbm>> -> memref<65536xf32, #tpu.memory_space<hbm>>
    tpu.enqueue_dma source(%dma_start3A_7 : memref<65536xf32, #tpu.memory_space<hbm>>) target(%arg6 : memref<65536xf32, #tpu.memory_space<vmem>>) target_semaphore(%arg7 : memref<!tpu.dma_semaphore, #tpu.memory_space<semaphore_mem>>)
    "tpu.region"() ({
      %run_scoped3A = tpu.sem_alloc : memref<!tpu.dma_semaphore, #tpu.memory_space<semaphore_mem>>
      %dma_start3A_11 = arith.constant 0 : i32
      %dma_start3A_12 = tpu.memref_slice %arg2[%mul3A_2, %dma_start3A_11] : memref<16384x64xf32, #tpu.memory_space<hbm>> -> memref<512x64xf32, #tpu.memory_space<hbm>>
      %dma_start3A_13 = arith.constant 0 : i32
      %dma_start3A_14 = tpu.memref_slice %arg2[%mul3A_2, %dma_start3A_13] : memref<16384x64xf32, #tpu.memory_space<hbm>> -> memref<512x64xf32, #tpu.memory_space<hbm>>
      tpu.enqueue_dma source(%dma_start3A_14 : memref<512x64xf32, #tpu.memory_space<hbm>>) target(%arg5 : memref<512x64xf32, #tpu.memory_space<vmem>>) target_semaphore(%run_scoped3A : memref<!tpu.dma_semaphore, #tpu.memory_space<semaphore_mem>>)
      %dma_wait3A_15 = arith.constant 0 : i32
      %dma_wait3A_16 = tpu.memref_slice %arg2[%mul3A_2, %dma_wait3A_15] : memref<16384x64xf32, #tpu.memory_space<hbm>> -> memref<512x64xf32, #tpu.memory_space<hbm>>
      %dma_wait3A_17 = arith.constant 0 : i32
      %dma_wait3A_18 = tpu.memref_slice %arg2[%mul3A_2, %dma_wait3A_17] : memref<16384x64xf32, #tpu.memory_space<hbm>> -> memref<512x64xf32, #tpu.memory_space<hbm>>
      tpu.wait_dma2 semaphore(%run_scoped3A : memref<!tpu.dma_semaphore, #tpu.memory_space<semaphore_mem>>) src(%dma_wait3A_18 : memref<512x64xf32, #tpu.memory_space<hbm>>) dst(%arg5 : memref<512x64xf32, #tpu.memory_space<vmem>>)
      tpu.yield
    }) : () -> ()
    %dma_wait3A = tpu.memref_slice %arg3[%mul3A_6] : memref<2097152xf32, #tpu.memory_space<hbm>> -> memref<65536xf32, #tpu.memory_space<hbm>>
    %dma_wait3A_8 = tpu.memref_slice %arg3[%mul3A_6] : memref<2097152xf32, #tpu.memory_space<hbm>> -> memref<65536xf32, #tpu.memory_space<hbm>>
    tpu.wait_dma2 semaphore(%arg7 : memref<!tpu.dma_semaphore, #tpu.memory_space<semaphore_mem>>) src(%dma_wait3A_8 : memref<65536xf32, #tpu.memory_space<hbm>>) dst(%arg6 : memref<65536xf32, #tpu.memory_space<vmem>>)
    %parallel_loop3A = arith.constant 0 : i32
    %parallel_loop3A_9 = arith.constant 512 : i32
    %parallel_loop3A_10 = arith.constant 1 : i32
    scf.for %parallel_loop3A_11 = %parallel_loop3A to %parallel_loop3A_9 step %parallel_loop3A_10  : i32 {
      %parallel_loop3A_12 = arith.index_cast %parallel_loop3A_11 : i32 to index
      %parallel_loop3A_13 = arith.constant 0 : index
      %parallel_loop3A_14 = tpu.vector_load %arg5[%parallel_loop3A_12, %parallel_loop3A_13] {strides = array<i32>} : memref<512x64xf32, #tpu.memory_space<vmem>>, vector<1x16xf32>,
      %parallel_loop3A_15 = vector.shape_cast %parallel_loop3A_14 : vector<1x16xf32> to vector<16xf32>
      %parallel_loop3A_16 = arith.constant 2 : i32
      %parallel_loop3A_17 = arith.muli %parallel_loop3A_11, %parallel_loop3A_16 : i32
      %parallel_loop3A_18 = arith.constant 64 : i32
      %parallel_loop3A_19 = arith.muli %parallel_loop3A_17, %parallel_loop3A_18 : i32
      %parallel_loop3A_20 = arith.constant 0 : i32
      %parallel_loop3A_21 = arith.addi %parallel_loop3A_19, %parallel_loop3A_20 : i32
      %parallel_loop3A_22 = arith.index_cast %parallel_loop3A_21 : i32 to index
      %parallel_loop3A_23 = tpu.vector_load %arg6[%parallel_loop3A_22] {strides = array<i32>} : memref<65536xf32, #tpu.memory_space<vmem>>, vector<16xf32>,
      %parallel_loop3A_24 = vector.shape_cast %parallel_loop3A_23 : vector<16xf32> to vector<16xf32>
      %parallel_loop3A_25 = arith.mulf %parallel_loop3A_15, %parallel_loop3A_24 : vector<16xf32>
      %parallel_loop3A_26 = arith.constant 2 : i32
      %parallel_loop3A_27 = arith.muli %parallel_loop3A_11, %parallel_loop3A_26 : i32
      %parallel_loop3A_28 = arith.constant 64 : i32
      %parallel_loop3A_29 = arith.muli %parallel_loop3A_27, %parallel_loop3A_28 : i32
      %parallel_loop3A_30 = arith.constant 64 : i32
      %parallel_loop3A_31 = arith.addi %parallel_loop3A_29, %parallel_loop3A_30 : i32
      %parallel_loop3A_32 = arith.constant 0 : i32
      %parallel_loop3A_33 = arith.addi %parallel_loop3A_31, %parallel_loop3A_32 : i32
      %parallel_loop3A_34 = arith.index_cast %parallel_loop3A_33 : i32 to index
      %parallel_loop3A_35 = tpu.vector_load %arg6[%parallel_loop3A_34] {strides = array<i32>} : memref<65536xf32, #tpu.memory_space<vmem>>, vector<16xf32>,
      %parallel_loop3A_36 = vector.shape_cast %parallel_loop3A_35 : vector<16xf32> to vector<16xf32>
      %parallel_loop3A_37 = arith.addf %parallel_loop3A_25, %parallel_loop3A_36 : vector<16xf32>
      %parallel_loop3A_38 = arith.index_cast %parallel_loop3A_11 : i32 to index
      %parallel_loop3A_39 = arith.constant 0 : index
      %parallel_loop3A_40 = tpu.vector_load %arg5[%parallel_loop3A_38, %parallel_loop3A_39] {strides = array<i32>} : memref<512x64xf32, #tpu.memory_space<vmem>>, vector<1x16xf32>,
      %parallel_loop3A_41 = vector.shape_cast %parallel_loop3A_40 : vector<1x16xf32> to vector<16xf32>
      %parallel_loop3A_42 = vector.shape_cast %parallel_loop3A_37 : vector<16xf32> to vector<1x16xf32>
      tpu.vector_store %arg5[%parallel_loop3A_38, %parallel_loop3A_39], %parallel_loop3A_42 {strides = array<i32>} : memref<512x64xf32, #tpu.memory_space<vmem>>, vector<1x16xf32>,
      %parallel_loop3A_43 = arith.index_cast %parallel_loop3A_11 : i32 to index
      %parallel_loop3A_44 = arith.constant 16 : index
      %parallel_loop3A_45 = tpu.vector_load %arg5[%parallel_loop3A_43, %parallel_loop3A_44] {strides = array<i32>} : memref<512x64xf32, #tpu.memory_space<vmem>>, vector<1x16xf32>,
      %parallel_loop3A_46 = vector.shape_cast %parallel_loop3A_45 : vector<1x16xf32> to vector<16xf32>
      %parallel_loop3A_47 = arith.constant 2 : i32
      %parallel_loop3A_48 = arith.muli %parallel_loop3A_11, %parallel_loop3A_47 : i32
      %parallel_loop3A_49 = arith.constant 64 : i32
      %parallel_loop3A_50 = arith.muli %parallel_loop3A_48, %parallel_loop3A_49 : i32
      %parallel_loop3A_51 = arith.constant 16 : i32
      %parallel_loop3A_52 = arith.addi %parallel_loop3A_50, %parallel_loop3A_51 : i32
      %parallel_loop3A_53 = arith.index_cast %parallel_loop3A_52 : i32 to index
      %parallel_loop3A_54 = tpu.vector_load %arg6[%parallel_loop3A_53] {strides = array<i32>} : memref<65536xf32, #tpu.memory_space<vmem>>, vector<16xf32>,
      %parallel_loop3A_55 = vector.shape_cast %parallel_loop3A_54 : vector<16xf32> to vector<16xf32>
      %parallel_loop3A_56 = arith.mulf %parallel_loop3A_46, %parallel_loop3A_55 : vector<16xf32>
      %parallel_loop3A_57 = arith.constant 2 : i32
      %parallel_loop3A_58 = arith.muli %parallel_loop3A_11, %parallel_loop3A_57 : i32
      %parallel_loop3A_59 = arith.constant 64 : i32
      %parallel_loop3A_60 = arith.muli %parallel_loop3A_58, %parallel_loop3A_59 : i32
      %parallel_loop3A_61 = arith.constant 64 : i32
      %parallel_loop3A_62 = arith.addi %parallel_loop3A_60, %parallel_loop3A_61 : i32
      %parallel_loop3A_63 = arith.constant 16 : i32
      %parallel_loop3A_64 = arith.addi %parallel_loop3A_62, %parallel_loop3A_63 : i32
      %parallel_loop3A_65 = arith.index_cast %parallel_loop3A_64 : i32 to index
      %parallel_loop3A_66 = tpu.vector_load %arg6[%parallel_loop3A_65] {strides = array<i32>} : memref<65536xf32, #tpu.memory_space<vmem>>, vector<16xf32>,
      %parallel_loop3A_67 = vector.shape_cast %parallel_loop3A_66 : vector<16xf32> to vector<16xf32>
      %parallel_loop3A_68 = arith.addf %parallel_loop3A_56, %parallel_loop3A_67 : vector<16xf32>
      %parallel_loop3A_69 = arith.index_cast %parallel_loop3A_11 : i32 to index
      %parallel_loop3A_70 = arith.constant 16 : index
      %parallel_loop3A_71 = tpu.vector_load %arg5[%parallel_loop3A_69, %parallel_loop3A_70] {strides = array<i32>} : memref<512x64xf32, #tpu.memory_space<vmem>>, vector<1x16xf32>,
      %parallel_loop3A_72 = vector.shape_cast %parallel_loop3A_71 : vector<1x16xf32> to vector<16xf32>
      %parallel_loop3A_73 = vector.shape_cast %parallel_loop3A_68 : vector<16xf32> to vector<1x16xf32>
      tpu.vector_store %arg5[%parallel_loop3A_69, %parallel_loop3A_70], %parallel_loop3A_73 {strides = array<i32>} : memref<512x64xf32, #tpu.memory_space<vmem>>, vector<1x16xf32>,
      %parallel_loop3A_74 = arith.index_cast %parallel_loop3A_11 : i32 to index
      %parallel_loop3A_75 = arith.constant 32 : index
      %parallel_loop3A_76 = tpu.vector_load %arg5[%parallel_loop3A_74, %parallel_loop3A_75] {strides = array<i32>} : memref<512x64xf32, #tpu.memory_space<vmem>>, vector<1x16xf32>,
      %parallel_loop3A_77 = vector.shape_cast %parallel_loop3A_76 : vector<1x16xf32> to vector<16xf32>
      %parallel_loop3A_78 = arith.constant 2 : i32
      %parallel_loop3A_79 = arith.muli %parallel_loop3A_11, %parallel_loop3A_78 : i32
      %parallel_loop3A_80 = arith.constant 64 : i32
      %parallel_loop3A_81 = arith.muli %parallel_loop3A_79, %parallel_loop3A_80 : i32
      %parallel_loop3A_82 = arith.constant 32 : i32
      %parallel_loop3A_83 = arith.addi %parallel_loop3A_81, %parallel_loop3A_82 : i32
      %parallel_loop3A_84 = arith.index_cast %parallel_loop3A_83 : i32 to index
      %parallel_loop3A_85 = tpu.vector_load %arg6[%parallel_loop3A_84] {strides = array<i32>} : memref<65536xf32, #tpu.memory_space<vmem>>, vector<16xf32>,
      %parallel_loop3A_86 = vector.shape_cast %parallel_loop3A_85 : vector<16xf32> to vector<16xf32>
      %parallel_loop3A_87 = arith.mulf %parallel_loop3A_77, %parallel_loop3A_86 : vector<16xf32>
      %parallel_loop3A_88 = arith.constant 2 : i32
      %parallel_loop3A_89 = arith.muli %parallel_loop3A_11, %parallel_loop3A_88 : i32
      %parallel_loop3A_90 = arith.constant 64 : i32
      %parallel_loop3A_91 = arith.muli %parallel_loop3A_89, %parallel_loop3A_90 : i32
      %parallel_loop3A_92 = arith.constant 64 : i32
      %parallel_loop3A_93 = arith.addi %parallel_loop3A_91, %parallel_loop3A_92 : i32
      %parallel_loop3A_94 = arith.constant 32 : i32
      %parallel_loop3A_95 = arith.addi %parallel_loop3A_93, %parallel_loop3A_94 : i32
      %parallel_loop3A_96 = arith.index_cast %parallel_loop3A_95 : i32 to index
      %parallel_loop3A_97 = tpu.vector_load %arg6[%parallel_loop3A_96] {strides = array<i32>} : memref<65536xf32, #tpu.memory_space<vmem>>, vector<16xf32>,
      %parallel_loop3A_98 = vector.shape_cast %parallel_loop3A_97 : vector<16xf32> to vector<16xf32>
      %parallel_loop3A_99 = arith.addf %parallel_loop3A_87, %parallel_loop3A_98 : vector<16xf32>
      %parallel_loop3A_100 = arith.index_cast %parallel_loop3A_11 : i32 to index
      %parallel_loop3A_101 = arith.constant 32 : index
      %parallel_loop3A_102 = tpu.vector_load %arg5[%parallel_loop3A_100, %parallel_loop3A_101] {strides = array<i32>} : memref<512x64xf32, #tpu.memory_space<vmem>>, vector<1x16xf32>,
      %parallel_loop3A_103 = vector.shape_cast %parallel_loop3A_102 : vector<1x16xf32> to vector<16xf32>
      %parallel_loop3A_104 = vector.shape_cast %parallel_loop3A_99 : vector<16xf32> to vector<1x16xf32>
      tpu.vector_store %arg5[%parallel_loop3A_100, %parallel_loop3A_101], %parallel_loop3A_104 {strides = array<i32>} : memref<512x64xf32, #tpu.memory_space<vmem>>, vector<1x16xf32>,
      %parallel_loop3A_105 = arith.index_cast %parallel_loop3A_11 : i32 to index
      %parallel_loop3A_106 = arith.constant 48 : index
      %parallel_loop3A_107 = tpu.vector_load %arg5[%parallel_loop3A_105, %parallel_loop3A_106] {strides = array<i32>} : memref<512x64xf32, #tpu.memory_space<vmem>>, vector<1x16xf32>,
      %parallel_loop3A_108 = vector.shape_cast %parallel_loop3A_107 : vector<1x16xf32> to vector<16xf32>
      %parallel_loop3A_109 = arith.constant 2 : i32
      %parallel_loop3A_110 = arith.muli %parallel_loop3A_11, %parallel_loop3A_109 : i32
      %parallel_loop3A_111 = arith.constant 64 : i32
      %parallel_loop3A_112 = arith.muli %parallel_loop3A_110, %parallel_loop3A_111 : i32
      %parallel_loop3A_113 = arith.constant 48 : i32
      %parallel_loop3A_114 = arith.addi %parallel_loop3A_112, %parallel_loop3A_113 : i32
      %parallel_loop3A_115 = arith.index_cast %parallel_loop3A_114 : i32 to index
      %parallel_loop3A_116 = tpu.vector_load %arg6[%parallel_loop3A_115] {strides = array<i32>} : memref<65536xf32, #tpu.memory_space<vmem>>, vector<16xf32>,
      %parallel_loop3A_117 = vector.shape_cast %parallel_loop3A_116 : vector<16xf32> to vector<16xf32>
      %parallel_loop3A_118 = arith.mulf %parallel_loop3A_108, %parallel_loop3A_117 : vector<16xf32>
      %parallel_loop3A_119 = arith.constant 2 : i32
      %parallel_loop3A_120 = arith.muli %parallel_loop3A_11, %parallel_loop3A_119 : i32
      %parallel_loop3A_121 = arith.constant 64 : i32
      %parallel_loop3A_122 = arith.muli %parallel_loop3A_120, %parallel_loop3A_121 : i32
      %parallel_loop3A_123 = arith.constant 64 : i32
      %parallel_loop3A_124 = arith.addi %parallel_loop3A_122, %parallel_loop3A_123 : i32
      %parallel_loop3A_125 = arith.constant 48 : i32
      %parallel_loop3A_126 = arith.addi %parallel_loop3A_124, %parallel_loop3A_125 : i32
      %parallel_loop3A_127 = arith.index_cast %parallel_loop3A_126 : i32 to index
      %parallel_loop3A_128 = tpu.vector_load %arg6[%parallel_loop3A_127] {strides = array<i32>} : memref<65536xf32, #tpu.memory_space<vmem>>, vector<16xf32>,
      %parallel_loop3A_129 = vector.shape_cast %parallel_loop3A_128 : vector<16xf32> to vector<16xf32>
      %parallel_loop3A_130 = arith.addf %parallel_loop3A_118, %parallel_loop3A_129 : vector<16xf32>
      %parallel_loop3A_131 = arith.index_cast %parallel_loop3A_11 : i32 to index
      %parallel_loop3A_132 = arith.constant 48 : index
      %parallel_loop3A_133 = tpu.vector_load %arg5[%parallel_loop3A_131, %parallel_loop3A_132] {strides = array<i32>} : memref<512x64xf32, #tpu.memory_space<vmem>>, vector<1x16xf32>,
      %parallel_loop3A_134 = vector.shape_cast %parallel_loop3A_133 : vector<1x16xf32> to vector<16xf32>
      %parallel_loop3A_135 = vector.shape_cast %parallel_loop3A_130 : vector<16xf32> to vector<1x16xf32>
      tpu.vector_store %arg5[%parallel_loop3A_131, %parallel_loop3A_132], %parallel_loop3A_135 {strides = array<i32>} : memref<512x64xf32, #tpu.memory_space<vmem>>, vector<1x16xf32>,
    } {sc.loop_unroll_factor = 4 : i64, sc.parallel_access}
    "tpu.region"() ({
      %run_scoped3A = tpu.sem_alloc : memref<!tpu.dma_semaphore, #tpu.memory_space<semaphore_mem>>
      %dma_start3A_11 = arith.constant 0 : i32
      %dma_start3A_12 = tpu.memref_slice %arg4[%mul3A_2, %dma_start3A_11] : memref<16384x64xf32, #tpu.memory_space<hbm>> -> memref<512x64xf32, #tpu.memory_space<hbm>>
      %dma_start3A_13 = arith.constant 0 : i32
      %dma_start3A_14 = tpu.memref_slice %arg4[%mul3A_2, %dma_start3A_13] : memref<16384x64xf32, #tpu.memory_space<hbm>> -> memref<512x64xf32, #tpu.memory_space<hbm>>
      tpu.enqueue_dma source(%arg5 : memref<512x64xf32, #tpu.memory_space<vmem>>) target(%dma_start3A_14 : memref<512x64xf32, #tpu.memory_space<hbm>>) target_semaphore(%run_scoped3A : memref<!tpu.dma_semaphore, #tpu.memory_space<semaphore_mem>>)
      %dma_wait3A_15 = arith.constant 0 : i32
      %dma_wait3A_16 = tpu.memref_slice %arg4[%mul3A_2, %dma_wait3A_15] : memref<16384x64xf32, #tpu.memory_space<hbm>> -> memref<512x64xf32, #tpu.memory_space<hbm>>
      %dma_wait3A_17 = arith.constant 0 : i32
      %dma_wait3A_18 = tpu.memref_slice %arg4[%mul3A_2, %dma_wait3A_17] : memref<16384x64xf32, #tpu.memory_space<hbm>> -> memref<512x64xf32, #tpu.memory_space<hbm>>
      tpu.wait_dma2 semaphore(%run_scoped3A : memref<!tpu.dma_semaphore, #tpu.memory_space<semaphore_mem>>) src(%arg5 : memref<512x64xf32, #tpu.memory_space<vmem>>) dst(%dma_wait3A_18 : memref<512x64xf32, #tpu.memory_space<hbm>>)
      tpu.yield
    }) : () -> ()
    return
  }
}

#map = affine_map<(d0, d1) -> (0)>
#map1 = affine_map<(d0, d1) -> (0, 0)>
module attributes {stable_mosaic.version = 14 : i64} {
  func.func @_gather_phase(%arg0: i32, %arg1: i32, %arg2: memref<16384xi32, #tpu.memory_space<hbm>>, %arg3: memref<64x1000000xf32, #tpu.memory_space<hbm>>, %arg4: memref<64x1000000xf32, #tpu.memory_space<hbm>>, %arg5: memref<2097152xf32, #tpu.memory_space<hbm>>, %arg6: memref<16384xi32, #tpu.memory_space<vmem>>, %arg7: memref<16400xi32, #tpu.memory_space<vmem>>, %arg8: memref<256xi32, #tpu.memory_space<vmem>>, %arg9: memref<256xi32, #tpu.memory_space<vmem>>, %arg10: memref<256xi32, #tpu.memory_space<vmem>>, %arg11: memref<17xi32, #tpu.memory_space<vmem>>, %arg12: memref<5x64x128xf32, #tpu.memory_space<vmem>>, %arg13: memref<5x64x128xf32, #tpu.memory_space<vmem>>, %arg14: memref<8x128xf32, #tpu.memory_space<vmem>>, %arg15: memref<!tpu.dma_semaphore, #tpu.memory_space<semaphore_mem>>, %arg16: memref<!tpu.dma_semaphore, #tpu.memory_space<semaphore_mem>>) attributes {dimension_semantics = [#tpu.dimension_semantics<core_parallel>, #tpu.dimension_semantics<subcore_parallel>], iteration_bounds = array<i64: 2, 16>, scalar_prefetch = 0 : i64, scratch_operands = 11 : i64, tpu.core_type = #tpu.core_type<sc_vector_subcore>, window_params = [{transform_indices = #map}, {transform_indices = #map1}, {transform_indices = #map1}, {transform_indices = #map}]} {
    %mul3A = arith.constant 2 : i32
    %mul3A_0 = arith.muli %arg1, %mul3A : i32
    %add3A = arith.addi %mul3A_0, %arg0 : i32
    %iota3A = tpu.iota {dimensions = array<i32: 0>} : vector<16xi32>
    %mul3A_1 = arith.constant 245 : i32
    %mul3A_2 = arith.muli %add3A, %mul3A_1 : i32
    %add3A_3 = arith.constant 245 : i32
    %add3A_4 = arith.addi %mul3A_2, %add3A_3 : i32
    %min3A = arith.constant 7813 : i32
    %min3A_5 = arith.minsi %add3A_4, %min3A : i32
    %sub3A = arith.subi %min3A_5, %mul3A_2 : i32
    "tpu.region"() ({
      %run_scoped3A = tpu.sem_alloc : memref<!tpu.dma_semaphore, #tpu.memory_space<semaphore_mem>>
      tpu.enqueue_dma source(%arg2 : memref<16384xi32, #tpu.memory_space<hbm>>) target(%arg6 : memref<16384xi32, #tpu.memory_space<vmem>>) target_semaphore(%run_scoped3A : memref<!tpu.dma_semaphore, #tpu.memory_space<semaphore_mem>>)
      tpu.wait_dma2 semaphore(%run_scoped3A : memref<!tpu.dma_semaphore, #tpu.memory_space<semaphore_mem>>) src(%arg2 : memref<16384xi32, #tpu.memory_space<hbm>>) dst(%arg6 : memref<16384xi32, #tpu.memory_space<vmem>>)
      tpu.yield
    }) : () -> ()
    %gt3A = arith.constant 0 : i32
    %gt3A_6 = arith.cmpi sgt, %sub3A, %gt3A : i32
    %convert_element_type3A = arith.extui %gt3A_6 : i1 to i32
    %cond3A = arith.constant 0 : i32
    %cond3A_7 = arith.cmpi ne, %convert_element_type3A, %cond3A : i32
    scf.if %cond3A_7 {
      %add3A_126 = arith.constant 0 : i32
      %add3A_127 = arith.addi %mul3A_2, %add3A_126 : i32
      %mul3A_128 = arith.constant 128 : i32
      %mul3A_129 = arith.muli %add3A_127, %mul3A_128 : i32
      %min3A_130 = arith.constant 999872 : i32
      %min3A_131 = arith.minsi %mul3A_129, %min3A_130 : i32
      %multiple_of3A = tpu.assume_multiple %min3A_131, 128 : i32
      %dma_start3A = arith.constant 0 : i32
      %dma_start3A_132 = arith.constant 0 : i32
      %dma_start3A_133 = arith.constant 0 : i32
      %dma_start3A_134 = tpu.memref_slice %arg12[%dma_start3A, %dma_start3A_132, %dma_start3A_133] : memref<5x64x128xf32, #tpu.memory_space<vmem>> -> memref<1x64x128xf32, #tpu.memory_space<vmem>>
      %dma_start3A_135 = tpu.memref_squeeze %dma_start3A_134 : memref<1x64x128xf32, #tpu.memory_space<vmem>> -> memref<64x128xf32, #tpu.memory_space<vmem>>
      %dma_start3A_136 = arith.constant 0 : i32
      %dma_start3A_137 = tpu.memref_slice %arg3[%dma_start3A_136, %multiple_of3A] : memref<64x1000000xf32, #tpu.memory_space<hbm>> -> memref<64x128xf32, #tpu.memory_space<hbm>>
      %dma_start3A_138 = arith.constant 0 : i32
      %dma_start3A_139 = arith.constant 0 : i32
      %dma_start3A_140 = tpu.memref_slice %arg12[%dma_start3A, %dma_start3A_138, %dma_start3A_139] : memref<5x64x128xf32, #tpu.memory_space<vmem>> -> memref<1x64x128xf32, #tpu.memory_space<vmem>>
      %dma_start3A_141 = tpu.memref_squeeze %dma_start3A_140 : memref<1x64x128xf32, #tpu.memory_space<vmem>> -> memref<64x128xf32, #tpu.memory_space<vmem>>
      %dma_start3A_142 = arith.constant 0 : i32
      %dma_start3A_143 = tpu.memref_slice %arg3[%dma_start3A_142, %multiple_of3A] : memref<64x1000000xf32, #tpu.memory_space<hbm>> -> memref<64x128xf32, #tpu.memory_space<hbm>>
      tpu.enqueue_dma source(%dma_start3A_143 : memref<64x128xf32, #tpu.memory_space<hbm>>) target(%dma_start3A_141 : memref<64x128xf32, #tpu.memory_space<vmem>>) target_semaphore(%arg15 : memref<!tpu.dma_semaphore, #tpu.memory_space<semaphore_mem>>)
      %dma_start3A_144 = arith.constant 0 : i32
      %dma_start3A_145 = arith.constant 0 : i32
      %dma_start3A_146 = arith.constant 0 : i32
      %dma_start3A_147 = tpu.memref_slice %arg13[%dma_start3A_144, %dma_start3A_145, %dma_start3A_146] : memref<5x64x128xf32, #tpu.memory_space<vmem>> -> memref<1x64x128xf32, #tpu.memory_space<vmem>>
      %dma_start3A_148 = tpu.memref_squeeze %dma_start3A_147 : memref<1x64x128xf32, #tpu.memory_space<vmem>> -> memref<64x128xf32, #tpu.memory_space<vmem>>
      %dma_start3A_149 = arith.constant 0 : i32
      %dma_start3A_150 = tpu.memref_slice %arg4[%dma_start3A_149, %multiple_of3A] : memref<64x1000000xf32, #tpu.memory_space<hbm>> -> memref<64x128xf32, #tpu.memory_space<hbm>>
      %dma_start3A_151 = arith.constant 0 : i32
      %dma_start3A_152 = arith.constant 0 : i32
      %dma_start3A_153 = tpu.memref_slice %arg13[%dma_start3A_144, %dma_start3A_151, %dma_start3A_152] : memref<5x64x128xf32, #tpu.memory_space<vmem>> -> memref<1x64x128xf32, #tpu.memory_space<vmem>>
      %dma_start3A_154 = tpu.memref_squeeze %dma_start3A_153 : memref<1x64x128xf32, #tpu.memory_space<vmem>> -> memref<64x128xf32, #tpu.memory_space<vmem>>
      %dma_start3A_155 = arith.constant 0 : i32
      %dma_start3A_156 = tpu.memref_slice %arg4[%dma_start3A_155, %multiple_of3A] : memref<64x1000000xf32, #tpu.memory_space<hbm>> -> memref<64x128xf32, #tpu.memory_space<hbm>>
      tpu.enqueue_dma source(%dma_start3A_156 : memref<64x128xf32, #tpu.memory_space<hbm>>) target(%dma_start3A_154 : memref<64x128xf32, #tpu.memory_space<vmem>>) target_semaphore(%arg15 : memref<!tpu.dma_semaphore, #tpu.memory_space<semaphore_mem>>)
    } else {
    }
    %gt3A_8 = arith.constant 1 : i32
    %gt3A_9 = arith.cmpi sgt, %sub3A, %gt3A_8 : i32
    %convert_element_type3A_10 = arith.extui %gt3A_9 : i1 to i32
    %cond3A_11 = arith.constant 0 : i32
    %cond3A_12 = arith.cmpi ne, %convert_element_type3A_10, %cond3A_11 : i32
    scf.if %cond3A_12 {
      %add3A_126 = arith.constant 1 : i32
      %add3A_127 = arith.addi %mul3A_2, %add3A_126 : i32
      %mul3A_128 = arith.constant 128 : i32
      %mul3A_129 = arith.muli %add3A_127, %mul3A_128 : i32
      %min3A_130 = arith.constant 999872 : i32
      %min3A_131 = arith.minsi %mul3A_129, %min3A_130 : i32
      %multiple_of3A = tpu.assume_multiple %min3A_131, 128 : i32
      %dma_start3A = arith.constant 1 : i32
      %dma_start3A_132 = arith.constant 0 : i32
      %dma_start3A_133 = arith.constant 0 : i32
      %dma_start3A_134 = tpu.memref_slice %arg12[%dma_start3A, %dma_start3A_132, %dma_start3A_133] : memref<5x64x128xf32, #tpu.memory_space<vmem>> -> memref<1x64x128xf32, #tpu.memory_space<vmem>>
      %dma_start3A_135 = tpu.memref_squeeze %dma_start3A_134 : memref<1x64x128xf32, #tpu.memory_space<vmem>> -> memref<64x128xf32, #tpu.memory_space<vmem>>
      %dma_start3A_136 = arith.constant 0 : i32
      %dma_start3A_137 = tpu.memref_slice %arg3[%dma_start3A_136, %multiple_of3A] : memref<64x1000000xf32, #tpu.memory_space<hbm>> -> memref<64x128xf32, #tpu.memory_space<hbm>>
      %dma_start3A_138 = arith.constant 0 : i32
      %dma_start3A_139 = arith.constant 0 : i32
      %dma_start3A_140 = tpu.memref_slice %arg12[%dma_start3A, %dma_start3A_138, %dma_start3A_139] : memref<5x64x128xf32, #tpu.memory_space<vmem>> -> memref<1x64x128xf32, #tpu.memory_space<vmem>>
      %dma_start3A_141 = tpu.memref_squeeze %dma_start3A_140 : memref<1x64x128xf32, #tpu.memory_space<vmem>> -> memref<64x128xf32, #tpu.memory_space<vmem>>
      %dma_start3A_142 = arith.constant 0 : i32
      %dma_start3A_143 = tpu.memref_slice %arg3[%dma_start3A_142, %multiple_of3A] : memref<64x1000000xf32, #tpu.memory_space<hbm>> -> memref<64x128xf32, #tpu.memory_space<hbm>>
      tpu.enqueue_dma source(%dma_start3A_143 : memref<64x128xf32, #tpu.memory_space<hbm>>) target(%dma_start3A_141 : memref<64x128xf32, #tpu.memory_space<vmem>>) target_semaphore(%arg15 : memref<!tpu.dma_semaphore, #tpu.memory_space<semaphore_mem>>)
      %dma_start3A_144 = arith.constant 1 : i32
      %dma_start3A_145 = arith.constant 0 : i32
      %dma_start3A_146 = arith.constant 0 : i32
      %dma_start3A_147 = tpu.memref_slice %arg13[%dma_start3A_144, %dma_start3A_145, %dma_start3A_146] : memref<5x64x128xf32, #tpu.memory_space<vmem>> -> memref<1x64x128xf32, #tpu.memory_space<vmem>>
      %dma_start3A_148 = tpu.memref_squeeze %dma_start3A_147 : memref<1x64x128xf32, #tpu.memory_space<vmem>> -> memref<64x128xf32, #tpu.memory_space<vmem>>
      %dma_start3A_149 = arith.constant 0 : i32
      %dma_start3A_150 = tpu.memref_slice %arg4[%dma_start3A_149, %multiple_of3A] : memref<64x1000000xf32, #tpu.memory_space<hbm>> -> memref<64x128xf32, #tpu.memory_space<hbm>>
      %dma_start3A_151 = arith.constant 0 : i32
      %dma_start3A_152 = arith.constant 0 : i32
      %dma_start3A_153 = tpu.memref_slice %arg13[%dma_start3A_144, %dma_start3A_151, %dma_start3A_152] : memref<5x64x128xf32, #tpu.memory_space<vmem>> -> memref<1x64x128xf32, #tpu.memory_space<vmem>>
      %dma_start3A_154 = tpu.memref_squeeze %dma_start3A_153 : memref<1x64x128xf32, #tpu.memory_space<vmem>> -> memref<64x128xf32, #tpu.memory_space<vmem>>
      %dma_start3A_155 = arith.constant 0 : i32
      %dma_start3A_156 = tpu.memref_slice %arg4[%dma_start3A_155, %multiple_of3A] : memref<64x1000000xf32, #tpu.memory_space<hbm>> -> memref<64x128xf32, #tpu.memory_space<hbm>>
      tpu.enqueue_dma source(%dma_start3A_156 : memref<64x128xf32, #tpu.memory_space<hbm>>) target(%dma_start3A_154 : memref<64x128xf32, #tpu.memory_space<vmem>>) target_semaphore(%arg15 : memref<!tpu.dma_semaphore, #tpu.memory_space<semaphore_mem>>)
    } else {
    }
    %gt3A_13 = arith.constant 2 : i32
    %gt3A_14 = arith.cmpi sgt, %sub3A, %gt3A_13 : i32
    %convert_element_type3A_15 = arith.extui %gt3A_14 : i1 to i32
    %cond3A_16 = arith.constant 0 : i32
    %cond3A_17 = arith.cmpi ne, %convert_element_type3A_15, %cond3A_16 : i32
    scf.if %cond3A_17 {
      %add3A_126 = arith.constant 2 : i32
      %add3A_127 = arith.addi %mul3A_2, %add3A_126 : i32
      %mul3A_128 = arith.constant 128 : i32
      %mul3A_129 = arith.muli %add3A_127, %mul3A_128 : i32
      %min3A_130 = arith.constant 999872 : i32
      %min3A_131 = arith.minsi %mul3A_129, %min3A_130 : i32
      %multiple_of3A = tpu.assume_multiple %min3A_131, 128 : i32
      %dma_start3A = arith.constant 2 : i32
      %dma_start3A_132 = arith.constant 0 : i32
      %dma_start3A_133 = arith.constant 0 : i32
      %dma_start3A_134 = tpu.memref_slice %arg12[%dma_start3A, %dma_start3A_132, %dma_start3A_133] : memref<5x64x128xf32, #tpu.memory_space<vmem>> -> memref<1x64x128xf32, #tpu.memory_space<vmem>>
      %dma_start3A_135 = tpu.memref_squeeze %dma_start3A_134 : memref<1x64x128xf32, #tpu.memory_space<vmem>> -> memref<64x128xf32, #tpu.memory_space<vmem>>
      %dma_start3A_136 = arith.constant 0 : i32
      %dma_start3A_137 = tpu.memref_slice %arg3[%dma_start3A_136, %multiple_of3A] : memref<64x1000000xf32, #tpu.memory_space<hbm>> -> memref<64x128xf32, #tpu.memory_space<hbm>>
      %dma_start3A_138 = arith.constant 0 : i32
      %dma_start3A_139 = arith.constant 0 : i32
      %dma_start3A_140 = tpu.memref_slice %arg12[%dma_start3A, %dma_start3A_138, %dma_start3A_139] : memref<5x64x128xf32, #tpu.memory_space<vmem>> -> memref<1x64x128xf32, #tpu.memory_space<vmem>>
      %dma_start3A_141 = tpu.memref_squeeze %dma_start3A_140 : memref<1x64x128xf32, #tpu.memory_space<vmem>> -> memref<64x128xf32, #tpu.memory_space<vmem>>
      %dma_start3A_142 = arith.constant 0 : i32
      %dma_start3A_143 = tpu.memref_slice %arg3[%dma_start3A_142, %multiple_of3A] : memref<64x1000000xf32, #tpu.memory_space<hbm>> -> memref<64x128xf32, #tpu.memory_space<hbm>>
      tpu.enqueue_dma source(%dma_start3A_143 : memref<64x128xf32, #tpu.memory_space<hbm>>) target(%dma_start3A_141 : memref<64x128xf32, #tpu.memory_space<vmem>>) target_semaphore(%arg15 : memref<!tpu.dma_semaphore, #tpu.memory_space<semaphore_mem>>)
      %dma_start3A_144 = arith.constant 2 : i32
      %dma_start3A_145 = arith.constant 0 : i32
      %dma_start3A_146 = arith.constant 0 : i32
      %dma_start3A_147 = tpu.memref_slice %arg13[%dma_start3A_144, %dma_start3A_145, %dma_start3A_146] : memref<5x64x128xf32, #tpu.memory_space<vmem>> -> memref<1x64x128xf32, #tpu.memory_space<vmem>>
      %dma_start3A_148 = tpu.memref_squeeze %dma_start3A_147 : memref<1x64x128xf32, #tpu.memory_space<vmem>> -> memref<64x128xf32, #tpu.memory_space<vmem>>
      %dma_start3A_149 = arith.constant 0 : i32
      %dma_start3A_150 = tpu.memref_slice %arg4[%dma_start3A_149, %multiple_of3A] : memref<64x1000000xf32, #tpu.memory_space<hbm>> -> memref<64x128xf32, #tpu.memory_space<hbm>>
      %dma_start3A_151 = arith.constant 0 : i32
      %dma_start3A_152 = arith.constant 0 : i32
      %dma_start3A_153 = tpu.memref_slice %arg13[%dma_start3A_144, %dma_start3A_151, %dma_start3A_152] : memref<5x64x128xf32, #tpu.memory_space<vmem>> -> memref<1x64x128xf32, #tpu.memory_space<vmem>>
      %dma_start3A_154 = tpu.memref_squeeze %dma_start3A_153 : memref<1x64x128xf32, #tpu.memory_space<vmem>> -> memref<64x128xf32, #tpu.memory_space<vmem>>
      %dma_start3A_155 = arith.constant 0 : i32
      %dma_start3A_156 = tpu.memref_slice %arg4[%dma_start3A_155, %multiple_of3A] : memref<64x1000000xf32, #tpu.memory_space<hbm>> -> memref<64x128xf32, #tpu.memory_space<hbm>>
      tpu.enqueue_dma source(%dma_start3A_156 : memref<64x128xf32, #tpu.memory_space<hbm>>) target(%dma_start3A_154 : memref<64x128xf32, #tpu.memory_space<vmem>>) target_semaphore(%arg15 : memref<!tpu.dma_semaphore, #tpu.memory_space<semaphore_mem>>)
    } else {
    }
    %gt3A_18 = arith.constant 3 : i32
    %gt3A_19 = arith.cmpi sgt, %sub3A, %gt3A_18 : i32
    %convert_element_type3A_20 = arith.extui %gt3A_19 : i1 to i32
    %cond3A_21 = arith.constant 0 : i32
    %cond3A_22 = arith.cmpi ne, %convert_element_type3A_20, %cond3A_21 : i32
    scf.if %cond3A_22 {
      %add3A_126 = arith.constant 3 : i32
      %add3A_127 = arith.addi %mul3A_2, %add3A_126 : i32
      %mul3A_128 = arith.constant 128 : i32
      %mul3A_129 = arith.muli %add3A_127, %mul3A_128 : i32
      %min3A_130 = arith.constant 999872 : i32
      %min3A_131 = arith.minsi %mul3A_129, %min3A_130 : i32
      %multiple_of3A = tpu.assume_multiple %min3A_131, 128 : i32
      %dma_start3A = arith.constant 3 : i32
      %dma_start3A_132 = arith.constant 0 : i32
      %dma_start3A_133 = arith.constant 0 : i32
      %dma_start3A_134 = tpu.memref_slice %arg12[%dma_start3A, %dma_start3A_132, %dma_start3A_133] : memref<5x64x128xf32, #tpu.memory_space<vmem>> -> memref<1x64x128xf32, #tpu.memory_space<vmem>>
      %dma_start3A_135 = tpu.memref_squeeze %dma_start3A_134 : memref<1x64x128xf32, #tpu.memory_space<vmem>> -> memref<64x128xf32, #tpu.memory_space<vmem>>
      %dma_start3A_136 = arith.constant 0 : i32
      %dma_start3A_137 = tpu.memref_slice %arg3[%dma_start3A_136, %multiple_of3A] : memref<64x1000000xf32, #tpu.memory_space<hbm>> -> memref<64x128xf32, #tpu.memory_space<hbm>>
      %dma_start3A_138 = arith.constant 0 : i32
      %dma_start3A_139 = arith.constant 0 : i32
      %dma_start3A_140 = tpu.memref_slice %arg12[%dma_start3A, %dma_start3A_138, %dma_start3A_139] : memref<5x64x128xf32, #tpu.memory_space<vmem>> -> memref<1x64x128xf32, #tpu.memory_space<vmem>>
      %dma_start3A_141 = tpu.memref_squeeze %dma_start3A_140 : memref<1x64x128xf32, #tpu.memory_space<vmem>> -> memref<64x128xf32, #tpu.memory_space<vmem>>
      %dma_start3A_142 = arith.constant 0 : i32
      %dma_start3A_143 = tpu.memref_slice %arg3[%dma_start3A_142, %multiple_of3A] : memref<64x1000000xf32, #tpu.memory_space<hbm>> -> memref<64x128xf32, #tpu.memory_space<hbm>>
      tpu.enqueue_dma source(%dma_start3A_143 : memref<64x128xf32, #tpu.memory_space<hbm>>) target(%dma_start3A_141 : memref<64x128xf32, #tpu.memory_space<vmem>>) target_semaphore(%arg15 : memref<!tpu.dma_semaphore, #tpu.memory_space<semaphore_mem>>)
      %dma_start3A_144 = arith.constant 3 : i32
      %dma_start3A_145 = arith.constant 0 : i32
      %dma_start3A_146 = arith.constant 0 : i32
      %dma_start3A_147 = tpu.memref_slice %arg13[%dma_start3A_144, %dma_start3A_145, %dma_start3A_146] : memref<5x64x128xf32, #tpu.memory_space<vmem>> -> memref<1x64x128xf32, #tpu.memory_space<vmem>>
      %dma_start3A_148 = tpu.memref_squeeze %dma_start3A_147 : memref<1x64x128xf32, #tpu.memory_space<vmem>> -> memref<64x128xf32, #tpu.memory_space<vmem>>
      %dma_start3A_149 = arith.constant 0 : i32
      %dma_start3A_150 = tpu.memref_slice %arg4[%dma_start3A_149, %multiple_of3A] : memref<64x1000000xf32, #tpu.memory_space<hbm>> -> memref<64x128xf32, #tpu.memory_space<hbm>>
      %dma_start3A_151 = arith.constant 0 : i32
      %dma_start3A_152 = arith.constant 0 : i32
      %dma_start3A_153 = tpu.memref_slice %arg13[%dma_start3A_144, %dma_start3A_151, %dma_start3A_152] : memref<5x64x128xf32, #tpu.memory_space<vmem>> -> memref<1x64x128xf32, #tpu.memory_space<vmem>>
      %dma_start3A_154 = tpu.memref_squeeze %dma_start3A_153 : memref<1x64x128xf32, #tpu.memory_space<vmem>> -> memref<64x128xf32, #tpu.memory_space<vmem>>
      %dma_start3A_155 = arith.constant 0 : i32
      %dma_start3A_156 = tpu.memref_slice %arg4[%dma_start3A_155, %multiple_of3A] : memref<64x1000000xf32, #tpu.memory_space<hbm>> -> memref<64x128xf32, #tpu.memory_space<hbm>>
      tpu.enqueue_dma source(%dma_start3A_156 : memref<64x128xf32, #tpu.memory_space<hbm>>) target(%dma_start3A_154 : memref<64x128xf32, #tpu.memory_space<vmem>>) target_semaphore(%arg15 : memref<!tpu.dma_semaphore, #tpu.memory_space<semaphore_mem>>)
    } else {
    }
    %broadcast_in_dim3A = arith.constant 0 : i32
    %broadcast_in_dim3A_23 = vector.broadcast %broadcast_in_dim3A : i32 to vector<16xi32>
    %swap3A = arith.constant 0 : index
    %swap3A_24 = tpu.vector_load %arg8[%swap3A] {strides = array<i32>} : memref<256xi32, #tpu.memory_space<vmem>>, vector<16xi32>,
    tpu.vector_store %arg8[%swap3A], %broadcast_in_dim3A_23 {strides = array<i32>} : memref<256xi32, #tpu.memory_space<vmem>>, vector<16xi32>,
    %broadcast_in_dim3A_25 = arith.constant 0 : i32
    %broadcast_in_dim3A_26 = vector.broadcast %broadcast_in_dim3A_25 : i32 to vector<16xi32>
    %swap3A_27 = arith.constant 16 : index
    %swap3A_28 = tpu.vector_load %arg8[%swap3A_27] {strides = array<i32>} : memref<256xi32, #tpu.memory_space<vmem>>, vector<16xi32>,
    tpu.vector_store %arg8[%swap3A_27], %broadcast_in_dim3A_26 {strides = array<i32>} : memref<256xi32, #tpu.memory_space<vmem>>, vector<16xi32>,
    %broadcast_in_dim3A_29 = arith.constant 0 : i32
    %broadcast_in_dim3A_30 = vector.broadcast %broadcast_in_dim3A_29 : i32 to vector<16xi32>
    %swap3A_31 = arith.constant 32 : index
    %swap3A_32 = tpu.vector_load %arg8[%swap3A_31] {strides = array<i32>} : memref<256xi32, #tpu.memory_space<vmem>>, vector<16xi32>,
    tpu.vector_store %arg8[%swap3A_31], %broadcast_in_dim3A_30 {strides = array<i32>} : memref<256xi32, #tpu.memory_space<vmem>>, vector<16xi32>,
    %broadcast_in_dim3A_33 = arith.constant 0 : i32
    %broadcast_in_dim3A_34 = vector.broadcast %broadcast_in_dim3A_33 : i32 to vector<16xi32>
    %swap3A_35 = arith.constant 48 : index
    %swap3A_36 = tpu.vector_load %arg8[%swap3A_35] {strides = array<i32>} : memref<256xi32, #tpu.memory_space<vmem>>, vector<16xi32>,
    tpu.vector_store %arg8[%swap3A_35], %broadcast_in_dim3A_34 {strides = array<i32>} : memref<256xi32, #tpu.memory_space<vmem>>, vector<16xi32>,
    %broadcast_in_dim3A_37 = arith.constant 0 : i32
    %broadcast_in_dim3A_38 = vector.broadcast %broadcast_in_dim3A_37 : i32 to vector<16xi32>
    %swap3A_39 = arith.constant 64 : index
    %swap3A_40 = tpu.vector_load %arg8[%swap3A_39] {strides = array<i32>} : memref<256xi32, #tpu.memory_space<vmem>>, vector<16xi32>,
    tpu.vector_store %arg8[%swap3A_39], %broadcast_in_dim3A_38 {strides = array<i32>} : memref<256xi32, #tpu.memory_space<vmem>>, vector<16xi32>,
    %broadcast_in_dim3A_41 = arith.constant 0 : i32
    %broadcast_in_dim3A_42 = vector.broadcast %broadcast_in_dim3A_41 : i32 to vector<16xi32>
    %swap3A_43 = arith.constant 80 : index
    %swap3A_44 = tpu.vector_load %arg8[%swap3A_43] {strides = array<i32>} : memref<256xi32, #tpu.memory_space<vmem>>, vector<16xi32>,
    tpu.vector_store %arg8[%swap3A_43], %broadcast_in_dim3A_42 {strides = array<i32>} : memref<256xi32, #tpu.memory_space<vmem>>, vector<16xi32>,
    %broadcast_in_dim3A_45 = arith.constant 0 : i32
    %broadcast_in_dim3A_46 = vector.broadcast %broadcast_in_dim3A_45 : i32 to vector<16xi32>
    %swap3A_47 = arith.constant 96 : index
    %swap3A_48 = tpu.vector_load %arg8[%swap3A_47] {strides = array<i32>} : memref<256xi32, #tpu.memory_space<vmem>>, vector<16xi32>,
    tpu.vector_store %arg8[%swap3A_47], %broadcast_in_dim3A_46 {strides = array<i32>} : memref<256xi32, #tpu.memory_space<vmem>>, vector<16xi32>,
    %broadcast_in_dim3A_49 = arith.constant 0 : i32
    %broadcast_in_dim3A_50 = vector.broadcast %broadcast_in_dim3A_49 : i32 to vector<16xi32>
    %swap3A_51 = arith.constant 112 : index
    %swap3A_52 = tpu.vector_load %arg8[%swap3A_51] {strides = array<i32>} : memref<256xi32, #tpu.memory_space<vmem>>, vector<16xi32>,
    tpu.vector_store %arg8[%swap3A_51], %broadcast_in_dim3A_50 {strides = array<i32>} : memref<256xi32, #tpu.memory_space<vmem>>, vector<16xi32>,
    %broadcast_in_dim3A_53 = arith.constant 0 : i32
    %broadcast_in_dim3A_54 = vector.broadcast %broadcast_in_dim3A_53 : i32 to vector<16xi32>
    %swap3A_55 = arith.constant 128 : index
    %swap3A_56 = tpu.vector_load %arg8[%swap3A_55] {strides = array<i32>} : memref<256xi32, #tpu.memory_space<vmem>>, vector<16xi32>,
    tpu.vector_store %arg8[%swap3A_55], %broadcast_in_dim3A_54 {strides = array<i32>} : memref<256xi32, #tpu.memory_space<vmem>>, vector<16xi32>,
    %broadcast_in_dim3A_57 = arith.constant 0 : i32
    %broadcast_in_dim3A_58 = vector.broadcast %broadcast_in_dim3A_57 : i32 to vector<16xi32>
    %swap3A_59 = arith.constant 144 : index
    %swap3A_60 = tpu.vector_load %arg8[%swap3A_59] {strides = array<i32>} : memref<256xi32, #tpu.memory_space<vmem>>, vector<16xi32>,
    tpu.vector_store %arg8[%swap3A_59], %broadcast_in_dim3A_58 {strides = array<i32>} : memref<256xi32, #tpu.memory_space<vmem>>, vector<16xi32>,
    %broadcast_in_dim3A_61 = arith.constant 0 : i32
    %broadcast_in_dim3A_62 = vector.broadcast %broadcast_in_dim3A_61 : i32 to vector<16xi32>
    %swap3A_63 = arith.constant 160 : index
    %swap3A_64 = tpu.vector_load %arg8[%swap3A_63] {strides = array<i32>} : memref<256xi32, #tpu.memory_space<vmem>>, vector<16xi32>,
    tpu.vector_store %arg8[%swap3A_63], %broadcast_in_dim3A_62 {strides = array<i32>} : memref<256xi32, #tpu.memory_space<vmem>>, vector<16xi32>,
    %broadcast_in_dim3A_65 = arith.constant 0 : i32
    %broadcast_in_dim3A_66 = vector.broadcast %broadcast_in_dim3A_65 : i32 to vector<16xi32>
    %swap3A_67 = arith.constant 176 : index
    %swap3A_68 = tpu.vector_load %arg8[%swap3A_67] {strides = array<i32>} : memref<256xi32, #tpu.memory_space<vmem>>, vector<16xi32>,
    tpu.vector_store %arg8[%swap3A_67], %broadcast_in_dim3A_66 {strides = array<i32>} : memref<256xi32, #tpu.memory_space<vmem>>, vector<16xi32>,
    %broadcast_in_dim3A_69 = arith.constant 0 : i32
    %broadcast_in_dim3A_70 = vector.broadcast %broadcast_in_dim3A_69 : i32 to vector<16xi32>
    %swap3A_71 = arith.constant 192 : index
    %swap3A_72 = tpu.vector_load %arg8[%swap3A_71] {strides = array<i32>} : memref<256xi32, #tpu.memory_space<vmem>>, vector<16xi32>,
    tpu.vector_store %arg8[%swap3A_71], %broadcast_in_dim3A_70 {strides = array<i32>} : memref<256xi32, #tpu.memory_space<vmem>>, vector<16xi32>,
    %broadcast_in_dim3A_73 = arith.constant 0 : i32
    %broadcast_in_dim3A_74 = vector.broadcast %broadcast_in_dim3A_73 : i32 to vector<16xi32>
    %swap3A_75 = arith.constant 208 : index
    %swap3A_76 = tpu.vector_load %arg8[%swap3A_75] {strides = array<i32>} : memref<256xi32, #tpu.memory_space<vmem>>, vector<16xi32>,
    tpu.vector_store %arg8[%swap3A_75], %broadcast_in_dim3A_74 {strides = array<i32>} : memref<256xi32, #tpu.memory_space<vmem>>, vector<16xi32>,
    %broadcast_in_dim3A_77 = arith.constant 0 : i32
    %broadcast_in_dim3A_78 = vector.broadcast %broadcast_in_dim3A_77 : i32 to vector<16xi32>
    %swap3A_79 = arith.constant 224 : index
    %swap3A_80 = tpu.vector_load %arg8[%swap3A_79] {strides = array<i32>} : memref<256xi32, #tpu.memory_space<vmem>>, vector<16xi32>,
    tpu.vector_store %arg8[%swap3A_79], %broadcast_in_dim3A_78 {strides = array<i32>} : memref<256xi32, #tpu.memory_space<vmem>>, vector<16xi32>,
    %broadcast_in_dim3A_81 = arith.constant 0 : i32
    %broadcast_in_dim3A_82 = vector.broadcast %broadcast_in_dim3A_81 : i32 to vector<16xi32>
    %swap3A_83 = arith.constant 240 : index
    %swap3A_84 = tpu.vector_load %arg8[%swap3A_83] {strides = array<i32>} : memref<256xi32, #tpu.memory_space<vmem>>, vector<16xi32>,
    tpu.vector_store %arg8[%swap3A_83], %broadcast_in_dim3A_82 {strides = array<i32>} : memref<256xi32, #tpu.memory_space<vmem>>, vector<16xi32>,
    %scan3A = arith.constant 0 : i32
    %scan3A_85 = arith.constant 0 : i32
    %scan3A_86 = arith.constant 1024 : i32
    %scan3A_87 = arith.addi %scan3A_85, %scan3A_86 : i32
    %scan3A_88 = arith.constant 1 : i32
    scf.for %scan3A_126 = %scan3A_85 to %scan3A_87 step %scan3A_88  : i32 {
      %mul3A_127 = arith.constant 16 : i32
      %mul3A_128 = arith.muli %scan3A_126, %mul3A_127 : i32
      %get3A = arith.index_cast %mul3A_128 : i32 to index
      %get3A_129 = tpu.vector_load %arg6[%get3A] {strides = array<i32>} : memref<16384xi32, #tpu.memory_space<vmem>>, vector<16xi32>,
      %shift_right_arithmetic3A = arith.constant 7 : i32
      %shift_right_arithmetic3A_130 = vector.broadcast %shift_right_arithmetic3A : i32 to vector<16xi32>
      %shift_right_arithmetic3A_131 = arith.shrsi %get3A_129, %shift_right_arithmetic3A_130 : vector<16xi32>
      %ge3A = vector.broadcast %mul3A_2 : i32 to vector<16xi32>
      %ge3A_132 = arith.cmpi sge, %shift_right_arithmetic3A_131, %ge3A : vector<16xi32>
      %lt3A = vector.broadcast %min3A_5 : i32 to vector<16xi32>
      %lt3A_133 = arith.cmpi slt, %shift_right_arithmetic3A_131, %lt3A : vector<16xi32>
      %and3A = arith.andi %ge3A_132, %lt3A_133 : vector<16xi1>
      %sub3A_134 = vector.broadcast %mul3A_2 : i32 to vector<16xi32>
      %sub3A_135 = arith.subi %shift_right_arithmetic3A_131, %sub3A_134 : vector<16xi32>
      %jit3A = arith.constant 255 : i32
      %broadcast_in_dim3A_136 = vector.broadcast %jit3A : i32 to vector<16xi32>
      %select_n3A = arith.select %and3A, %sub3A_135, %broadcast_in_dim3A_136 : vector<16xi1>, vector<16xi32>
      %min3A_137 = arith.constant 255 : i32
      %min3A_138 = vector.broadcast %min3A_137 : i32 to vector<16xi32>
      %min3A_139 = arith.minsi %select_n3A, %min3A_138 : vector<16xi32>
      %jit3A_140 = arith.constant 1 : i32
      %jit3A_141 = arith.constant 0 : i32
      %broadcast_in_dim3A_142 = vector.broadcast %jit3A_140 : i32 to vector<16xi32>
      %broadcast_in_dim3A_143 = vector.broadcast %jit3A_141 : i32 to vector<16xi32>
      %select_n3A_144 = arith.select %and3A, %broadcast_in_dim3A_142, %broadcast_in_dim3A_143 : vector<16xi1>, vector<16xi32>
      tpu.vector_store_idx %arg8[%min3A_139], %select_n3A_144 masked %and3A {add = true} : memref<256xi32, #tpu.memory_space<vmem>>[vector<16xi32>], vector<16xi32>, vector<16xi1>
    }
    %scan3A_89 = arith.constant 1024 : i32
    %scan3A_90 = arith.constant 0 : i32
    %scan3A_91 = arith.constant 0 : i32
    %scan3A_92 = arith.constant 16 : i32
    %scan3A_93 = arith.addi %scan3A_91, %scan3A_92 : i32
    %scan3A_94 = arith.constant 1 : i32
    %scan3A_95 = scf.for %scan3A_126 = %scan3A_91 to %scan3A_93 step %scan3A_94 iter_args(%scan3A_127 = %scan3A_90) -> (i32)  : i32 {
      %mul3A_128 = arith.constant 16 : i32
      %mul3A_129 = arith.muli %scan3A_126, %mul3A_128 : i32
      %get3A = arith.index_cast %mul3A_129 : i32 to index
      %get3A_130 = tpu.vector_load %arg8[%get3A] {strides = array<i32>} : memref<256xi32, #tpu.memory_space<vmem>>, vector<16xi32>,
      %broadcast_in_dim3A_131 = arith.constant true
      %broadcast_in_dim3A_132 = vector.broadcast %broadcast_in_dim3A_131 : i1 to vector<16xi1>
      %masked_cumsum3A = tpu.scan <sum>, %get3A_130 masked %broadcast_in_dim3A_132 : vector<16xi32>, vector<16xi1> -> vector<16xi32>
      %add3A_133 = vector.broadcast %scan3A_127 : i32 to vector<16xi32>
      %add3A_134 = arith.addi %add3A_133, %masked_cumsum3A : vector<16xi32>
      %sub3A_135 = arith.subi %add3A_134, %get3A_130 : vector<16xi32>
      %mul3A_136 = arith.constant 16 : i32
      %mul3A_137 = arith.muli %scan3A_126, %mul3A_136 : i32
      %swap3A_138 = arith.index_cast %mul3A_137 : i32 to index
      %swap3A_139 = tpu.vector_load %arg9[%swap3A_138] {strides = array<i32>} : memref<256xi32, #tpu.memory_space<vmem>>, vector<16xi32>,
      tpu.vector_store %arg9[%swap3A_138], %sub3A_135 {strides = array<i32>} : memref<256xi32, #tpu.memory_space<vmem>>, vector<16xi32>,
      %mul3A_140 = arith.constant 16 : i32
      %mul3A_141 = arith.muli %scan3A_126, %mul3A_140 : i32
      %swap3A_142 = arith.index_cast %mul3A_141 : i32 to index
      %swap3A_143 = tpu.vector_load %arg10[%swap3A_142] {strides = array<i32>} : memref<256xi32, #tpu.memory_space<vmem>>, vector<16xi32>,
      tpu.vector_store %arg10[%swap3A_142], %sub3A_135 {strides = array<i32>} : memref<256xi32, #tpu.memory_space<vmem>>, vector<16xi32>,
      %eq3A = arith.constant 15 : i32
      %eq3A_144 = vector.broadcast %eq3A : i32 to vector<16xi32>
      %eq3A_145 = arith.cmpi eq, %iota3A, %eq3A_144 : vector<16xi32>
      %jit3A = arith.constant 0 : i32
      %broadcast_in_dim3A_146 = vector.broadcast %jit3A : i32 to vector<16xi32>
      %select_n3A = arith.select %eq3A_145, %masked_cumsum3A, %broadcast_in_dim3A_146 : vector<16xi1>, vector<16xi32>
      %reduce_sum3A = arith.constant true
      %reduce_sum3A_147 = vector.broadcast %reduce_sum3A : i1 to vector<16xi1>
      %reduce_sum3A_148 = tpu.scan <sum>, %select_n3A masked %reduce_sum3A_147 : vector<16xi32>, vector<16xi1> -> vector<16xi32>
      %reduce_sum3A_149 = vector.extract %reduce_sum3A_148[15] : i32 from vector<16xi32>
      %add3A_150 = arith.addi %scan3A_127, %reduce_sum3A_149 : i32
      scf.yield %add3A_150 : i32
    }
    %scan3A_96 = arith.constant 16 : i32
    %scan3A_97 = arith.constant 0 : i32
    %scan3A_98 = arith.constant 0 : i32
    %scan3A_99 = arith.constant 1024 : i32
    %scan3A_100 = arith.addi %scan3A_98, %scan3A_99 : i32
    %scan3A_101 = arith.constant 1 : i32
    scf.for %scan3A_126 = %scan3A_98 to %scan3A_100 step %scan3A_101  : i32 {
      %mul3A_127 = arith.constant 16 : i32
      %mul3A_128 = arith.muli %scan3A_126, %mul3A_127 : i32
      %get3A = arith.index_cast %mul3A_128 : i32 to index
      %get3A_129 = tpu.vector_load %arg6[%get3A] {strides = array<i32>} : memref<16384xi32, #tpu.memory_space<vmem>>, vector<16xi32>,
      %shift_right_arithmetic3A = arith.constant 7 : i32
      %shift_right_arithmetic3A_130 = vector.broadcast %shift_right_arithmetic3A : i32 to vector<16xi32>
      %shift_right_arithmetic3A_131 = arith.shrsi %get3A_129, %shift_right_arithmetic3A_130 : vector<16xi32>
      %ge3A = vector.broadcast %mul3A_2 : i32 to vector<16xi32>
      %ge3A_132 = arith.cmpi sge, %shift_right_arithmetic3A_131, %ge3A : vector<16xi32>
      %lt3A = vector.broadcast %min3A_5 : i32 to vector<16xi32>
      %lt3A_133 = arith.cmpi slt, %shift_right_arithmetic3A_131, %lt3A : vector<16xi32>
      %and3A = arith.andi %ge3A_132, %lt3A_133 : vector<16xi1>
      %jit3A = arith.constant 2147483647 : i32
      %broadcast_in_dim3A_134 = vector.broadcast %jit3A : i32 to vector<16xi32>
      %select_n3A = arith.select %and3A, %shift_right_arithmetic3A_131, %broadcast_in_dim3A_134 : vector<16xi1>, vector<16xi32>
      %mul3A_135 = arith.constant 16 : i32
      %mul3A_136 = arith.muli %scan3A_126, %mul3A_135 : i32
      %add3A_137 = vector.broadcast %mul3A_136 : i32 to vector<16xi32>
      %add3A_138 = arith.addi %add3A_137, %iota3A : vector<16xi32>
      %shift_left3A = arith.constant 7 : i32
      %shift_left3A_139 = vector.broadcast %shift_left3A : i32 to vector<16xi32>
      %shift_left3A_140 = arith.shli %add3A_138, %shift_left3A_139 : vector<16xi32>
      %and3A_141 = arith.constant 127 : i32
      %and3A_142 = vector.broadcast %and3A_141 : i32 to vector<16xi32>
      %and3A_143 = arith.andi %get3A_129, %and3A_142 : vector<16xi32>
      %or3A = arith.ori %shift_left3A_140, %and3A_143 : vector<16xi32>
      %masked_sort3A = arith.constant dense<true> : vector<16xi1>
      %masked_sort3A_144 = arith.constant -2147483648 : i32
      %masked_sort3A_145 = vector.broadcast %masked_sort3A_144 : i32 to vector<16xi32>
      %masked_sort3A_146 = arith.xori %select_n3A, %masked_sort3A_145 : vector<16xi32>
      %masked_sort3A_147, %masked_sort3A_148, %masked_sort3A_149 = tpu.sort %masked_sort3A_146, %or3A masked %masked_sort3A : (vector<16xi32>, vector<16xi32>, vector<16xi1>) -> (vector<16xi1>, vector<16xi32>, vector<16xi32>)
      %masked_sort3A_150 = arith.xori %masked_sort3A_148, %masked_sort3A_145 : vector<16xi32>
      %lt3A_151 = arith.constant 2147483647 : i32
      %lt3A_152 = vector.broadcast %lt3A_151 : i32 to vector<16xi32>
      %lt3A_153 = arith.cmpi slt, %masked_sort3A_150, %lt3A_152 : vector<16xi32>
      %sub3A_154 = vector.broadcast %mul3A_2 : i32 to vector<16xi32>
      %sub3A_155 = arith.subi %masked_sort3A_150, %sub3A_154 : vector<16xi32>
      %jit3A_156 = arith.constant 255 : i32
      %broadcast_in_dim3A_157 = vector.broadcast %jit3A_156 : i32 to vector<16xi32>
      %select_n3A_158 = arith.select %lt3A_153, %sub3A_155, %broadcast_in_dim3A_157 : vector<16xi1>, vector<16xi32>
      %min3A_159 = arith.constant 255 : i32
      %min3A_160 = vector.broadcast %min3A_159 : i32 to vector<16xi32>
      %min3A_161 = arith.minsi %select_n3A_158, %min3A_160 : vector<16xi32>
      %swap3A_162 = arith.constant 1 : index
      %swap3A_163 = tpu.vector_load %arg11[%swap3A_162] {strides = array<i32>} : memref<17xi32, #tpu.memory_space<vmem>>, vector<16xi32>,
      tpu.vector_store %arg11[%swap3A_162], %masked_sort3A_150 {strides = array<i32>} : memref<17xi32, #tpu.memory_space<vmem>>, vector<16xi32>,
      %get3A_164 = arith.constant 0 : index
      %get3A_165 = tpu.vector_load %arg11[%get3A_164] {strides = array<i32>} : memref<17xi32, #tpu.memory_space<vmem>>, vector<16xi32>,
      %ne3A = arith.cmpi ne, %masked_sort3A_150, %get3A_165 : vector<16xi32>
      %eq3A = arith.constant 0 : i32
      %eq3A_166 = vector.broadcast %eq3A : i32 to vector<16xi32>
      %eq3A_167 = arith.cmpi eq, %iota3A, %eq3A_166 : vector<16xi32>
      %or3A_168 = arith.ori %ne3A, %eq3A_167 : vector<16xi1>
      %jit3A_169 = arith.constant 0 : i32
      %broadcast_in_dim3A_170 = vector.broadcast %jit3A_169 : i32 to vector<16xi32>
      %select_n3A_171 = arith.select %or3A_168, %iota3A, %broadcast_in_dim3A_170 : vector<16xi1>, vector<16xi32>
      %broadcast_in_dim3A_172 = arith.constant true
      %broadcast_in_dim3A_173 = vector.broadcast %broadcast_in_dim3A_172 : i1 to vector<16xi1>
      %masked_cummax3A = arith.constant -2147483648 : i32
      %masked_cummax3A_174 = vector.broadcast %masked_cummax3A : i32 to vector<16xi32>
      %masked_cummax3A_175 = arith.xori %select_n3A_171, %masked_cummax3A_174 : vector<16xi32>
      %masked_cummax3A_176 = tpu.scan <max>, %masked_cummax3A_175 masked %broadcast_in_dim3A_173 : vector<16xi32>, vector<16xi1> -> vector<16xi32>
      %masked_cummax3A_177 = arith.xori %masked_cummax3A_176, %masked_cummax3A_174 : vector<16xi32>
      %sub3A_178 = arith.subi %iota3A, %masked_cummax3A_177 : vector<16xi32>
      %gather3A = tpu.vector_load_idx %arg10[%min3A_161] : memref<256xi32, #tpu.memory_space<vmem>>[vector<16xi32>], vector<16xi32>,
      %add3A_179 = arith.addi %gather3A, %sub3A_178 : vector<16xi32>
      tpu.vector_store_idx %arg7[%add3A_179], %masked_sort3A_149 masked %lt3A_153 : memref<16400xi32, #tpu.memory_space<vmem>>[vector<16xi32>], vector<16xi32>, vector<16xi1>
      %jit3A_180 = arith.constant 1 : i32
      %jit3A_181 = arith.constant 0 : i32
      %broadcast_in_dim3A_182 = vector.broadcast %jit3A_180 : i32 to vector<16xi32>
      %broadcast_in_dim3A_183 = vector.broadcast %jit3A_181 : i32 to vector<16xi32>
      %select_n3A_184 = arith.select %lt3A_153, %broadcast_in_dim3A_182, %broadcast_in_dim3A_183 : vector<16xi1>, vector<16xi32>
      tpu.vector_store_idx %arg10[%min3A_161], %select_n3A_184 masked %lt3A_153 {add = true} : memref<256xi32, #tpu.memory_space<vmem>>[vector<16xi32>], vector<16xi32>, vector<16xi1>
    }
    %scan3A_102 = arith.constant 1024 : i32
    %while3A = arith.constant 0 : i32
    %while3A_103 = arith.constant 0 : i32
    %while3A_104 = arith.subi %sub3A, %while3A : i32
    %while3A_105 = arith.addi %while3A, %while3A_104 : i32
    %while3A_106 = arith.constant 1 : i32
    %while3A_107 = arith.divsi %while3A_104, %while3A_106 : i32
    %while3A_108 = arith.muli %while3A_107, %while3A_106 : i32
    %while3A_109 = arith.addi %while3A, %while3A_108 : i32
    %while3A_110 = arith.constant 1 : i32
    %while3A_111 = scf.for %while3A_126 = %while3A to %while3A_109 step %while3A_110 iter_args(%while3A_127 = %while3A_103) -> (i32)  : i32 {
      %shift_right_arithmetic3A = arith.constant 4 : i32
      %shift_right_arithmetic3A_128 = arith.shrsi %while3A_126, %shift_right_arithmetic3A : i32
      %shift_left3A = arith.constant 4 : i32
      %shift_left3A_129 = arith.shli %shift_right_arithmetic3A_128, %shift_left3A : i32
      %get3A = arith.index_cast %shift_left3A_129 : i32 to index
      %get3A_130 = tpu.vector_load %arg8[%get3A] {strides = array<i32>} : memref<256xi32, #tpu.memory_space<vmem>>, vector<16xi32>,
      %and3A = arith.constant 15 : i32
      %and3A_131 = arith.andi %while3A_126, %and3A : i32
      %eq3A = vector.broadcast %and3A_131 : i32 to vector<16xi32>
      %eq3A_132 = arith.cmpi eq, %iota3A, %eq3A : vector<16xi32>
      %jit3A = arith.constant 0 : i32
      %broadcast_in_dim3A_133 = vector.broadcast %jit3A : i32 to vector<16xi32>
      %select_n3A = arith.select %eq3A_132, %get3A_130, %broadcast_in_dim3A_133 : vector<16xi1>, vector<16xi32>
      %reduce_sum3A = arith.constant true
      %reduce_sum3A_134 = vector.broadcast %reduce_sum3A : i1 to vector<16xi1>
      %reduce_sum3A_135 = tpu.scan <sum>, %select_n3A masked %reduce_sum3A_134 : vector<16xi32>, vector<16xi1> -> vector<16xi32>
      %reduce_sum3A_136 = vector.extract %reduce_sum3A_135[15] : i32 from vector<16xi32>
      %add3A_137 = arith.constant 5 : i32
      %add3A_138 = arith.addi %while3A_126, %add3A_137 : i32
      %sub3A_139 = arith.constant 1 : i32
      %sub3A_140 = arith.subi %add3A_138, %sub3A_139 : i32
      %lt3A = arith.cmpi slt, %sub3A_140, %sub3A : i32
      %convert_element_type3A_141 = arith.extui %lt3A : i1 to i32
      %cond3A_142 = arith.constant 0 : i32
      %cond3A_143 = arith.cmpi ne, %convert_element_type3A_141, %cond3A_142 : i32
      scf.if %cond3A_143 {
        %add3A_158 = arith.constant 5 : i32
        %add3A_159 = arith.addi %while3A_126, %add3A_158 : i32
        %sub3A_160 = arith.constant 1 : i32
        %sub3A_161 = arith.subi %add3A_159, %sub3A_160 : i32
        %shift_right_arithmetic3A_162 = arith.constant 4 : i32
        %shift_right_arithmetic3A_163 = arith.shrsi %sub3A_161, %shift_right_arithmetic3A_162 : i32
        %shift_left3A_164 = arith.constant 4 : i32
        %shift_left3A_165 = arith.shli %shift_right_arithmetic3A_163, %shift_left3A_164 : i32
        %get3A_166 = arith.index_cast %shift_left3A_165 : i32 to index
        %get3A_167 = tpu.vector_load %arg8[%get3A_166] {strides = array<i32>} : memref<256xi32, #tpu.memory_space<vmem>>, vector<16xi32>,
        %and3A_168 = arith.constant 15 : i32
        %and3A_169 = arith.andi %sub3A_161, %and3A_168 : i32
        %eq3A_170 = vector.broadcast %and3A_169 : i32 to vector<16xi32>
        %eq3A_171 = arith.cmpi eq, %iota3A, %eq3A_170 : vector<16xi32>
        %jit3A_172 = arith.constant 0 : i32
        %broadcast_in_dim3A_173 = vector.broadcast %jit3A_172 : i32 to vector<16xi32>
        %select_n3A_174 = arith.select %eq3A_171, %get3A_167, %broadcast_in_dim3A_173 : vector<16xi1>, vector<16xi32>
        %reduce_sum3A_175 = arith.constant true
        %reduce_sum3A_176 = vector.broadcast %reduce_sum3A_175 : i1 to vector<16xi1>
        %reduce_sum3A_177 = tpu.scan <sum>, %select_n3A_174 masked %reduce_sum3A_176 : vector<16xi32>, vector<16xi1> -> vector<16xi32>
        %reduce_sum3A_178 = vector.extract %reduce_sum3A_177[15] : i32 from vector<16xi32>
        %gt3A_179 = arith.constant 0 : i32
        %gt3A_180 = arith.cmpi sgt, %reduce_sum3A_178, %gt3A_179 : i32
        %convert_element_type3A_181 = arith.extui %gt3A_180 : i1 to i32
        %cond3A_182 = arith.constant 0 : i32
        %cond3A_183 = arith.cmpi ne, %convert_element_type3A_181, %cond3A_182 : i32
        scf.if %cond3A_183 {
          %jit3A_184 = arith.constant 5 : i32
          %eq3A_185 = arith.constant 0 : i32
          %eq3A_186 = arith.cmpi eq, %jit3A_184, %eq3A_185 : i32
          %jit3A_187 = arith.constant 1 : i32
          %select_n3A_188 = arith.select %eq3A_186, %jit3A_187, %jit3A_184 : i32
          %rem3A = arith.remsi %sub3A_161, %select_n3A_188 : i32
          %ne3A = arith.constant 0 : i32
          %ne3A_189 = arith.cmpi ne, %rem3A, %ne3A : i32
          %lt3A_190 = arith.constant 0 : i32
          %lt3A_191 = arith.cmpi slt, %rem3A, %lt3A_190 : i32
          %lt3A_192 = arith.constant 0 : i32
          %lt3A_193 = arith.cmpi slt, %select_n3A_188, %lt3A_192 : i32
          %ne3A_194 = arith.xori %lt3A_191, %lt3A_193 : i1
          %and3A_195 = arith.andi %ne3A_194, %ne3A_189 : i1
          %add3A_196 = arith.addi %rem3A, %select_n3A_188 : i32
          %select_n3A_197 = arith.select %and3A_195, %add3A_196, %rem3A : i32
          %add3A_198 = arith.addi %mul3A_2, %sub3A_161 : i32
          %mul3A_199 = arith.constant 128 : i32
          %mul3A_200 = arith.muli %add3A_198, %mul3A_199 : i32
          %min3A_201 = arith.constant 999872 : i32
          %min3A_202 = arith.minsi %mul3A_200, %min3A_201 : i32
          %multiple_of3A = tpu.assume_multiple %min3A_202, 128 : i32
          %dma_start3A = arith.constant 0 : i32
          %dma_start3A_203 = arith.constant 0 : i32
          %dma_start3A_204 = tpu.memref_slice %arg12[%select_n3A_197, %dma_start3A, %dma_start3A_203] : memref<5x64x128xf32, #tpu.memory_space<vmem>> -> memref<1x64x128xf32, #tpu.memory_space<vmem>>
          %dma_start3A_205 = tpu.memref_squeeze %dma_start3A_204 : memref<1x64x128xf32, #tpu.memory_space<vmem>> -> memref<64x128xf32, #tpu.memory_space<vmem>>
          %dma_start3A_206 = arith.constant 0 : i32
          %dma_start3A_207 = tpu.memref_slice %arg3[%dma_start3A_206, %multiple_of3A] : memref<64x1000000xf32, #tpu.memory_space<hbm>> -> memref<64x128xf32, #tpu.memory_space<hbm>>
          %dma_start3A_208 = arith.constant 0 : i32
          %dma_start3A_209 = arith.constant 0 : i32
          %dma_start3A_210 = tpu.memref_slice %arg12[%select_n3A_197, %dma_start3A_208, %dma_start3A_209] : memref<5x64x128xf32, #tpu.memory_space<vmem>> -> memref<1x64x128xf32, #tpu.memory_space<vmem>>
          %dma_start3A_211 = tpu.memref_squeeze %dma_start3A_210 : memref<1x64x128xf32, #tpu.memory_space<vmem>> -> memref<64x128xf32, #tpu.memory_space<vmem>>
          %dma_start3A_212 = arith.constant 0 : i32
          %dma_start3A_213 = tpu.memref_slice %arg3[%dma_start3A_212, %multiple_of3A] : memref<64x1000000xf32, #tpu.memory_space<hbm>> -> memref<64x128xf32, #tpu.memory_space<hbm>>
          tpu.enqueue_dma source(%dma_start3A_213 : memref<64x128xf32, #tpu.memory_space<hbm>>) target(%dma_start3A_211 : memref<64x128xf32, #tpu.memory_space<vmem>>) target_semaphore(%arg15 : memref<!tpu.dma_semaphore, #tpu.memory_space<semaphore_mem>>)
          %dma_start3A_214 = arith.constant 0 : i32
          %dma_start3A_215 = arith.constant 0 : i32
          %dma_start3A_216 = tpu.memref_slice %arg13[%select_n3A_197, %dma_start3A_214, %dma_start3A_215] : memref<5x64x128xf32, #tpu.memory_space<vmem>> -> memref<1x64x128xf32, #tpu.memory_space<vmem>>
          %dma_start3A_217 = tpu.memref_squeeze %dma_start3A_216 : memref<1x64x128xf32, #tpu.memory_space<vmem>> -> memref<64x128xf32, #tpu.memory_space<vmem>>
          %dma_start3A_218 = arith.constant 0 : i32
          %dma_start3A_219 = tpu.memref_slice %arg4[%dma_start3A_218, %multiple_of3A] : memref<64x1000000xf32, #tpu.memory_space<hbm>> -> memref<64x128xf32, #tpu.memory_space<hbm>>
          %dma_start3A_220 = arith.constant 0 : i32
          %dma_start3A_221 = arith.constant 0 : i32
          %dma_start3A_222 = tpu.memref_slice %arg13[%select_n3A_197, %dma_start3A_220, %dma_start3A_221] : memref<5x64x128xf32, #tpu.memory_space<vmem>> -> memref<1x64x128xf32, #tpu.memory_space<vmem>>
          %dma_start3A_223 = tpu.memref_squeeze %dma_start3A_222 : memref<1x64x128xf32, #tpu.memory_space<vmem>> -> memref<64x128xf32, #tpu.memory_space<vmem>>
          %dma_start3A_224 = arith.constant 0 : i32
          %dma_start3A_225 = tpu.memref_slice %arg4[%dma_start3A_224, %multiple_of3A] : memref<64x1000000xf32, #tpu.memory_space<hbm>> -> memref<64x128xf32, #tpu.memory_space<hbm>>
          tpu.enqueue_dma source(%dma_start3A_225 : memref<64x128xf32, #tpu.memory_space<hbm>>) target(%dma_start3A_223 : memref<64x128xf32, #tpu.memory_space<vmem>>) target_semaphore(%arg15 : memref<!tpu.dma_semaphore, #tpu.memory_space<semaphore_mem>>)
        } else {
        }
      } else {
      }
      %lt3A_144 = arith.constant 4 : i32
      %lt3A_145 = arith.cmpi slt, %while3A_126, %lt3A_144 : i32
      %eq3A_146 = arith.constant 0 : i32
      %eq3A_147 = arith.cmpi eq, %reduce_sum3A_136, %eq3A_146 : i32
      %and3A_148 = arith.andi %lt3A_145, %eq3A_147 : i1
      %convert_element_type3A_149 = arith.extui %and3A_148 : i1 to i32
      %cond3A_150 = arith.constant 0 : i32
      %cond3A_151 = arith.cmpi ne, %convert_element_type3A_149, %cond3A_150 : i32
      scf.if %cond3A_151 {
        %jit3A_158 = arith.constant 5 : i32
        %eq3A_159 = arith.constant 0 : i32
        %eq3A_160 = arith.cmpi eq, %jit3A_158, %eq3A_159 : i32
        %jit3A_161 = arith.constant 1 : i32
        %select_n3A_162 = arith.select %eq3A_160, %jit3A_161, %jit3A_158 : i32
        %rem3A = arith.remsi %while3A_126, %select_n3A_162 : i32
        %ne3A = arith.constant 0 : i32
        %ne3A_163 = arith.cmpi ne, %rem3A, %ne3A : i32
        %lt3A_164 = arith.constant 0 : i32
        %lt3A_165 = arith.cmpi slt, %rem3A, %lt3A_164 : i32
        %lt3A_166 = arith.constant 0 : i32
        %lt3A_167 = arith.cmpi slt, %select_n3A_162, %lt3A_166 : i32
        %ne3A_168 = arith.xori %lt3A_165, %lt3A_167 : i1
        %and3A_169 = arith.andi %ne3A_168, %ne3A_163 : i1
        %add3A_170 = arith.addi %rem3A, %select_n3A_162 : i32
        %select_n3A_171 = arith.select %and3A_169, %add3A_170, %rem3A : i32
        %add3A_172 = arith.addi %mul3A_2, %while3A_126 : i32
        %mul3A_173 = arith.constant 128 : i32
        %mul3A_174 = arith.muli %add3A_172, %mul3A_173 : i32
        %min3A_175 = arith.constant 999872 : i32
        %min3A_176 = arith.minsi %mul3A_174, %min3A_175 : i32
        %multiple_of3A = tpu.assume_multiple %min3A_176, 128 : i32
        %dma_wait3A = arith.constant 0 : i32
        %dma_wait3A_177 = arith.constant 0 : i32
        %dma_wait3A_178 = tpu.memref_slice %arg12[%select_n3A_171, %dma_wait3A, %dma_wait3A_177] : memref<5x64x128xf32, #tpu.memory_space<vmem>> -> memref<1x64x128xf32, #tpu.memory_space<vmem>>
        %dma_wait3A_179 = tpu.memref_squeeze %dma_wait3A_178 : memref<1x64x128xf32, #tpu.memory_space<vmem>> -> memref<64x128xf32, #tpu.memory_space<vmem>>
        %dma_wait3A_180 = arith.constant 0 : i32
        %dma_wait3A_181 = tpu.memref_slice %arg3[%dma_wait3A_180, %multiple_of3A] : memref<64x1000000xf32, #tpu.memory_space<hbm>> -> memref<64x128xf32, #tpu.memory_space<hbm>>
        %dma_wait3A_182 = arith.constant 0 : i32
        %dma_wait3A_183 = arith.constant 0 : i32
        %dma_wait3A_184 = tpu.memref_slice %arg12[%select_n3A_171, %dma_wait3A_182, %dma_wait3A_183] : memref<5x64x128xf32, #tpu.memory_space<vmem>> -> memref<1x64x128xf32, #tpu.memory_space<vmem>>
        %dma_wait3A_185 = tpu.memref_squeeze %dma_wait3A_184 : memref<1x64x128xf32, #tpu.memory_space<vmem>> -> memref<64x128xf32, #tpu.memory_space<vmem>>
        %dma_wait3A_186 = arith.constant 0 : i32
        %dma_wait3A_187 = tpu.memref_slice %arg3[%dma_wait3A_186, %multiple_of3A] : memref<64x1000000xf32, #tpu.memory_space<hbm>> -> memref<64x128xf32, #tpu.memory_space<hbm>>
        tpu.wait_dma2 semaphore(%arg15 : memref<!tpu.dma_semaphore, #tpu.memory_space<semaphore_mem>>) src(%dma_wait3A_187 : memref<64x128xf32, #tpu.memory_space<hbm>>) dst(%dma_wait3A_185 : memref<64x128xf32, #tpu.memory_space<vmem>>)
        %dma_wait3A_188 = arith.constant 0 : i32
        %dma_wait3A_189 = arith.constant 0 : i32
        %dma_wait3A_190 = tpu.memref_slice %arg13[%select_n3A_171, %dma_wait3A_188, %dma_wait3A_189] : memref<5x64x128xf32, #tpu.memory_space<vmem>> -> memref<1x64x128xf32, #tpu.memory_space<vmem>>
        %dma_wait3A_191 = tpu.memref_squeeze %dma_wait3A_190 : memref<1x64x128xf32, #tpu.memory_space<vmem>> -> memref<64x128xf32, #tpu.memory_space<vmem>>
        %dma_wait3A_192 = arith.constant 0 : i32
        %dma_wait3A_193 = tpu.memref_slice %arg4[%dma_wait3A_192, %multiple_of3A] : memref<64x1000000xf32, #tpu.memory_space<hbm>> -> memref<64x128xf32, #tpu.memory_space<hbm>>
        %dma_wait3A_194 = arith.constant 0 : i32
        %dma_wait3A_195 = arith.constant 0 : i32
        %dma_wait3A_196 = tpu.memref_slice %arg13[%select_n3A_171, %dma_wait3A_194, %dma_wait3A_195] : memref<5x64x128xf32, #tpu.memory_space<vmem>> -> memref<1x64x128xf32, #tpu.memory_space<vmem>>
        %dma_wait3A_197 = tpu.memref_squeeze %dma_wait3A_196 : memref<1x64x128xf32, #tpu.memory_space<vmem>> -> memref<64x128xf32, #tpu.memory_space<vmem>>
        %dma_wait3A_198 = arith.constant 0 : i32
        %dma_wait3A_199 = tpu.memref_slice %arg4[%dma_wait3A_198, %multiple_of3A] : memref<64x1000000xf32, #tpu.memory_space<hbm>> -> memref<64x128xf32, #tpu.memory_space<hbm>>
        tpu.wait_dma2 semaphore(%arg15 : memref<!tpu.dma_semaphore, #tpu.memory_space<semaphore_mem>>) src(%dma_wait3A_199 : memref<64x128xf32, #tpu.memory_space<hbm>>) dst(%dma_wait3A_197 : memref<64x128xf32, #tpu.memory_space<vmem>>)
      } else {
      }
      %gt3A_152 = arith.constant 0 : i32
      %gt3A_153 = arith.cmpi sgt, %reduce_sum3A_136, %gt3A_152 : i32
      %convert_element_type3A_154 = arith.extui %gt3A_153 : i1 to i32
      %cond3A_155 = arith.constant 0 : i32
      %cond3A_156 = arith.cmpi ne, %convert_element_type3A_154, %cond3A_155 : i32
      %cond3A_157 = scf.if %cond3A_156 -> (i32) {
        %jit3A_158 = arith.constant 5 : i32
        %eq3A_159 = arith.constant 0 : i32
        %eq3A_160 = arith.cmpi eq, %jit3A_158, %eq3A_159 : i32
        %jit3A_161 = arith.constant 1 : i32
        %select_n3A_162 = arith.select %eq3A_160, %jit3A_161, %jit3A_158 : i32
        %rem3A = arith.remsi %while3A_126, %select_n3A_162 : i32
        %ne3A = arith.constant 0 : i32
        %ne3A_163 = arith.cmpi ne, %rem3A, %ne3A : i32
        %lt3A_164 = arith.constant 0 : i32
        %lt3A_165 = arith.cmpi slt, %rem3A, %lt3A_164 : i32
        %lt3A_166 = arith.constant 0 : i32
        %lt3A_167 = arith.cmpi slt, %select_n3A_162, %lt3A_166 : i32
        %ne3A_168 = arith.xori %lt3A_165, %lt3A_167 : i1
        %and3A_169 = arith.andi %ne3A_168, %ne3A_163 : i1
        %add3A_170 = arith.addi %rem3A, %select_n3A_162 : i32
        %select_n3A_171 = arith.select %and3A_169, %add3A_170, %rem3A : i32
        %add3A_172 = arith.addi %mul3A_2, %while3A_126 : i32
        %mul3A_173 = arith.constant 128 : i32
        %mul3A_174 = arith.muli %add3A_172, %mul3A_173 : i32
        %min3A_175 = arith.constant 999872 : i32
        %min3A_176 = arith.minsi %mul3A_174, %min3A_175 : i32
        %multiple_of3A = tpu.assume_multiple %min3A_176, 128 : i32
        %add3A_177 = arith.addi %mul3A_2, %while3A_126 : i32
        %mul3A_178 = arith.constant 128 : i32
        %mul3A_179 = arith.muli %add3A_177, %mul3A_178 : i32
        %sub3A_180 = arith.subi %mul3A_179, %multiple_of3A : i32
        %dma_wait3A = arith.constant 0 : i32
        %dma_wait3A_181 = arith.constant 0 : i32
        %dma_wait3A_182 = tpu.memref_slice %arg12[%select_n3A_171, %dma_wait3A, %dma_wait3A_181] : memref<5x64x128xf32, #tpu.memory_space<vmem>> -> memref<1x64x128xf32, #tpu.memory_space<vmem>>
        %dma_wait3A_183 = tpu.memref_squeeze %dma_wait3A_182 : memref<1x64x128xf32, #tpu.memory_space<vmem>> -> memref<64x128xf32, #tpu.memory_space<vmem>>
        %dma_wait3A_184 = arith.constant 0 : i32
        %dma_wait3A_185 = tpu.memref_slice %arg3[%dma_wait3A_184, %multiple_of3A] : memref<64x1000000xf32, #tpu.memory_space<hbm>> -> memref<64x128xf32, #tpu.memory_space<hbm>>
        %dma_wait3A_186 = arith.constant 0 : i32
        %dma_wait3A_187 = arith.constant 0 : i32
        %dma_wait3A_188 = tpu.memref_slice %arg12[%select_n3A_171, %dma_wait3A_186, %dma_wait3A_187] : memref<5x64x128xf32, #tpu.memory_space<vmem>> -> memref<1x64x128xf32, #tpu.memory_space<vmem>>
        %dma_wait3A_189 = tpu.memref_squeeze %dma_wait3A_188 : memref<1x64x128xf32, #tpu.memory_space<vmem>> -> memref<64x128xf32, #tpu.memory_space<vmem>>
        %dma_wait3A_190 = arith.constant 0 : i32
        %dma_wait3A_191 = tpu.memref_slice %arg3[%dma_wait3A_190, %multiple_of3A] : memref<64x1000000xf32, #tpu.memory_space<hbm>> -> memref<64x128xf32, #tpu.memory_space<hbm>>
        tpu.wait_dma2 semaphore(%arg15 : memref<!tpu.dma_semaphore, #tpu.memory_space<semaphore_mem>>) src(%dma_wait3A_191 : memref<64x128xf32, #tpu.memory_space<hbm>>) dst(%dma_wait3A_189 : memref<64x128xf32, #tpu.memory_space<vmem>>)
        %dma_wait3A_192 = arith.constant 0 : i32
        %dma_wait3A_193 = arith.constant 0 : i32
        %dma_wait3A_194 = tpu.memref_slice %arg13[%select_n3A_171, %dma_wait3A_192, %dma_wait3A_193] : memref<5x64x128xf32, #tpu.memory_space<vmem>> -> memref<1x64x128xf32, #tpu.memory_space<vmem>>
        %dma_wait3A_195 = tpu.memref_squeeze %dma_wait3A_194 : memref<1x64x128xf32, #tpu.memory_space<vmem>> -> memref<64x128xf32, #tpu.memory_space<vmem>>
        %dma_wait3A_196 = arith.constant 0 : i32
        %dma_wait3A_197 = tpu.memref_slice %arg4[%dma_wait3A_196, %multiple_of3A] : memref<64x1000000xf32, #tpu.memory_space<hbm>> -> memref<64x128xf32, #tpu.memory_space<hbm>>
        %dma_wait3A_198 = arith.constant 0 : i32
        %dma_wait3A_199 = arith.constant 0 : i32
        %dma_wait3A_200 = tpu.memref_slice %arg13[%select_n3A_171, %dma_wait3A_198, %dma_wait3A_199] : memref<5x64x128xf32, #tpu.memory_space<vmem>> -> memref<1x64x128xf32, #tpu.memory_space<vmem>>
        %dma_wait3A_201 = tpu.memref_squeeze %dma_wait3A_200 : memref<1x64x128xf32, #tpu.memory_space<vmem>> -> memref<64x128xf32, #tpu.memory_space<vmem>>
        %dma_wait3A_202 = arith.constant 0 : i32
        %dma_wait3A_203 = tpu.memref_slice %arg4[%dma_wait3A_202, %multiple_of3A] : memref<64x1000000xf32, #tpu.memory_space<hbm>> -> memref<64x128xf32, #tpu.memory_space<hbm>>
        tpu.wait_dma2 semaphore(%arg15 : memref<!tpu.dma_semaphore, #tpu.memory_space<semaphore_mem>>) src(%dma_wait3A_203 : memref<64x128xf32, #tpu.memory_space<hbm>>) dst(%dma_wait3A_201 : memref<64x128xf32, #tpu.memory_space<vmem>>)
        %shift_right_arithmetic3A_204 = arith.constant 4 : i32
        %shift_right_arithmetic3A_205 = arith.shrsi %while3A_126, %shift_right_arithmetic3A_204 : i32
        %shift_left3A_206 = arith.constant 4 : i32
        %shift_left3A_207 = arith.shli %shift_right_arithmetic3A_205, %shift_left3A_206 : i32
        %get3A_208 = arith.index_cast %shift_left3A_207 : i32 to index
        %get3A_209 = tpu.vector_load %arg9[%get3A_208] {strides = array<i32>} : memref<256xi32, #tpu.memory_space<vmem>>, vector<16xi32>,
        %and3A_210 = arith.constant 15 : i32
        %and3A_211 = arith.andi %while3A_126, %and3A_210 : i32
        %eq3A_212 = vector.broadcast %and3A_211 : i32 to vector<16xi32>
        %eq3A_213 = arith.cmpi eq, %iota3A, %eq3A_212 : vector<16xi32>
        %jit3A_214 = arith.constant 0 : i32
        %broadcast_in_dim3A_215 = vector.broadcast %jit3A_214 : i32 to vector<16xi32>
        %select_n3A_216 = arith.select %eq3A_213, %get3A_209, %broadcast_in_dim3A_215 : vector<16xi1>, vector<16xi32>
        %reduce_sum3A_217 = arith.constant true
        %reduce_sum3A_218 = vector.broadcast %reduce_sum3A_217 : i1 to vector<16xi1>
        %reduce_sum3A_219 = tpu.scan <sum>, %select_n3A_216 masked %reduce_sum3A_218 : vector<16xi32>, vector<16xi1> -> vector<16xi32>
        %reduce_sum3A_220 = vector.extract %reduce_sum3A_219[15] : i32 from vector<16xi32>
        %while3A_221 = arith.constant 0 : i32
        %while3A_222 = arith.subi %reduce_sum3A_136, %while3A_221 : i32
        %while3A_223 = arith.addi %while3A_221, %while3A_222 : i32
        %while3A_224 = arith.constant 1 : i32
        %while3A_225 = arith.divsi %while3A_222, %while3A_224 : i32
        %while3A_226 = arith.muli %while3A_225, %while3A_224 : i32
        %while3A_227 = arith.addi %while3A_221, %while3A_226 : i32
        %while3A_228 = arith.constant 1 : i32
        %while3A_229 = scf.for %while3A_232 = %while3A_221 to %while3A_227 step %while3A_228 iter_args(%while3A_233 = %while3A_127) -> (i32)  : i32 {
          %add3A_234 = arith.addi %reduce_sum3A_220, %while3A_232 : i32
          %get3A_235 = arith.index_cast %add3A_234 : i32 to index
          %get3A_236 = tpu.vector_load %arg7[%get3A_235] {strides = array<i32>} : memref<16400xi32, #tpu.memory_space<vmem>>, vector<16xi32>,
          %eq3A_237 = arith.constant 0 : i32
          %eq3A_238 = vector.broadcast %eq3A_237 : i32 to vector<16xi32>
          %eq3A_239 = arith.cmpi eq, %iota3A, %eq3A_238 : vector<16xi32>
          %jit3A_240 = arith.constant 0 : i32
          %broadcast_in_dim3A_241 = vector.broadcast %jit3A_240 : i32 to vector<16xi32>
          %select_n3A_242 = arith.select %eq3A_239, %get3A_236, %broadcast_in_dim3A_241 : vector<16xi1>, vector<16xi32>
          %reduce_sum3A_243 = arith.constant true
          %reduce_sum3A_244 = vector.broadcast %reduce_sum3A_243 : i1 to vector<16xi1>
          %reduce_sum3A_245 = tpu.scan <sum>, %select_n3A_242 masked %reduce_sum3A_244 : vector<16xi32>, vector<16xi1> -> vector<16xi32>
          %reduce_sum3A_246 = vector.extract %reduce_sum3A_245[15] : i32 from vector<16xi32>
          %shift_right_arithmetic3A_247 = arith.constant 7 : i32
          %shift_right_arithmetic3A_248 = arith.shrsi %reduce_sum3A_246, %shift_right_arithmetic3A_247 : i32
          %and3A_249 = arith.constant 127 : i32
          %and3A_250 = arith.andi %reduce_sum3A_246, %and3A_249 : i32
          %add3A_251 = arith.addi %and3A_250, %sub3A_180 : i32
          %broadcast_in_dim3A_252 = vector.broadcast %add3A_251 : i32 to vector<16xi32>
          %jit3A_253 = arith.constant 8 : i32
          %eq3A_254 = arith.constant 0 : i32
          %eq3A_255 = arith.cmpi eq, %jit3A_253, %eq3A_254 : i32
          %jit3A_256 = arith.constant 1 : i32
          %select_n3A_257 = arith.select %eq3A_255, %jit3A_256, %jit3A_253 : i32
          %rem3A_258 = arith.remsi %while3A_233, %select_n3A_257 : i32
          %ne3A_259 = arith.constant 0 : i32
          %ne3A_260 = arith.cmpi ne, %rem3A_258, %ne3A_259 : i32
          %lt3A_261 = arith.constant 0 : i32
          %lt3A_262 = arith.cmpi slt, %rem3A_258, %lt3A_261 : i32
          %lt3A_263 = arith.constant 0 : i32
          %lt3A_264 = arith.cmpi slt, %select_n3A_257, %lt3A_263 : i32
          %ne3A_265 = arith.xori %lt3A_262, %lt3A_264 : i1
          %and3A_266 = arith.andi %ne3A_265, %ne3A_260 : i1
          %add3A_267 = arith.addi %rem3A_258, %select_n3A_257 : i32
          %select_n3A_268 = arith.select %and3A_266, %add3A_267, %rem3A_258 : i32
          %ge3A = arith.constant 8 : i32
          %ge3A_269 = arith.cmpi sge, %while3A_233, %ge3A : i32
          %convert_element_type3A_270 = arith.extui %ge3A_269 : i1 to i32
          %cond3A_271 = arith.constant 0 : i32
          %cond3A_272 = arith.cmpi ne, %convert_element_type3A_270, %cond3A_271 : i32
          scf.if %cond3A_272 {
            %dma_wait3A_360 = arith.constant 0 : i32
            %dma_wait3A_361 = arith.constant 0 : i32
            %dma_wait3A_362 = tpu.memref_slice %arg14[%dma_wait3A_360, %dma_wait3A_361] : memref<8x128xf32, #tpu.memory_space<vmem>> -> memref<1x128xf32, #tpu.memory_space<vmem>>
            %dma_wait3A_363 = tpu.memref_squeeze %dma_wait3A_362 : memref<1x128xf32, #tpu.memory_space<vmem>> -> memref<128xf32, #tpu.memory_space<vmem>>
            %dma_wait3A_364 = arith.constant 0 : i32
            %dma_wait3A_365 = tpu.memref_slice %arg5[%dma_wait3A_364] : memref<2097152xf32, #tpu.memory_space<hbm>> -> memref<128xf32, #tpu.memory_space<hbm>>
            %dma_wait3A_366 = arith.constant 0 : i32
            %dma_wait3A_367 = tpu.memref_slice %arg14[%dma_wait3A_360, %dma_wait3A_366] : memref<8x128xf32, #tpu.memory_space<vmem>> -> memref<1x128xf32, #tpu.memory_space<vmem>>
            %dma_wait3A_368 = tpu.memref_squeeze %dma_wait3A_367 : memref<1x128xf32, #tpu.memory_space<vmem>> -> memref<128xf32, #tpu.memory_space<vmem>>
            %dma_wait3A_369 = arith.constant 0 : i32
            %dma_wait3A_370 = tpu.memref_slice %arg5[%dma_wait3A_369] : memref<2097152xf32, #tpu.memory_space<hbm>> -> memref<128xf32, #tpu.memory_space<hbm>>
            tpu.wait_dma2 semaphore(%arg16 : memref<!tpu.dma_semaphore, #tpu.memory_space<semaphore_mem>>) src(%dma_wait3A_370 : memref<128xf32, #tpu.memory_space<hbm>>) dst(%dma_wait3A_368 : memref<128xf32, #tpu.memory_space<vmem>>)
          } else {
          }
          %add3A_273 = arith.constant 0 : i32
          %add3A_274 = vector.broadcast %add3A_273 : i32 to vector<16xi32>
          %add3A_275 = arith.addi %add3A_274, %iota3A : vector<16xi32>
          %gather3A = arith.constant 0 : i32
          %gather3A_276 = arith.constant 0 : i32
          %gather3A_277 = tpu.memref_slice %arg12[%select_n3A_171, %gather3A, %gather3A_276] : memref<5x64x128xf32, #tpu.memory_space<vmem>> -> memref<1x64x128xf32, #tpu.memory_space<vmem>>
          %gather3A_278 = tpu.memref_squeeze %gather3A_277 : memref<1x64x128xf32, #tpu.memory_space<vmem>> -> memref<64x128xf32, #tpu.memory_space<vmem>>
          %gather3A_279 = tpu.vector_load_idx %gather3A_278[%add3A_275, %broadcast_in_dim3A_252] : memref<64x128xf32, #tpu.memory_space<vmem>>[vector<16xi32>, vector<16xi32>], vector<16xf32>,
          %swap3A_280 = arith.index_cast %select_n3A_268 : i32 to index
          %swap3A_281 = arith.constant 0 : index
          %swap3A_282 = tpu.vector_load %arg14[%swap3A_280, %swap3A_281] {strides = array<i32>} : memref<8x128xf32, #tpu.memory_space<vmem>>, vector<16xf32>,
          tpu.vector_store %arg14[%swap3A_280, %swap3A_281], %gather3A_279 {strides = array<i32>} : memref<8x128xf32, #tpu.memory_space<vmem>>, vector<16xf32>,
          %gather3A_283 = arith.constant 0 : i32
          %gather3A_284 = arith.constant 0 : i32
          %gather3A_285 = tpu.memref_slice %arg13[%select_n3A_171, %gather3A_283, %gather3A_284] : memref<5x64x128xf32, #tpu.memory_space<vmem>> -> memref<1x64x128xf32, #tpu.memory_space<vmem>>
          %gather3A_286 = tpu.memref_squeeze %gather3A_285 : memref<1x64x128xf32, #tpu.memory_space<vmem>> -> memref<64x128xf32, #tpu.memory_space<vmem>>
          %gather3A_287 = tpu.vector_load_idx %gather3A_286[%add3A_275, %broadcast_in_dim3A_252] : memref<64x128xf32, #tpu.memory_space<vmem>>[vector<16xi32>, vector<16xi32>], vector<16xf32>,
          %swap3A_288 = arith.index_cast %select_n3A_268 : i32 to index
          %swap3A_289 = arith.constant 64 : index
          %swap3A_290 = tpu.vector_load %arg14[%swap3A_288, %swap3A_289] {strides = array<i32>} : memref<8x128xf32, #tpu.memory_space<vmem>>, vector<16xf32>,
          tpu.vector_store %arg14[%swap3A_288, %swap3A_289], %gather3A_287 {strides = array<i32>} : memref<8x128xf32, #tpu.memory_space<vmem>>, vector<16xf32>,
          %add3A_291 = arith.constant 16 : i32
          %add3A_292 = vector.broadcast %add3A_291 : i32 to vector<16xi32>
          %add3A_293 = arith.addi %add3A_292, %iota3A : vector<16xi32>
          %gather3A_294 = arith.constant 0 : i32
          %gather3A_295 = arith.constant 0 : i32
          %gather3A_296 = tpu.memref_slice %arg12[%select_n3A_171, %gather3A_294, %gather3A_295] : memref<5x64x128xf32, #tpu.memory_space<vmem>> -> memref<1x64x128xf32, #tpu.memory_space<vmem>>
          %gather3A_297 = tpu.memref_squeeze %gather3A_296 : memref<1x64x128xf32, #tpu.memory_space<vmem>> -> memref<64x128xf32, #tpu.memory_space<vmem>>
          %gather3A_298 = tpu.vector_load_idx %gather3A_297[%add3A_293, %broadcast_in_dim3A_252] : memref<64x128xf32, #tpu.memory_space<vmem>>[vector<16xi32>, vector<16xi32>], vector<16xf32>,
          %swap3A_299 = arith.index_cast %select_n3A_268 : i32 to index
          %swap3A_300 = arith.constant 16 : index
          %swap3A_301 = tpu.vector_load %arg14[%swap3A_299, %swap3A_300] {strides = array<i32>} : memref<8x128xf32, #tpu.memory_space<vmem>>, vector<16xf32>,
          tpu.vector_store %arg14[%swap3A_299, %swap3A_300], %gather3A_298 {strides = array<i32>} : memref<8x128xf32, #tpu.memory_space<vmem>>, vector<16xf32>,
          %gather3A_302 = arith.constant 0 : i32
          %gather3A_303 = arith.constant 0 : i32
          %gather3A_304 = tpu.memref_slice %arg13[%select_n3A_171, %gather3A_302, %gather3A_303] : memref<5x64x128xf32, #tpu.memory_space<vmem>> -> memref<1x64x128xf32, #tpu.memory_space<vmem>>
          %gather3A_305 = tpu.memref_squeeze %gather3A_304 : memref<1x64x128xf32, #tpu.memory_space<vmem>> -> memref<64x128xf32, #tpu.memory_space<vmem>>
          %gather3A_306 = tpu.vector_load_idx %gather3A_305[%add3A_293, %broadcast_in_dim3A_252] : memref<64x128xf32, #tpu.memory_space<vmem>>[vector<16xi32>, vector<16xi32>], vector<16xf32>,
          %swap3A_307 = arith.index_cast %select_n3A_268 : i32 to index
          %swap3A_308 = arith.constant 80 : index
          %swap3A_309 = tpu.vector_load %arg14[%swap3A_307, %swap3A_308] {strides = array<i32>} : memref<8x128xf32, #tpu.memory_space<vmem>>, vector<16xf32>,
          tpu.vector_store %arg14[%swap3A_307, %swap3A_308], %gather3A_306 {strides = array<i32>} : memref<8x128xf32, #tpu.memory_space<vmem>>, vector<16xf32>,
          %add3A_310 = arith.constant 32 : i32
          %add3A_311 = vector.broadcast %add3A_310 : i32 to vector<16xi32>
          %add3A_312 = arith.addi %add3A_311, %iota3A : vector<16xi32>
          %gather3A_313 = arith.constant 0 : i32
          %gather3A_314 = arith.constant 0 : i32
          %gather3A_315 = tpu.memref_slice %arg12[%select_n3A_171, %gather3A_313, %gather3A_314] : memref<5x64x128xf32, #tpu.memory_space<vmem>> -> memref<1x64x128xf32, #tpu.memory_space<vmem>>
          %gather3A_316 = tpu.memref_squeeze %gather3A_315 : memref<1x64x128xf32, #tpu.memory_space<vmem>> -> memref<64x128xf32, #tpu.memory_space<vmem>>
          %gather3A_317 = tpu.vector_load_idx %gather3A_316[%add3A_312, %broadcast_in_dim3A_252] : memref<64x128xf32, #tpu.memory_space<vmem>>[vector<16xi32>, vector<16xi32>], vector<16xf32>,
          %swap3A_318 = arith.index_cast %select_n3A_268 : i32 to index
          %swap3A_319 = arith.constant 32 : index
          %swap3A_320 = tpu.vector_load %arg14[%swap3A_318, %swap3A_319] {strides = array<i32>} : memref<8x128xf32, #tpu.memory_space<vmem>>, vector<16xf32>,
          tpu.vector_store %arg14[%swap3A_318, %swap3A_319], %gather3A_317 {strides = array<i32>} : memref<8x128xf32, #tpu.memory_space<vmem>>, vector<16xf32>,
          %gather3A_321 = arith.constant 0 : i32
          %gather3A_322 = arith.constant 0 : i32
          %gather3A_323 = tpu.memref_slice %arg13[%select_n3A_171, %gather3A_321, %gather3A_322] : memref<5x64x128xf32, #tpu.memory_space<vmem>> -> memref<1x64x128xf32, #tpu.memory_space<vmem>>
          %gather3A_324 = tpu.memref_squeeze %gather3A_323 : memref<1x64x128xf32, #tpu.memory_space<vmem>> -> memref<64x128xf32, #tpu.memory_space<vmem>>
          %gather3A_325 = tpu.vector_load_idx %gather3A_324[%add3A_312, %broadcast_in_dim3A_252] : memref<64x128xf32, #tpu.memory_space<vmem>>[vector<16xi32>, vector<16xi32>], vector<16xf32>,
          %swap3A_326 = arith.index_cast %select_n3A_268 : i32 to index
          %swap3A_327 = arith.constant 96 : index
          %swap3A_328 = tpu.vector_load %arg14[%swap3A_326, %swap3A_327] {strides = array<i32>} : memref<8x128xf32, #tpu.memory_space<vmem>>, vector<16xf32>,
          tpu.vector_store %arg14[%swap3A_326, %swap3A_327], %gather3A_325 {strides = array<i32>} : memref<8x128xf32, #tpu.memory_space<vmem>>, vector<16xf32>,
          %add3A_329 = arith.constant 48 : i32
          %add3A_330 = vector.broadcast %add3A_329 : i32 to vector<16xi32>
          %add3A_331 = arith.addi %add3A_330, %iota3A : vector<16xi32>
          %gather3A_332 = arith.constant 0 : i32
          %gather3A_333 = arith.constant 0 : i32
          %gather3A_334 = tpu.memref_slice %arg12[%select_n3A_171, %gather3A_332, %gather3A_333] : memref<5x64x128xf32, #tpu.memory_space<vmem>> -> memref<1x64x128xf32, #tpu.memory_space<vmem>>
          %gather3A_335 = tpu.memref_squeeze %gather3A_334 : memref<1x64x128xf32, #tpu.memory_space<vmem>> -> memref<64x128xf32, #tpu.memory_space<vmem>>
          %gather3A_336 = tpu.vector_load_idx %gather3A_335[%add3A_331, %broadcast_in_dim3A_252] : memref<64x128xf32, #tpu.memory_space<vmem>>[vector<16xi32>, vector<16xi32>], vector<16xf32>,
          %swap3A_337 = arith.index_cast %select_n3A_268 : i32 to index
          %swap3A_338 = arith.constant 48 : index
          %swap3A_339 = tpu.vector_load %arg14[%swap3A_337, %swap3A_338] {strides = array<i32>} : memref<8x128xf32, #tpu.memory_space<vmem>>, vector<16xf32>,
          tpu.vector_store %arg14[%swap3A_337, %swap3A_338], %gather3A_336 {strides = array<i32>} : memref<8x128xf32, #tpu.memory_space<vmem>>, vector<16xf32>,
          %gather3A_340 = arith.constant 0 : i32
          %gather3A_341 = arith.constant 0 : i32
          %gather3A_342 = tpu.memref_slice %arg13[%select_n3A_171, %gather3A_340, %gather3A_341] : memref<5x64x128xf32, #tpu.memory_space<vmem>> -> memref<1x64x128xf32, #tpu.memory_space<vmem>>
          %gather3A_343 = tpu.memref_squeeze %gather3A_342 : memref<1x64x128xf32, #tpu.memory_space<vmem>> -> memref<64x128xf32, #tpu.memory_space<vmem>>
          %gather3A_344 = tpu.vector_load_idx %gather3A_343[%add3A_331, %broadcast_in_dim3A_252] : memref<64x128xf32, #tpu.memory_space<vmem>>[vector<16xi32>, vector<16xi32>], vector<16xf32>,
          %swap3A_345 = arith.index_cast %select_n3A_268 : i32 to index
          %swap3A_346 = arith.constant 112 : index
          %swap3A_347 = tpu.vector_load %arg14[%swap3A_345, %swap3A_346] {strides = array<i32>} : memref<8x128xf32, #tpu.memory_space<vmem>>, vector<16xf32>,
          tpu.vector_store %arg14[%swap3A_345, %swap3A_346], %gather3A_344 {strides = array<i32>} : memref<8x128xf32, #tpu.memory_space<vmem>>, vector<16xf32>,
          %mul3A_348 = arith.constant 128 : i32
          %mul3A_349 = arith.muli %shift_right_arithmetic3A_248, %mul3A_348 : i32
          %multiple_of3A_350 = tpu.assume_multiple %mul3A_349, 128 : i32
          %dma_start3A = arith.constant 0 : i32
          %dma_start3A_351 = tpu.memref_slice %arg14[%select_n3A_268, %dma_start3A] : memref<8x128xf32, #tpu.memory_space<vmem>> -> memref<1x128xf32, #tpu.memory_space<vmem>>
          %dma_start3A_352 = tpu.memref_squeeze %dma_start3A_351 : memref<1x128xf32, #tpu.memory_space<vmem>> -> memref<128xf32, #tpu.memory_space<vmem>>
          %dma_start3A_353 = tpu.memref_slice %arg5[%multiple_of3A_350] : memref<2097152xf32, #tpu.memory_space<hbm>> -> memref<128xf32, #tpu.memory_space<hbm>>
          %dma_start3A_354 = tpu.memref_slice %arg5[%multiple_of3A_350] : memref<2097152xf32, #tpu.memory_space<hbm>> -> memref<128xf32, #tpu.memory_space<hbm>>
          %dma_start3A_355 = arith.constant 0 : i32
          %dma_start3A_356 = tpu.memref_slice %arg14[%select_n3A_268, %dma_start3A_355] : memref<8x128xf32, #tpu.memory_space<vmem>> -> memref<1x128xf32, #tpu.memory_space<vmem>>
          %dma_start3A_357 = tpu.memref_squeeze %dma_start3A_356 : memref<1x128xf32, #tpu.memory_space<vmem>> -> memref<128xf32, #tpu.memory_space<vmem>>
          tpu.enqueue_dma source(%dma_start3A_357 : memref<128xf32, #tpu.memory_space<vmem>>) target(%dma_start3A_354 : memref<128xf32, #tpu.memory_space<hbm>>) target_semaphore(%arg16 : memref<!tpu.dma_semaphore, #tpu.memory_space<semaphore_mem>>)
          %add3A_358 = arith.constant 1 : i32
          %add3A_359 = arith.addi %while3A_233, %add3A_358 : i32
          scf.yield %add3A_359 : i32
        }
        %while3A_230 = arith.constant 1 : i32
        %while3A_231 = scf.for %while3A_232 = %while3A_227 to %while3A_223 step %while3A_230 iter_args(%while3A_233 = %while3A_229) -> (i32)  : i32 {
          %add3A_234 = arith.addi %reduce_sum3A_220, %while3A_232 : i32
          %get3A_235 = arith.index_cast %add3A_234 : i32 to index
          %get3A_236 = tpu.vector_load %arg7[%get3A_235] {strides = array<i32>} : memref<16400xi32, #tpu.memory_space<vmem>>, vector<16xi32>,
          %eq3A_237 = arith.constant 0 : i32
          %eq3A_238 = vector.broadcast %eq3A_237 : i32 to vector<16xi32>
          %eq3A_239 = arith.cmpi eq, %iota3A, %eq3A_238 : vector<16xi32>
          %jit3A_240 = arith.constant 0 : i32
          %broadcast_in_dim3A_241 = vector.broadcast %jit3A_240 : i32 to vector<16xi32>
          %select_n3A_242 = arith.select %eq3A_239, %get3A_236, %broadcast_in_dim3A_241 : vector<16xi1>, vector<16xi32>
          %reduce_sum3A_243 = arith.constant true
          %reduce_sum3A_244 = vector.broadcast %reduce_sum3A_243 : i1 to vector<16xi1>
          %reduce_sum3A_245 = tpu.scan <sum>, %select_n3A_242 masked %reduce_sum3A_244 : vector<16xi32>, vector<16xi1> -> vector<16xi32>
          %reduce_sum3A_246 = vector.extract %reduce_sum3A_245[15] : i32 from vector<16xi32>
          %shift_right_arithmetic3A_247 = arith.constant 7 : i32
          %shift_right_arithmetic3A_248 = arith.shrsi %reduce_sum3A_246, %shift_right_arithmetic3A_247 : i32
          %and3A_249 = arith.constant 127 : i32
          %and3A_250 = arith.andi %reduce_sum3A_246, %and3A_249 : i32
          %add3A_251 = arith.addi %and3A_250, %sub3A_180 : i32
          %broadcast_in_dim3A_252 = vector.broadcast %add3A_251 : i32 to vector<16xi32>
          %jit3A_253 = arith.constant 8 : i32
          %eq3A_254 = arith.constant 0 : i32
          %eq3A_255 = arith.cmpi eq, %jit3A_253, %eq3A_254 : i32
          %jit3A_256 = arith.constant 1 : i32
          %select_n3A_257 = arith.select %eq3A_255, %jit3A_256, %jit3A_253 : i32
          %rem3A_258 = arith.remsi %while3A_233, %select_n3A_257 : i32
          %ne3A_259 = arith.constant 0 : i32
          %ne3A_260 = arith.cmpi ne, %rem3A_258, %ne3A_259 : i32
          %lt3A_261 = arith.constant 0 : i32
          %lt3A_262 = arith.cmpi slt, %rem3A_258, %lt3A_261 : i32
          %lt3A_263 = arith.constant 0 : i32
          %lt3A_264 = arith.cmpi slt, %select_n3A_257, %lt3A_263 : i32
          %ne3A_265 = arith.xori %lt3A_262, %lt3A_264 : i1
          %and3A_266 = arith.andi %ne3A_265, %ne3A_260 : i1
          %add3A_267 = arith.addi %rem3A_258, %select_n3A_257 : i32
          %select_n3A_268 = arith.select %and3A_266, %add3A_267, %rem3A_258 : i32
          %ge3A = arith.constant 8 : i32
          %ge3A_269 = arith.cmpi sge, %while3A_233, %ge3A : i32
          %convert_element_type3A_270 = arith.extui %ge3A_269 : i1 to i32
          %cond3A_271 = arith.constant 0 : i32
          %cond3A_272 = arith.cmpi ne, %convert_element_type3A_270, %cond3A_271 : i32
          scf.if %cond3A_272 {
            %dma_wait3A_360 = arith.constant 0 : i32
            %dma_wait3A_361 = arith.constant 0 : i32
            %dma_wait3A_362 = tpu.memref_slice %arg14[%dma_wait3A_360, %dma_wait3A_361] : memref<8x128xf32, #tpu.memory_space<vmem>> -> memref<1x128xf32, #tpu.memory_space<vmem>>
            %dma_wait3A_363 = tpu.memref_squeeze %dma_wait3A_362 : memref<1x128xf32, #tpu.memory_space<vmem>> -> memref<128xf32, #tpu.memory_space<vmem>>
            %dma_wait3A_364 = arith.constant 0 : i32
            %dma_wait3A_365 = tpu.memref_slice %arg5[%dma_wait3A_364] : memref<2097152xf32, #tpu.memory_space<hbm>> -> memref<128xf32, #tpu.memory_space<hbm>>
            %dma_wait3A_366 = arith.constant 0 : i32
            %dma_wait3A_367 = tpu.memref_slice %arg14[%dma_wait3A_360, %dma_wait3A_366] : memref<8x128xf32, #tpu.memory_space<vmem>> -> memref<1x128xf32, #tpu.memory_space<vmem>>
            %dma_wait3A_368 = tpu.memref_squeeze %dma_wait3A_367 : memref<1x128xf32, #tpu.memory_space<vmem>> -> memref<128xf32, #tpu.memory_space<vmem>>
            %dma_wait3A_369 = arith.constant 0 : i32
            %dma_wait3A_370 = tpu.memref_slice %arg5[%dma_wait3A_369] : memref<2097152xf32, #tpu.memory_space<hbm>> -> memref<128xf32, #tpu.memory_space<hbm>>
            tpu.wait_dma2 semaphore(%arg16 : memref<!tpu.dma_semaphore, #tpu.memory_space<semaphore_mem>>) src(%dma_wait3A_370 : memref<128xf32, #tpu.memory_space<hbm>>) dst(%dma_wait3A_368 : memref<128xf32, #tpu.memory_space<vmem>>)
          } else {
          }
          %add3A_273 = arith.constant 0 : i32
          %add3A_274 = vector.broadcast %add3A_273 : i32 to vector<16xi32>
          %add3A_275 = arith.addi %add3A_274, %iota3A : vector<16xi32>
          %gather3A = arith.constant 0 : i32
          %gather3A_276 = arith.constant 0 : i32
          %gather3A_277 = tpu.memref_slice %arg12[%select_n3A_171, %gather3A, %gather3A_276] : memref<5x64x128xf32, #tpu.memory_space<vmem>> -> memref<1x64x128xf32, #tpu.memory_space<vmem>>
          %gather3A_278 = tpu.memref_squeeze %gather3A_277 : memref<1x64x128xf32, #tpu.memory_space<vmem>> -> memref<64x128xf32, #tpu.memory_space<vmem>>
          %gather3A_279 = tpu.vector_load_idx %gather3A_278[%add3A_275, %broadcast_in_dim3A_252] : memref<64x128xf32, #tpu.memory_space<vmem>>[vector<16xi32>, vector<16xi32>], vector<16xf32>,
          %swap3A_280 = arith.index_cast %select_n3A_268 : i32 to index
          %swap3A_281 = arith.constant 0 : index
          %swap3A_282 = tpu.vector_load %arg14[%swap3A_280, %swap3A_281] {strides = array<i32>} : memref<8x128xf32, #tpu.memory_space<vmem>>, vector<16xf32>,
          tpu.vector_store %arg14[%swap3A_280, %swap3A_281], %gather3A_279 {strides = array<i32>} : memref<8x128xf32, #tpu.memory_space<vmem>>, vector<16xf32>,
          %gather3A_283 = arith.constant 0 : i32
          %gather3A_284 = arith.constant 0 : i32
          %gather3A_285 = tpu.memref_slice %arg13[%select_n3A_171, %gather3A_283, %gather3A_284] : memref<5x64x128xf32, #tpu.memory_space<vmem>> -> memref<1x64x128xf32, #tpu.memory_space<vmem>>
          %gather3A_286 = tpu.memref_squeeze %gather3A_285 : memref<1x64x128xf32, #tpu.memory_space<vmem>> -> memref<64x128xf32, #tpu.memory_space<vmem>>
          %gather3A_287 = tpu.vector_load_idx %gather3A_286[%add3A_275, %broadcast_in_dim3A_252] : memref<64x128xf32, #tpu.memory_space<vmem>>[vector<16xi32>, vector<16xi32>], vector<16xf32>,
          %swap3A_288 = arith.index_cast %select_n3A_268 : i32 to index
          %swap3A_289 = arith.constant 64 : index
          %swap3A_290 = tpu.vector_load %arg14[%swap3A_288, %swap3A_289] {strides = array<i32>} : memref<8x128xf32, #tpu.memory_space<vmem>>, vector<16xf32>,
          tpu.vector_store %arg14[%swap3A_288, %swap3A_289], %gather3A_287 {strides = array<i32>} : memref<8x128xf32, #tpu.memory_space<vmem>>, vector<16xf32>,
          %add3A_291 = arith.constant 16 : i32
          %add3A_292 = vector.broadcast %add3A_291 : i32 to vector<16xi32>
          %add3A_293 = arith.addi %add3A_292, %iota3A : vector<16xi32>
          %gather3A_294 = arith.constant 0 : i32
          %gather3A_295 = arith.constant 0 : i32
          %gather3A_296 = tpu.memref_slice %arg12[%select_n3A_171, %gather3A_294, %gather3A_295] : memref<5x64x128xf32, #tpu.memory_space<vmem>> -> memref<1x64x128xf32, #tpu.memory_space<vmem>>
          %gather3A_297 = tpu.memref_squeeze %gather3A_296 : memref<1x64x128xf32, #tpu.memory_space<vmem>> -> memref<64x128xf32, #tpu.memory_space<vmem>>
          %gather3A_298 = tpu.vector_load_idx %gather3A_297[%add3A_293, %broadcast_in_dim3A_252] : memref<64x128xf32, #tpu.memory_space<vmem>>[vector<16xi32>, vector<16xi32>], vector<16xf32>,
          %swap3A_299 = arith.index_cast %select_n3A_268 : i32 to index
          %swap3A_300 = arith.constant 16 : index
          %swap3A_301 = tpu.vector_load %arg14[%swap3A_299, %swap3A_300] {strides = array<i32>} : memref<8x128xf32, #tpu.memory_space<vmem>>, vector<16xf32>,
          tpu.vector_store %arg14[%swap3A_299, %swap3A_300], %gather3A_298 {strides = array<i32>} : memref<8x128xf32, #tpu.memory_space<vmem>>, vector<16xf32>,
          %gather3A_302 = arith.constant 0 : i32
          %gather3A_303 = arith.constant 0 : i32
          %gather3A_304 = tpu.memref_slice %arg13[%select_n3A_171, %gather3A_302, %gather3A_303] : memref<5x64x128xf32, #tpu.memory_space<vmem>> -> memref<1x64x128xf32, #tpu.memory_space<vmem>>
          %gather3A_305 = tpu.memref_squeeze %gather3A_304 : memref<1x64x128xf32, #tpu.memory_space<vmem>> -> memref<64x128xf32, #tpu.memory_space<vmem>>
          %gather3A_306 = tpu.vector_load_idx %gather3A_305[%add3A_293, %broadcast_in_dim3A_252] : memref<64x128xf32, #tpu.memory_space<vmem>>[vector<16xi32>, vector<16xi32>], vector<16xf32>,
          %swap3A_307 = arith.index_cast %select_n3A_268 : i32 to index
          %swap3A_308 = arith.constant 80 : index
          %swap3A_309 = tpu.vector_load %arg14[%swap3A_307, %swap3A_308] {strides = array<i32>} : memref<8x128xf32, #tpu.memory_space<vmem>>, vector<16xf32>,
          tpu.vector_store %arg14[%swap3A_307, %swap3A_308], %gather3A_306 {strides = array<i32>} : memref<8x128xf32, #tpu.memory_space<vmem>>, vector<16xf32>,
          %add3A_310 = arith.constant 32 : i32
          %add3A_311 = vector.broadcast %add3A_310 : i32 to vector<16xi32>
          %add3A_312 = arith.addi %add3A_311, %iota3A : vector<16xi32>
          %gather3A_313 = arith.constant 0 : i32
          %gather3A_314 = arith.constant 0 : i32
          %gather3A_315 = tpu.memref_slice %arg12[%select_n3A_171, %gather3A_313, %gather3A_314] : memref<5x64x128xf32, #tpu.memory_space<vmem>> -> memref<1x64x128xf32, #tpu.memory_space<vmem>>
          %gather3A_316 = tpu.memref_squeeze %gather3A_315 : memref<1x64x128xf32, #tpu.memory_space<vmem>> -> memref<64x128xf32, #tpu.memory_space<vmem>>
          %gather3A_317 = tpu.vector_load_idx %gather3A_316[%add3A_312, %broadcast_in_dim3A_252] : memref<64x128xf32, #tpu.memory_space<vmem>>[vector<16xi32>, vector<16xi32>], vector<16xf32>,
          %swap3A_318 = arith.index_cast %select_n3A_268 : i32 to index
          %swap3A_319 = arith.constant 32 : index
          %swap3A_320 = tpu.vector_load %arg14[%swap3A_318, %swap3A_319] {strides = array<i32>} : memref<8x128xf32, #tpu.memory_space<vmem>>, vector<16xf32>,
          tpu.vector_store %arg14[%swap3A_318, %swap3A_319], %gather3A_317 {strides = array<i32>} : memref<8x128xf32, #tpu.memory_space<vmem>>, vector<16xf32>,
          %gather3A_321 = arith.constant 0 : i32
          %gather3A_322 = arith.constant 0 : i32
          %gather3A_323 = tpu.memref_slice %arg13[%select_n3A_171, %gather3A_321, %gather3A_322] : memref<5x64x128xf32, #tpu.memory_space<vmem>> -> memref<1x64x128xf32, #tpu.memory_space<vmem>>
          %gather3A_324 = tpu.memref_squeeze %gather3A_323 : memref<1x64x128xf32, #tpu.memory_space<vmem>> -> memref<64x128xf32, #tpu.memory_space<vmem>>
          %gather3A_325 = tpu.vector_load_idx %gather3A_324[%add3A_312, %broadcast_in_dim3A_252] : memref<64x128xf32, #tpu.memory_space<vmem>>[vector<16xi32>, vector<16xi32>], vector<16xf32>,
          %swap3A_326 = arith.index_cast %select_n3A_268 : i32 to index
          %swap3A_327 = arith.constant 96 : index
          %swap3A_328 = tpu.vector_load %arg14[%swap3A_326, %swap3A_327] {strides = array<i32>} : memref<8x128xf32, #tpu.memory_space<vmem>>, vector<16xf32>,
          tpu.vector_store %arg14[%swap3A_326, %swap3A_327], %gather3A_325 {strides = array<i32>} : memref<8x128xf32, #tpu.memory_space<vmem>>, vector<16xf32>,
          %add3A_329 = arith.constant 48 : i32
          %add3A_330 = vector.broadcast %add3A_329 : i32 to vector<16xi32>
          %add3A_331 = arith.addi %add3A_330, %iota3A : vector<16xi32>
          %gather3A_332 = arith.constant 0 : i32
          %gather3A_333 = arith.constant 0 : i32
          %gather3A_334 = tpu.memref_slice %arg12[%select_n3A_171, %gather3A_332, %gather3A_333] : memref<5x64x128xf32, #tpu.memory_space<vmem>> -> memref<1x64x128xf32, #tpu.memory_space<vmem>>
          %gather3A_335 = tpu.memref_squeeze %gather3A_334 : memref<1x64x128xf32, #tpu.memory_space<vmem>> -> memref<64x128xf32, #tpu.memory_space<vmem>>
          %gather3A_336 = tpu.vector_load_idx %gather3A_335[%add3A_331, %broadcast_in_dim3A_252] : memref<64x128xf32, #tpu.memory_space<vmem>>[vector<16xi32>, vector<16xi32>], vector<16xf32>,
          %swap3A_337 = arith.index_cast %select_n3A_268 : i32 to index
          %swap3A_338 = arith.constant 48 : index
          %swap3A_339 = tpu.vector_load %arg14[%swap3A_337, %swap3A_338] {strides = array<i32>} : memref<8x128xf32, #tpu.memory_space<vmem>>, vector<16xf32>,
          tpu.vector_store %arg14[%swap3A_337, %swap3A_338], %gather3A_336 {strides = array<i32>} : memref<8x128xf32, #tpu.memory_space<vmem>>, vector<16xf32>,
          %gather3A_340 = arith.constant 0 : i32
          %gather3A_341 = arith.constant 0 : i32
          %gather3A_342 = tpu.memref_slice %arg13[%select_n3A_171, %gather3A_340, %gather3A_341] : memref<5x64x128xf32, #tpu.memory_space<vmem>> -> memref<1x64x128xf32, #tpu.memory_space<vmem>>
          %gather3A_343 = tpu.memref_squeeze %gather3A_342 : memref<1x64x128xf32, #tpu.memory_space<vmem>> -> memref<64x128xf32, #tpu.memory_space<vmem>>
          %gather3A_344 = tpu.vector_load_idx %gather3A_343[%add3A_331, %broadcast_in_dim3A_252] : memref<64x128xf32, #tpu.memory_space<vmem>>[vector<16xi32>, vector<16xi32>], vector<16xf32>,
          %swap3A_345 = arith.index_cast %select_n3A_268 : i32 to index
          %swap3A_346 = arith.constant 112 : index
          %swap3A_347 = tpu.vector_load %arg14[%swap3A_345, %swap3A_346] {strides = array<i32>} : memref<8x128xf32, #tpu.memory_space<vmem>>, vector<16xf32>,
          tpu.vector_store %arg14[%swap3A_345, %swap3A_346], %gather3A_344 {strides = array<i32>} : memref<8x128xf32, #tpu.memory_space<vmem>>, vector<16xf32>,
          %mul3A_348 = arith.constant 128 : i32
          %mul3A_349 = arith.muli %shift_right_arithmetic3A_248, %mul3A_348 : i32
          %multiple_of3A_350 = tpu.assume_multiple %mul3A_349, 128 : i32
          %dma_start3A = arith.constant 0 : i32
          %dma_start3A_351 = tpu.memref_slice %arg14[%select_n3A_268, %dma_start3A] : memref<8x128xf32, #tpu.memory_space<vmem>> -> memref<1x128xf32, #tpu.memory_space<vmem>>
          %dma_start3A_352 = tpu.memref_squeeze %dma_start3A_351 : memref<1x128xf32, #tpu.memory_space<vmem>> -> memref<128xf32, #tpu.memory_space<vmem>>
          %dma_start3A_353 = tpu.memref_slice %arg5[%multiple_of3A_350] : memref<2097152xf32, #tpu.memory_space<hbm>> -> memref<128xf32, #tpu.memory_space<hbm>>
          %dma_start3A_354 = tpu.memref_slice %arg5[%multiple_of3A_350] : memref<2097152xf32, #tpu.memory_space<hbm>> -> memref<128xf32, #tpu.memory_space<hbm>>
          %dma_start3A_355 = arith.constant 0 : i32
          %dma_start3A_356 = tpu.memref_slice %arg14[%select_n3A_268, %dma_start3A_355] : memref<8x128xf32, #tpu.memory_space<vmem>> -> memref<1x128xf32, #tpu.memory_space<vmem>>
          %dma_start3A_357 = tpu.memref_squeeze %dma_start3A_356 : memref<1x128xf32, #tpu.memory_space<vmem>> -> memref<128xf32, #tpu.memory_space<vmem>>
          tpu.enqueue_dma source(%dma_start3A_357 : memref<128xf32, #tpu.memory_space<vmem>>) target(%dma_start3A_354 : memref<128xf32, #tpu.memory_space<hbm>>) target_semaphore(%arg16 : memref<!tpu.dma_semaphore, #tpu.memory_space<semaphore_mem>>)
          %add3A_358 = arith.constant 1 : i32
          %add3A_359 = arith.addi %while3A_233, %add3A_358 : i32
          scf.yield %add3A_359 : i32
        }
        scf.yield %while3A_231 : i32
      } else {
        scf.yield %while3A_127 : i32
      }
      scf.yield %cond3A_157 : i32
    }
    %while3A_112 = arith.constant 1 : i32
    %while3A_113 = scf.for %while3A_126 = %while3A_109 to %while3A_105 step %while3A_112 iter_args(%while3A_127 = %while3A_111) -> (i32)  : i32 {
      %shift_right_arithmetic3A = arith.constant 4 : i32
      %shift_right_arithmetic3A_128 = arith.shrsi %while3A_126, %shift_right_arithmetic3A : i32
      %shift_left3A = arith.constant 4 : i32
      %shift_left3A_129 = arith.shli %shift_right_arithmetic3A_128, %shift_left3A : i32
      %get3A = arith.index_cast %shift_left3A_129 : i32 to index
      %get3A_130 = tpu.vector_load %arg8[%get3A] {strides = array<i32>} : memref<256xi32, #tpu.memory_space<vmem>>, vector<16xi32>,
      %and3A = arith.constant 15 : i32
      %and3A_131 = arith.andi %while3A_126, %and3A : i32
      %eq3A = vector.broadcast %and3A_131 : i32 to vector<16xi32>
      %eq3A_132 = arith.cmpi eq, %iota3A, %eq3A : vector<16xi32>
      %jit3A = arith.constant 0 : i32
      %broadcast_in_dim3A_133 = vector.broadcast %jit3A : i32 to vector<16xi32>
      %select_n3A = arith.select %eq3A_132, %get3A_130, %broadcast_in_dim3A_133 : vector<16xi1>, vector<16xi32>
      %reduce_sum3A = arith.constant true
      %reduce_sum3A_134 = vector.broadcast %reduce_sum3A : i1 to vector<16xi1>
      %reduce_sum3A_135 = tpu.scan <sum>, %select_n3A masked %reduce_sum3A_134 : vector<16xi32>, vector<16xi1> -> vector<16xi32>
      %reduce_sum3A_136 = vector.extract %reduce_sum3A_135[15] : i32 from vector<16xi32>
      %add3A_137 = arith.constant 5 : i32
      %add3A_138 = arith.addi %while3A_126, %add3A_137 : i32
      %sub3A_139 = arith.constant 1 : i32
      %sub3A_140 = arith.subi %add3A_138, %sub3A_139 : i32
      %lt3A = arith.cmpi slt, %sub3A_140, %sub3A : i32
      %convert_element_type3A_141 = arith.extui %lt3A : i1 to i32
      %cond3A_142 = arith.constant 0 : i32
      %cond3A_143 = arith.cmpi ne, %convert_element_type3A_141, %cond3A_142 : i32
      scf.if %cond3A_143 {
        %add3A_158 = arith.constant 5 : i32
        %add3A_159 = arith.addi %while3A_126, %add3A_158 : i32
        %sub3A_160 = arith.constant 1 : i32
        %sub3A_161 = arith.subi %add3A_159, %sub3A_160 : i32
        %shift_right_arithmetic3A_162 = arith.constant 4 : i32
        %shift_right_arithmetic3A_163 = arith.shrsi %sub3A_161, %shift_right_arithmetic3A_162 : i32
        %shift_left3A_164 = arith.constant 4 : i32
        %shift_left3A_165 = arith.shli %shift_right_arithmetic3A_163, %shift_left3A_164 : i32
        %get3A_166 = arith.index_cast %shift_left3A_165 : i32 to index
        %get3A_167 = tpu.vector_load %arg8[%get3A_166] {strides = array<i32>} : memref<256xi32, #tpu.memory_space<vmem>>, vector<16xi32>,
        %and3A_168 = arith.constant 15 : i32
        %and3A_169 = arith.andi %sub3A_161, %and3A_168 : i32
        %eq3A_170 = vector.broadcast %and3A_169 : i32 to vector<16xi32>
        %eq3A_171 = arith.cmpi eq, %iota3A, %eq3A_170 : vector<16xi32>
        %jit3A_172 = arith.constant 0 : i32
        %broadcast_in_dim3A_173 = vector.broadcast %jit3A_172 : i32 to vector<16xi32>
        %select_n3A_174 = arith.select %eq3A_171, %get3A_167, %broadcast_in_dim3A_173 : vector<16xi1>, vector<16xi32>
        %reduce_sum3A_175 = arith.constant true
        %reduce_sum3A_176 = vector.broadcast %reduce_sum3A_175 : i1 to vector<16xi1>
        %reduce_sum3A_177 = tpu.scan <sum>, %select_n3A_174 masked %reduce_sum3A_176 : vector<16xi32>, vector<16xi1> -> vector<16xi32>
        %reduce_sum3A_178 = vector.extract %reduce_sum3A_177[15] : i32 from vector<16xi32>
        %gt3A_179 = arith.constant 0 : i32
        %gt3A_180 = arith.cmpi sgt, %reduce_sum3A_178, %gt3A_179 : i32
        %convert_element_type3A_181 = arith.extui %gt3A_180 : i1 to i32
        %cond3A_182 = arith.constant 0 : i32
        %cond3A_183 = arith.cmpi ne, %convert_element_type3A_181, %cond3A_182 : i32
        scf.if %cond3A_183 {
          %jit3A_184 = arith.constant 5 : i32
          %eq3A_185 = arith.constant 0 : i32
          %eq3A_186 = arith.cmpi eq, %jit3A_184, %eq3A_185 : i32
          %jit3A_187 = arith.constant 1 : i32
          %select_n3A_188 = arith.select %eq3A_186, %jit3A_187, %jit3A_184 : i32
          %rem3A = arith.remsi %sub3A_161, %select_n3A_188 : i32
          %ne3A = arith.constant 0 : i32
          %ne3A_189 = arith.cmpi ne, %rem3A, %ne3A : i32
          %lt3A_190 = arith.constant 0 : i32
          %lt3A_191 = arith.cmpi slt, %rem3A, %lt3A_190 : i32
          %lt3A_192 = arith.constant 0 : i32
          %lt3A_193 = arith.cmpi slt, %select_n3A_188, %lt3A_192 : i32
          %ne3A_194 = arith.xori %lt3A_191, %lt3A_193 : i1
          %and3A_195 = arith.andi %ne3A_194, %ne3A_189 : i1
          %add3A_196 = arith.addi %rem3A, %select_n3A_188 : i32
          %select_n3A_197 = arith.select %and3A_195, %add3A_196, %rem3A : i32
          %add3A_198 = arith.addi %mul3A_2, %sub3A_161 : i32
          %mul3A_199 = arith.constant 128 : i32
          %mul3A_200 = arith.muli %add3A_198, %mul3A_199 : i32
          %min3A_201 = arith.constant 999872 : i32
          %min3A_202 = arith.minsi %mul3A_200, %min3A_201 : i32
          %multiple_of3A = tpu.assume_multiple %min3A_202, 128 : i32
          %dma_start3A = arith.constant 0 : i32
          %dma_start3A_203 = arith.constant 0 : i32
          %dma_start3A_204 = tpu.memref_slice %arg12[%select_n3A_197, %dma_start3A, %dma_start3A_203] : memref<5x64x128xf32, #tpu.memory_space<vmem>> -> memref<1x64x128xf32, #tpu.memory_space<vmem>>
          %dma_start3A_205 = tpu.memref_squeeze %dma_start3A_204 : memref<1x64x128xf32, #tpu.memory_space<vmem>> -> memref<64x128xf32, #tpu.memory_space<vmem>>
          %dma_start3A_206 = arith.constant 0 : i32
          %dma_start3A_207 = tpu.memref_slice %arg3[%dma_start3A_206, %multiple_of3A] : memref<64x1000000xf32, #tpu.memory_space<hbm>> -> memref<64x128xf32, #tpu.memory_space<hbm>>
          %dma_start3A_208 = arith.constant 0 : i32
          %dma_start3A_209 = arith.constant 0 : i32
          %dma_start3A_210 = tpu.memref_slice %arg12[%select_n3A_197, %dma_start3A_208, %dma_start3A_209] : memref<5x64x128xf32, #tpu.memory_space<vmem>> -> memref<1x64x128xf32, #tpu.memory_space<vmem>>
          %dma_start3A_211 = tpu.memref_squeeze %dma_start3A_210 : memref<1x64x128xf32, #tpu.memory_space<vmem>> -> memref<64x128xf32, #tpu.memory_space<vmem>>
          %dma_start3A_212 = arith.constant 0 : i32
          %dma_start3A_213 = tpu.memref_slice %arg3[%dma_start3A_212, %multiple_of3A] : memref<64x1000000xf32, #tpu.memory_space<hbm>> -> memref<64x128xf32, #tpu.memory_space<hbm>>
          tpu.enqueue_dma source(%dma_start3A_213 : memref<64x128xf32, #tpu.memory_space<hbm>>) target(%dma_start3A_211 : memref<64x128xf32, #tpu.memory_space<vmem>>) target_semaphore(%arg15 : memref<!tpu.dma_semaphore, #tpu.memory_space<semaphore_mem>>)
          %dma_start3A_214 = arith.constant 0 : i32
          %dma_start3A_215 = arith.constant 0 : i32
          %dma_start3A_216 = tpu.memref_slice %arg13[%select_n3A_197, %dma_start3A_214, %dma_start3A_215] : memref<5x64x128xf32, #tpu.memory_space<vmem>> -> memref<1x64x128xf32, #tpu.memory_space<vmem>>
          %dma_start3A_217 = tpu.memref_squeeze %dma_start3A_216 : memref<1x64x128xf32, #tpu.memory_space<vmem>> -> memref<64x128xf32, #tpu.memory_space<vmem>>
          %dma_start3A_218 = arith.constant 0 : i32
          %dma_start3A_219 = tpu.memref_slice %arg4[%dma_start3A_218, %multiple_of3A] : memref<64x1000000xf32, #tpu.memory_space<hbm>> -> memref<64x128xf32, #tpu.memory_space<hbm>>
          %dma_start3A_220 = arith.constant 0 : i32
          %dma_start3A_221 = arith.constant 0 : i32
          %dma_start3A_222 = tpu.memref_slice %arg13[%select_n3A_197, %dma_start3A_220, %dma_start3A_221] : memref<5x64x128xf32, #tpu.memory_space<vmem>> -> memref<1x64x128xf32, #tpu.memory_space<vmem>>
          %dma_start3A_223 = tpu.memref_squeeze %dma_start3A_222 : memref<1x64x128xf32, #tpu.memory_space<vmem>> -> memref<64x128xf32, #tpu.memory_space<vmem>>
          %dma_start3A_224 = arith.constant 0 : i32
          %dma_start3A_225 = tpu.memref_slice %arg4[%dma_start3A_224, %multiple_of3A] : memref<64x1000000xf32, #tpu.memory_space<hbm>> -> memref<64x128xf32, #tpu.memory_space<hbm>>
          tpu.enqueue_dma source(%dma_start3A_225 : memref<64x128xf32, #tpu.memory_space<hbm>>) target(%dma_start3A_223 : memref<64x128xf32, #tpu.memory_space<vmem>>) target_semaphore(%arg15 : memref<!tpu.dma_semaphore, #tpu.memory_space<semaphore_mem>>)
        } else {
        }
      } else {
      }
      %lt3A_144 = arith.constant 4 : i32
      %lt3A_145 = arith.cmpi slt, %while3A_126, %lt3A_144 : i32
      %eq3A_146 = arith.constant 0 : i32
      %eq3A_147 = arith.cmpi eq, %reduce_sum3A_136, %eq3A_146 : i32
      %and3A_148 = arith.andi %lt3A_145, %eq3A_147 : i1
      %convert_element_type3A_149 = arith.extui %and3A_148 : i1 to i32
      %cond3A_150 = arith.constant 0 : i32
      %cond3A_151 = arith.cmpi ne, %convert_element_type3A_149, %cond3A_150 : i32
      scf.if %cond3A_151 {
        %jit3A_158 = arith.constant 5 : i32
        %eq3A_159 = arith.constant 0 : i32
        %eq3A_160 = arith.cmpi eq, %jit3A_158, %eq3A_159 : i32
        %jit3A_161 = arith.constant 1 : i32
        %select_n3A_162 = arith.select %eq3A_160, %jit3A_161, %jit3A_158 : i32
        %rem3A = arith.remsi %while3A_126, %select_n3A_162 : i32
        %ne3A = arith.constant 0 : i32
        %ne3A_163 = arith.cmpi ne, %rem3A, %ne3A : i32
        %lt3A_164 = arith.constant 0 : i32
        %lt3A_165 = arith.cmpi slt, %rem3A, %lt3A_164 : i32
        %lt3A_166 = arith.constant 0 : i32
        %lt3A_167 = arith.cmpi slt, %select_n3A_162, %lt3A_166 : i32
        %ne3A_168 = arith.xori %lt3A_165, %lt3A_167 : i1
        %and3A_169 = arith.andi %ne3A_168, %ne3A_163 : i1
        %add3A_170 = arith.addi %rem3A, %select_n3A_162 : i32
        %select_n3A_171 = arith.select %and3A_169, %add3A_170, %rem3A : i32
        %add3A_172 = arith.addi %mul3A_2, %while3A_126 : i32
        %mul3A_173 = arith.constant 128 : i32
        %mul3A_174 = arith.muli %add3A_172, %mul3A_173 : i32
        %min3A_175 = arith.constant 999872 : i32
        %min3A_176 = arith.minsi %mul3A_174, %min3A_175 : i32
        %multiple_of3A = tpu.assume_multiple %min3A_176, 128 : i32
        %dma_wait3A = arith.constant 0 : i32
        %dma_wait3A_177 = arith.constant 0 : i32
        %dma_wait3A_178 = tpu.memref_slice %arg12[%select_n3A_171, %dma_wait3A, %dma_wait3A_177] : memref<5x64x128xf32, #tpu.memory_space<vmem>> -> memref<1x64x128xf32, #tpu.memory_space<vmem>>
        %dma_wait3A_179 = tpu.memref_squeeze %dma_wait3A_178 : memref<1x64x128xf32, #tpu.memory_space<vmem>> -> memref<64x128xf32, #tpu.memory_space<vmem>>
        %dma_wait3A_180 = arith.constant 0 : i32
        %dma_wait3A_181 = tpu.memref_slice %arg3[%dma_wait3A_180, %multiple_of3A] : memref<64x1000000xf32, #tpu.memory_space<hbm>> -> memref<64x128xf32, #tpu.memory_space<hbm>>
        %dma_wait3A_182 = arith.constant 0 : i32
        %dma_wait3A_183 = arith.constant 0 : i32
        %dma_wait3A_184 = tpu.memref_slice %arg12[%select_n3A_171, %dma_wait3A_182, %dma_wait3A_183] : memref<5x64x128xf32, #tpu.memory_space<vmem>> -> memref<1x64x128xf32, #tpu.memory_space<vmem>>
        %dma_wait3A_185 = tpu.memref_squeeze %dma_wait3A_184 : memref<1x64x128xf32, #tpu.memory_space<vmem>> -> memref<64x128xf32, #tpu.memory_space<vmem>>
        %dma_wait3A_186 = arith.constant 0 : i32
        %dma_wait3A_187 = tpu.memref_slice %arg3[%dma_wait3A_186, %multiple_of3A] : memref<64x1000000xf32, #tpu.memory_space<hbm>> -> memref<64x128xf32, #tpu.memory_space<hbm>>
        tpu.wait_dma2 semaphore(%arg15 : memref<!tpu.dma_semaphore, #tpu.memory_space<semaphore_mem>>) src(%dma_wait3A_187 : memref<64x128xf32, #tpu.memory_space<hbm>>) dst(%dma_wait3A_185 : memref<64x128xf32, #tpu.memory_space<vmem>>)
        %dma_wait3A_188 = arith.constant 0 : i32
        %dma_wait3A_189 = arith.constant 0 : i32
        %dma_wait3A_190 = tpu.memref_slice %arg13[%select_n3A_171, %dma_wait3A_188, %dma_wait3A_189] : memref<5x64x128xf32, #tpu.memory_space<vmem>> -> memref<1x64x128xf32, #tpu.memory_space<vmem>>
        %dma_wait3A_191 = tpu.memref_squeeze %dma_wait3A_190 : memref<1x64x128xf32, #tpu.memory_space<vmem>> -> memref<64x128xf32, #tpu.memory_space<vmem>>
        %dma_wait3A_192 = arith.constant 0 : i32
        %dma_wait3A_193 = tpu.memref_slice %arg4[%dma_wait3A_192, %multiple_of3A] : memref<64x1000000xf32, #tpu.memory_space<hbm>> -> memref<64x128xf32, #tpu.memory_space<hbm>>
        %dma_wait3A_194 = arith.constant 0 : i32
        %dma_wait3A_195 = arith.constant 0 : i32
        %dma_wait3A_196 = tpu.memref_slice %arg13[%select_n3A_171, %dma_wait3A_194, %dma_wait3A_195] : memref<5x64x128xf32, #tpu.memory_space<vmem>> -> memref<1x64x128xf32, #tpu.memory_space<vmem>>
        %dma_wait3A_197 = tpu.memref_squeeze %dma_wait3A_196 : memref<1x64x128xf32, #tpu.memory_space<vmem>> -> memref<64x128xf32, #tpu.memory_space<vmem>>
        %dma_wait3A_198 = arith.constant 0 : i32
        %dma_wait3A_199 = tpu.memref_slice %arg4[%dma_wait3A_198, %multiple_of3A] : memref<64x1000000xf32, #tpu.memory_space<hbm>> -> memref<64x128xf32, #tpu.memory_space<hbm>>
        tpu.wait_dma2 semaphore(%arg15 : memref<!tpu.dma_semaphore, #tpu.memory_space<semaphore_mem>>) src(%dma_wait3A_199 : memref<64x128xf32, #tpu.memory_space<hbm>>) dst(%dma_wait3A_197 : memref<64x128xf32, #tpu.memory_space<vmem>>)
      } else {
      }
      %gt3A_152 = arith.constant 0 : i32
      %gt3A_153 = arith.cmpi sgt, %reduce_sum3A_136, %gt3A_152 : i32
      %convert_element_type3A_154 = arith.extui %gt3A_153 : i1 to i32
      %cond3A_155 = arith.constant 0 : i32
      %cond3A_156 = arith.cmpi ne, %convert_element_type3A_154, %cond3A_155 : i32
      %cond3A_157 = scf.if %cond3A_156 -> (i32) {
        %jit3A_158 = arith.constant 5 : i32
        %eq3A_159 = arith.constant 0 : i32
        %eq3A_160 = arith.cmpi eq, %jit3A_158, %eq3A_159 : i32
        %jit3A_161 = arith.constant 1 : i32
        %select_n3A_162 = arith.select %eq3A_160, %jit3A_161, %jit3A_158 : i32
        %rem3A = arith.remsi %while3A_126, %select_n3A_162 : i32
        %ne3A = arith.constant 0 : i32
        %ne3A_163 = arith.cmpi ne, %rem3A, %ne3A : i32
        %lt3A_164 = arith.constant 0 : i32
        %lt3A_165 = arith.cmpi slt, %rem3A, %lt3A_164 : i32
        %lt3A_166 = arith.constant 0 : i32
        %lt3A_167 = arith.cmpi slt, %select_n3A_162, %lt3A_166 : i32
        %ne3A_168 = arith.xori %lt3A_165, %lt3A_167 : i1
        %and3A_169 = arith.andi %ne3A_168, %ne3A_163 : i1
        %add3A_170 = arith.addi %rem3A, %select_n3A_162 : i32
        %select_n3A_171 = arith.select %and3A_169, %add3A_170, %rem3A : i32
        %add3A_172 = arith.addi %mul3A_2, %while3A_126 : i32
        %mul3A_173 = arith.constant 128 : i32
        %mul3A_174 = arith.muli %add3A_172, %mul3A_173 : i32
        %min3A_175 = arith.constant 999872 : i32
        %min3A_176 = arith.minsi %mul3A_174, %min3A_175 : i32
        %multiple_of3A = tpu.assume_multiple %min3A_176, 128 : i32
        %add3A_177 = arith.addi %mul3A_2, %while3A_126 : i32
        %mul3A_178 = arith.constant 128 : i32
        %mul3A_179 = arith.muli %add3A_177, %mul3A_178 : i32
        %sub3A_180 = arith.subi %mul3A_179, %multiple_of3A : i32
        %dma_wait3A = arith.constant 0 : i32
        %dma_wait3A_181 = arith.constant 0 : i32
        %dma_wait3A_182 = tpu.memref_slice %arg12[%select_n3A_171, %dma_wait3A, %dma_wait3A_181] : memref<5x64x128xf32, #tpu.memory_space<vmem>> -> memref<1x64x128xf32, #tpu.memory_space<vmem>>
        %dma_wait3A_183 = tpu.memref_squeeze %dma_wait3A_182 : memref<1x64x128xf32, #tpu.memory_space<vmem>> -> memref<64x128xf32, #tpu.memory_space<vmem>>
        %dma_wait3A_184 = arith.constant 0 : i32
        %dma_wait3A_185 = tpu.memref_slice %arg3[%dma_wait3A_184, %multiple_of3A] : memref<64x1000000xf32, #tpu.memory_space<hbm>> -> memref<64x128xf32, #tpu.memory_space<hbm>>
        %dma_wait3A_186 = arith.constant 0 : i32
        %dma_wait3A_187 = arith.constant 0 : i32
        %dma_wait3A_188 = tpu.memref_slice %arg12[%select_n3A_171, %dma_wait3A_186, %dma_wait3A_187] : memref<5x64x128xf32, #tpu.memory_space<vmem>> -> memref<1x64x128xf32, #tpu.memory_space<vmem>>
        %dma_wait3A_189 = tpu.memref_squeeze %dma_wait3A_188 : memref<1x64x128xf32, #tpu.memory_space<vmem>> -> memref<64x128xf32, #tpu.memory_space<vmem>>
        %dma_wait3A_190 = arith.constant 0 : i32
        %dma_wait3A_191 = tpu.memref_slice %arg3[%dma_wait3A_190, %multiple_of3A] : memref<64x1000000xf32, #tpu.memory_space<hbm>> -> memref<64x128xf32, #tpu.memory_space<hbm>>
        tpu.wait_dma2 semaphore(%arg15 : memref<!tpu.dma_semaphore, #tpu.memory_space<semaphore_mem>>) src(%dma_wait3A_191 : memref<64x128xf32, #tpu.memory_space<hbm>>) dst(%dma_wait3A_189 : memref<64x128xf32, #tpu.memory_space<vmem>>)
        %dma_wait3A_192 = arith.constant 0 : i32
        %dma_wait3A_193 = arith.constant 0 : i32
        %dma_wait3A_194 = tpu.memref_slice %arg13[%select_n3A_171, %dma_wait3A_192, %dma_wait3A_193] : memref<5x64x128xf32, #tpu.memory_space<vmem>> -> memref<1x64x128xf32, #tpu.memory_space<vmem>>
        %dma_wait3A_195 = tpu.memref_squeeze %dma_wait3A_194 : memref<1x64x128xf32, #tpu.memory_space<vmem>> -> memref<64x128xf32, #tpu.memory_space<vmem>>
        %dma_wait3A_196 = arith.constant 0 : i32
        %dma_wait3A_197 = tpu.memref_slice %arg4[%dma_wait3A_196, %multiple_of3A] : memref<64x1000000xf32, #tpu.memory_space<hbm>> -> memref<64x128xf32, #tpu.memory_space<hbm>>
        %dma_wait3A_198 = arith.constant 0 : i32
        %dma_wait3A_199 = arith.constant 0 : i32
        %dma_wait3A_200 = tpu.memref_slice %arg13[%select_n3A_171, %dma_wait3A_198, %dma_wait3A_199] : memref<5x64x128xf32, #tpu.memory_space<vmem>> -> memref<1x64x128xf32, #tpu.memory_space<vmem>>
        %dma_wait3A_201 = tpu.memref_squeeze %dma_wait3A_200 : memref<1x64x128xf32, #tpu.memory_space<vmem>> -> memref<64x128xf32, #tpu.memory_space<vmem>>
        %dma_wait3A_202 = arith.constant 0 : i32
        %dma_wait3A_203 = tpu.memref_slice %arg4[%dma_wait3A_202, %multiple_of3A] : memref<64x1000000xf32, #tpu.memory_space<hbm>> -> memref<64x128xf32, #tpu.memory_space<hbm>>
        tpu.wait_dma2 semaphore(%arg15 : memref<!tpu.dma_semaphore, #tpu.memory_space<semaphore_mem>>) src(%dma_wait3A_203 : memref<64x128xf32, #tpu.memory_space<hbm>>) dst(%dma_wait3A_201 : memref<64x128xf32, #tpu.memory_space<vmem>>)
        %shift_right_arithmetic3A_204 = arith.constant 4 : i32
        %shift_right_arithmetic3A_205 = arith.shrsi %while3A_126, %shift_right_arithmetic3A_204 : i32
        %shift_left3A_206 = arith.constant 4 : i32
        %shift_left3A_207 = arith.shli %shift_right_arithmetic3A_205, %shift_left3A_206 : i32
        %get3A_208 = arith.index_cast %shift_left3A_207 : i32 to index
        %get3A_209 = tpu.vector_load %arg9[%get3A_208] {strides = array<i32>} : memref<256xi32, #tpu.memory_space<vmem>>, vector<16xi32>,
        %and3A_210 = arith.constant 15 : i32
        %and3A_211 = arith.andi %while3A_126, %and3A_210 : i32
        %eq3A_212 = vector.broadcast %and3A_211 : i32 to vector<16xi32>
        %eq3A_213 = arith.cmpi eq, %iota3A, %eq3A_212 : vector<16xi32>
        %jit3A_214 = arith.constant 0 : i32
        %broadcast_in_dim3A_215 = vector.broadcast %jit3A_214 : i32 to vector<16xi32>
        %select_n3A_216 = arith.select %eq3A_213, %get3A_209, %broadcast_in_dim3A_215 : vector<16xi1>, vector<16xi32>
        %reduce_sum3A_217 = arith.constant true
        %reduce_sum3A_218 = vector.broadcast %reduce_sum3A_217 : i1 to vector<16xi1>
        %reduce_sum3A_219 = tpu.scan <sum>, %select_n3A_216 masked %reduce_sum3A_218 : vector<16xi32>, vector<16xi1> -> vector<16xi32>
        %reduce_sum3A_220 = vector.extract %reduce_sum3A_219[15] : i32 from vector<16xi32>
        %while3A_221 = arith.constant 0 : i32
        %while3A_222 = arith.subi %reduce_sum3A_136, %while3A_221 : i32
        %while3A_223 = arith.addi %while3A_221, %while3A_222 : i32
        %while3A_224 = arith.constant 1 : i32
        %while3A_225 = arith.divsi %while3A_222, %while3A_224 : i32
        %while3A_226 = arith.muli %while3A_225, %while3A_224 : i32
        %while3A_227 = arith.addi %while3A_221, %while3A_226 : i32
        %while3A_228 = arith.constant 1 : i32
        %while3A_229 = scf.for %while3A_232 = %while3A_221 to %while3A_227 step %while3A_228 iter_args(%while3A_233 = %while3A_127) -> (i32)  : i32 {
          %add3A_234 = arith.addi %reduce_sum3A_220, %while3A_232 : i32
          %get3A_235 = arith.index_cast %add3A_234 : i32 to index
          %get3A_236 = tpu.vector_load %arg7[%get3A_235] {strides = array<i32>} : memref<16400xi32, #tpu.memory_space<vmem>>, vector<16xi32>,
          %eq3A_237 = arith.constant 0 : i32
          %eq3A_238 = vector.broadcast %eq3A_237 : i32 to vector<16xi32>
          %eq3A_239 = arith.cmpi eq, %iota3A, %eq3A_238 : vector<16xi32>
          %jit3A_240 = arith.constant 0 : i32
          %broadcast_in_dim3A_241 = vector.broadcast %jit3A_240 : i32 to vector<16xi32>
          %select_n3A_242 = arith.select %eq3A_239, %get3A_236, %broadcast_in_dim3A_241 : vector<16xi1>, vector<16xi32>
          %reduce_sum3A_243 = arith.constant true
          %reduce_sum3A_244 = vector.broadcast %reduce_sum3A_243 : i1 to vector<16xi1>
          %reduce_sum3A_245 = tpu.scan <sum>, %select_n3A_242 masked %reduce_sum3A_244 : vector<16xi32>, vector<16xi1> -> vector<16xi32>
          %reduce_sum3A_246 = vector.extract %reduce_sum3A_245[15] : i32 from vector<16xi32>
          %shift_right_arithmetic3A_247 = arith.constant 7 : i32
          %shift_right_arithmetic3A_248 = arith.shrsi %reduce_sum3A_246, %shift_right_arithmetic3A_247 : i32
          %and3A_249 = arith.constant 127 : i32
          %and3A_250 = arith.andi %reduce_sum3A_246, %and3A_249 : i32
          %add3A_251 = arith.addi %and3A_250, %sub3A_180 : i32
          %broadcast_in_dim3A_252 = vector.broadcast %add3A_251 : i32 to vector<16xi32>
          %jit3A_253 = arith.constant 8 : i32
          %eq3A_254 = arith.constant 0 : i32
          %eq3A_255 = arith.cmpi eq, %jit3A_253, %eq3A_254 : i32
          %jit3A_256 = arith.constant 1 : i32
          %select_n3A_257 = arith.select %eq3A_255, %jit3A_256, %jit3A_253 : i32
          %rem3A_258 = arith.remsi %while3A_233, %select_n3A_257 : i32
          %ne3A_259 = arith.constant 0 : i32
          %ne3A_260 = arith.cmpi ne, %rem3A_258, %ne3A_259 : i32
          %lt3A_261 = arith.constant 0 : i32
          %lt3A_262 = arith.cmpi slt, %rem3A_258, %lt3A_261 : i32
          %lt3A_263 = arith.constant 0 : i32
          %lt3A_264 = arith.cmpi slt, %select_n3A_257, %lt3A_263 : i32
          %ne3A_265 = arith.xori %lt3A_262, %lt3A_264 : i1
          %and3A_266 = arith.andi %ne3A_265, %ne3A_260 : i1
          %add3A_267 = arith.addi %rem3A_258, %select_n3A_257 : i32
          %select_n3A_268 = arith.select %and3A_266, %add3A_267, %rem3A_258 : i32
          %ge3A = arith.constant 8 : i32
          %ge3A_269 = arith.cmpi sge, %while3A_233, %ge3A : i32
          %convert_element_type3A_270 = arith.extui %ge3A_269 : i1 to i32
          %cond3A_271 = arith.constant 0 : i32
          %cond3A_272 = arith.cmpi ne, %convert_element_type3A_270, %cond3A_271 : i32
          scf.if %cond3A_272 {
            %dma_wait3A_360 = arith.constant 0 : i32
            %dma_wait3A_361 = arith.constant 0 : i32
            %dma_wait3A_362 = tpu.memref_slice %arg14[%dma_wait3A_360, %dma_wait3A_361] : memref<8x128xf32, #tpu.memory_space<vmem>> -> memref<1x128xf32, #tpu.memory_space<vmem>>
            %dma_wait3A_363 = tpu.memref_squeeze %dma_wait3A_362 : memref<1x128xf32, #tpu.memory_space<vmem>> -> memref<128xf32, #tpu.memory_space<vmem>>
            %dma_wait3A_364 = arith.constant 0 : i32
            %dma_wait3A_365 = tpu.memref_slice %arg5[%dma_wait3A_364] : memref<2097152xf32, #tpu.memory_space<hbm>> -> memref<128xf32, #tpu.memory_space<hbm>>
            %dma_wait3A_366 = arith.constant 0 : i32
            %dma_wait3A_367 = tpu.memref_slice %arg14[%dma_wait3A_360, %dma_wait3A_366] : memref<8x128xf32, #tpu.memory_space<vmem>> -> memref<1x128xf32, #tpu.memory_space<vmem>>
            %dma_wait3A_368 = tpu.memref_squeeze %dma_wait3A_367 : memref<1x128xf32, #tpu.memory_space<vmem>> -> memref<128xf32, #tpu.memory_space<vmem>>
            %dma_wait3A_369 = arith.constant 0 : i32
            %dma_wait3A_370 = tpu.memref_slice %arg5[%dma_wait3A_369] : memref<2097152xf32, #tpu.memory_space<hbm>> -> memref<128xf32, #tpu.memory_space<hbm>>
            tpu.wait_dma2 semaphore(%arg16 : memref<!tpu.dma_semaphore, #tpu.memory_space<semaphore_mem>>) src(%dma_wait3A_370 : memref<128xf32, #tpu.memory_space<hbm>>) dst(%dma_wait3A_368 : memref<128xf32, #tpu.memory_space<vmem>>)
          } else {
          }
          %add3A_273 = arith.constant 0 : i32
          %add3A_274 = vector.broadcast %add3A_273 : i32 to vector<16xi32>
          %add3A_275 = arith.addi %add3A_274, %iota3A : vector<16xi32>
          %gather3A = arith.constant 0 : i32
          %gather3A_276 = arith.constant 0 : i32
          %gather3A_277 = tpu.memref_slice %arg12[%select_n3A_171, %gather3A, %gather3A_276] : memref<5x64x128xf32, #tpu.memory_space<vmem>> -> memref<1x64x128xf32, #tpu.memory_space<vmem>>
          %gather3A_278 = tpu.memref_squeeze %gather3A_277 : memref<1x64x128xf32, #tpu.memory_space<vmem>> -> memref<64x128xf32, #tpu.memory_space<vmem>>
          %gather3A_279 = tpu.vector_load_idx %gather3A_278[%add3A_275, %broadcast_in_dim3A_252] : memref<64x128xf32, #tpu.memory_space<vmem>>[vector<16xi32>, vector<16xi32>], vector<16xf32>,
          %swap3A_280 = arith.index_cast %select_n3A_268 : i32 to index
          %swap3A_281 = arith.constant 0 : index
          %swap3A_282 = tpu.vector_load %arg14[%swap3A_280, %swap3A_281] {strides = array<i32>} : memref<8x128xf32, #tpu.memory_space<vmem>>, vector<16xf32>,
          tpu.vector_store %arg14[%swap3A_280, %swap3A_281], %gather3A_279 {strides = array<i32>} : memref<8x128xf32, #tpu.memory_space<vmem>>, vector<16xf32>,
          %gather3A_283 = arith.constant 0 : i32
          %gather3A_284 = arith.constant 0 : i32
          %gather3A_285 = tpu.memref_slice %arg13[%select_n3A_171, %gather3A_283, %gather3A_284] : memref<5x64x128xf32, #tpu.memory_space<vmem>> -> memref<1x64x128xf32, #tpu.memory_space<vmem>>
          %gather3A_286 = tpu.memref_squeeze %gather3A_285 : memref<1x64x128xf32, #tpu.memory_space<vmem>> -> memref<64x128xf32, #tpu.memory_space<vmem>>
          %gather3A_287 = tpu.vector_load_idx %gather3A_286[%add3A_275, %broadcast_in_dim3A_252] : memref<64x128xf32, #tpu.memory_space<vmem>>[vector<16xi32>, vector<16xi32>], vector<16xf32>,
          %swap3A_288 = arith.index_cast %select_n3A_268 : i32 to index
          %swap3A_289 = arith.constant 64 : index
          %swap3A_290 = tpu.vector_load %arg14[%swap3A_288, %swap3A_289] {strides = array<i32>} : memref<8x128xf32, #tpu.memory_space<vmem>>, vector<16xf32>,
          tpu.vector_store %arg14[%swap3A_288, %swap3A_289], %gather3A_287 {strides = array<i32>} : memref<8x128xf32, #tpu.memory_space<vmem>>, vector<16xf32>,
          %add3A_291 = arith.constant 16 : i32
          %add3A_292 = vector.broadcast %add3A_291 : i32 to vector<16xi32>
          %add3A_293 = arith.addi %add3A_292, %iota3A : vector<16xi32>
          %gather3A_294 = arith.constant 0 : i32
          %gather3A_295 = arith.constant 0 : i32
          %gather3A_296 = tpu.memref_slice %arg12[%select_n3A_171, %gather3A_294, %gather3A_295] : memref<5x64x128xf32, #tpu.memory_space<vmem>> -> memref<1x64x128xf32, #tpu.memory_space<vmem>>
          %gather3A_297 = tpu.memref_squeeze %gather3A_296 : memref<1x64x128xf32, #tpu.memory_space<vmem>> -> memref<64x128xf32, #tpu.memory_space<vmem>>
          %gather3A_298 = tpu.vector_load_idx %gather3A_297[%add3A_293, %broadcast_in_dim3A_252] : memref<64x128xf32, #tpu.memory_space<vmem>>[vector<16xi32>, vector<16xi32>], vector<16xf32>,
          %swap3A_299 = arith.index_cast %select_n3A_268 : i32 to index
          %swap3A_300 = arith.constant 16 : index
          %swap3A_301 = tpu.vector_load %arg14[%swap3A_299, %swap3A_300] {strides = array<i32>} : memref<8x128xf32, #tpu.memory_space<vmem>>, vector<16xf32>,
          tpu.vector_store %arg14[%swap3A_299, %swap3A_300], %gather3A_298 {strides = array<i32>} : memref<8x128xf32, #tpu.memory_space<vmem>>, vector<16xf32>,
          %gather3A_302 = arith.constant 0 : i32
          %gather3A_303 = arith.constant 0 : i32
          %gather3A_304 = tpu.memref_slice %arg13[%select_n3A_171, %gather3A_302, %gather3A_303] : memref<5x64x128xf32, #tpu.memory_space<vmem>> -> memref<1x64x128xf32, #tpu.memory_space<vmem>>
          %gather3A_305 = tpu.memref_squeeze %gather3A_304 : memref<1x64x128xf32, #tpu.memory_space<vmem>> -> memref<64x128xf32, #tpu.memory_space<vmem>>
          %gather3A_306 = tpu.vector_load_idx %gather3A_305[%add3A_293, %broadcast_in_dim3A_252] : memref<64x128xf32, #tpu.memory_space<vmem>>[vector<16xi32>, vector<16xi32>], vector<16xf32>,
          %swap3A_307 = arith.index_cast %select_n3A_268 : i32 to index
          %swap3A_308 = arith.constant 80 : index
          %swap3A_309 = tpu.vector_load %arg14[%swap3A_307, %swap3A_308] {strides = array<i32>} : memref<8x128xf32, #tpu.memory_space<vmem>>, vector<16xf32>,
          tpu.vector_store %arg14[%swap3A_307, %swap3A_308], %gather3A_306 {strides = array<i32>} : memref<8x128xf32, #tpu.memory_space<vmem>>, vector<16xf32>,
          %add3A_310 = arith.constant 32 : i32
          %add3A_311 = vector.broadcast %add3A_310 : i32 to vector<16xi32>
          %add3A_312 = arith.addi %add3A_311, %iota3A : vector<16xi32>
          %gather3A_313 = arith.constant 0 : i32
          %gather3A_314 = arith.constant 0 : i32
          %gather3A_315 = tpu.memref_slice %arg12[%select_n3A_171, %gather3A_313, %gather3A_314] : memref<5x64x128xf32, #tpu.memory_space<vmem>> -> memref<1x64x128xf32, #tpu.memory_space<vmem>>
          %gather3A_316 = tpu.memref_squeeze %gather3A_315 : memref<1x64x128xf32, #tpu.memory_space<vmem>> -> memref<64x128xf32, #tpu.memory_space<vmem>>
          %gather3A_317 = tpu.vector_load_idx %gather3A_316[%add3A_312, %broadcast_in_dim3A_252] : memref<64x128xf32, #tpu.memory_space<vmem>>[vector<16xi32>, vector<16xi32>], vector<16xf32>,
          %swap3A_318 = arith.index_cast %select_n3A_268 : i32 to index
          %swap3A_319 = arith.constant 32 : index
          %swap3A_320 = tpu.vector_load %arg14[%swap3A_318, %swap3A_319] {strides = array<i32>} : memref<8x128xf32, #tpu.memory_space<vmem>>, vector<16xf32>,
          tpu.vector_store %arg14[%swap3A_318, %swap3A_319], %gather3A_317 {strides = array<i32>} : memref<8x128xf32, #tpu.memory_space<vmem>>, vector<16xf32>,
          %gather3A_321 = arith.constant 0 : i32
          %gather3A_322 = arith.constant 0 : i32
          %gather3A_323 = tpu.memref_slice %arg13[%select_n3A_171, %gather3A_321, %gather3A_322] : memref<5x64x128xf32, #tpu.memory_space<vmem>> -> memref<1x64x128xf32, #tpu.memory_space<vmem>>
          %gather3A_324 = tpu.memref_squeeze %gather3A_323 : memref<1x64x128xf32, #tpu.memory_space<vmem>> -> memref<64x128xf32, #tpu.memory_space<vmem>>
          %gather3A_325 = tpu.vector_load_idx %gather3A_324[%add3A_312, %broadcast_in_dim3A_252] : memref<64x128xf32, #tpu.memory_space<vmem>>[vector<16xi32>, vector<16xi32>], vector<16xf32>,
          %swap3A_326 = arith.index_cast %select_n3A_268 : i32 to index
          %swap3A_327 = arith.constant 96 : index
          %swap3A_328 = tpu.vector_load %arg14[%swap3A_326, %swap3A_327] {strides = array<i32>} : memref<8x128xf32, #tpu.memory_space<vmem>>, vector<16xf32>,
          tpu.vector_store %arg14[%swap3A_326, %swap3A_327], %gather3A_325 {strides = array<i32>} : memref<8x128xf32, #tpu.memory_space<vmem>>, vector<16xf32>,
          %add3A_329 = arith.constant 48 : i32
          %add3A_330 = vector.broadcast %add3A_329 : i32 to vector<16xi32>
          %add3A_331 = arith.addi %add3A_330, %iota3A : vector<16xi32>
          %gather3A_332 = arith.constant 0 : i32
          %gather3A_333 = arith.constant 0 : i32
          %gather3A_334 = tpu.memref_slice %arg12[%select_n3A_171, %gather3A_332, %gather3A_333] : memref<5x64x128xf32, #tpu.memory_space<vmem>> -> memref<1x64x128xf32, #tpu.memory_space<vmem>>
          %gather3A_335 = tpu.memref_squeeze %gather3A_334 : memref<1x64x128xf32, #tpu.memory_space<vmem>> -> memref<64x128xf32, #tpu.memory_space<vmem>>
          %gather3A_336 = tpu.vector_load_idx %gather3A_335[%add3A_331, %broadcast_in_dim3A_252] : memref<64x128xf32, #tpu.memory_space<vmem>>[vector<16xi32>, vector<16xi32>], vector<16xf32>,
          %swap3A_337 = arith.index_cast %select_n3A_268 : i32 to index
          %swap3A_338 = arith.constant 48 : index
          %swap3A_339 = tpu.vector_load %arg14[%swap3A_337, %swap3A_338] {strides = array<i32>} : memref<8x128xf32, #tpu.memory_space<vmem>>, vector<16xf32>,
          tpu.vector_store %arg14[%swap3A_337, %swap3A_338], %gather3A_336 {strides = array<i32>} : memref<8x128xf32, #tpu.memory_space<vmem>>, vector<16xf32>,
          %gather3A_340 = arith.constant 0 : i32
          %gather3A_341 = arith.constant 0 : i32
          %gather3A_342 = tpu.memref_slice %arg13[%select_n3A_171, %gather3A_340, %gather3A_341] : memref<5x64x128xf32, #tpu.memory_space<vmem>> -> memref<1x64x128xf32, #tpu.memory_space<vmem>>
          %gather3A_343 = tpu.memref_squeeze %gather3A_342 : memref<1x64x128xf32, #tpu.memory_space<vmem>> -> memref<64x128xf32, #tpu.memory_space<vmem>>
          %gather3A_344 = tpu.vector_load_idx %gather3A_343[%add3A_331, %broadcast_in_dim3A_252] : memref<64x128xf32, #tpu.memory_space<vmem>>[vector<16xi32>, vector<16xi32>], vector<16xf32>,
          %swap3A_345 = arith.index_cast %select_n3A_268 : i32 to index
          %swap3A_346 = arith.constant 112 : index
          %swap3A_347 = tpu.vector_load %arg14[%swap3A_345, %swap3A_346] {strides = array<i32>} : memref<8x128xf32, #tpu.memory_space<vmem>>, vector<16xf32>,
          tpu.vector_store %arg14[%swap3A_345, %swap3A_346], %gather3A_344 {strides = array<i32>} : memref<8x128xf32, #tpu.memory_space<vmem>>, vector<16xf32>,
          %mul3A_348 = arith.constant 128 : i32
          %mul3A_349 = arith.muli %shift_right_arithmetic3A_248, %mul3A_348 : i32
          %multiple_of3A_350 = tpu.assume_multiple %mul3A_349, 128 : i32
          %dma_start3A = arith.constant 0 : i32
          %dma_start3A_351 = tpu.memref_slice %arg14[%select_n3A_268, %dma_start3A] : memref<8x128xf32, #tpu.memory_space<vmem>> -> memref<1x128xf32, #tpu.memory_space<vmem>>
          %dma_start3A_352 = tpu.memref_squeeze %dma_start3A_351 : memref<1x128xf32, #tpu.memory_space<vmem>> -> memref<128xf32, #tpu.memory_space<vmem>>
          %dma_start3A_353 = tpu.memref_slice %arg5[%multiple_of3A_350] : memref<2097152xf32, #tpu.memory_space<hbm>> -> memref<128xf32, #tpu.memory_space<hbm>>
          %dma_start3A_354 = tpu.memref_slice %arg5[%multiple_of3A_350] : memref<2097152xf32, #tpu.memory_space<hbm>> -> memref<128xf32, #tpu.memory_space<hbm>>
          %dma_start3A_355 = arith.constant 0 : i32
          %dma_start3A_356 = tpu.memref_slice %arg14[%select_n3A_268, %dma_start3A_355] : memref<8x128xf32, #tpu.memory_space<vmem>> -> memref<1x128xf32, #tpu.memory_space<vmem>>
          %dma_start3A_357 = tpu.memref_squeeze %dma_start3A_356 : memref<1x128xf32, #tpu.memory_space<vmem>> -> memref<128xf32, #tpu.memory_space<vmem>>
          tpu.enqueue_dma source(%dma_start3A_357 : memref<128xf32, #tpu.memory_space<vmem>>) target(%dma_start3A_354 : memref<128xf32, #tpu.memory_space<hbm>>) target_semaphore(%arg16 : memref<!tpu.dma_semaphore, #tpu.memory_space<semaphore_mem>>)
          %add3A_358 = arith.constant 1 : i32
          %add3A_359 = arith.addi %while3A_233, %add3A_358 : i32
          scf.yield %add3A_359 : i32
        }
        %while3A_230 = arith.constant 1 : i32
        %while3A_231 = scf.for %while3A_232 = %while3A_227 to %while3A_223 step %while3A_230 iter_args(%while3A_233 = %while3A_229) -> (i32)  : i32 {
          %add3A_234 = arith.addi %reduce_sum3A_220, %while3A_232 : i32
          %get3A_235 = arith.index_cast %add3A_234 : i32 to index
          %get3A_236 = tpu.vector_load %arg7[%get3A_235] {strides = array<i32>} : memref<16400xi32, #tpu.memory_space<vmem>>, vector<16xi32>,
          %eq3A_237 = arith.constant 0 : i32
          %eq3A_238 = vector.broadcast %eq3A_237 : i32 to vector<16xi32>
          %eq3A_239 = arith.cmpi eq, %iota3A, %eq3A_238 : vector<16xi32>
          %jit3A_240 = arith.constant 0 : i32
          %broadcast_in_dim3A_241 = vector.broadcast %jit3A_240 : i32 to vector<16xi32>
          %select_n3A_242 = arith.select %eq3A_239, %get3A_236, %broadcast_in_dim3A_241 : vector<16xi1>, vector<16xi32>
          %reduce_sum3A_243 = arith.constant true
          %reduce_sum3A_244 = vector.broadcast %reduce_sum3A_243 : i1 to vector<16xi1>
          %reduce_sum3A_245 = tpu.scan <sum>, %select_n3A_242 masked %reduce_sum3A_244 : vector<16xi32>, vector<16xi1> -> vector<16xi32>
          %reduce_sum3A_246 = vector.extract %reduce_sum3A_245[15] : i32 from vector<16xi32>
          %shift_right_arithmetic3A_247 = arith.constant 7 : i32
          %shift_right_arithmetic3A_248 = arith.shrsi %reduce_sum3A_246, %shift_right_arithmetic3A_247 : i32
          %and3A_249 = arith.constant 127 : i32
          %and3A_250 = arith.andi %reduce_sum3A_246, %and3A_249 : i32
          %add3A_251 = arith.addi %and3A_250, %sub3A_180 : i32
          %broadcast_in_dim3A_252 = vector.broadcast %add3A_251 : i32 to vector<16xi32>
          %jit3A_253 = arith.constant 8 : i32
          %eq3A_254 = arith.constant 0 : i32
          %eq3A_255 = arith.cmpi eq, %jit3A_253, %eq3A_254 : i32
          %jit3A_256 = arith.constant 1 : i32
          %select_n3A_257 = arith.select %eq3A_255, %jit3A_256, %jit3A_253 : i32
          %rem3A_258 = arith.remsi %while3A_233, %select_n3A_257 : i32
          %ne3A_259 = arith.constant 0 : i32
          %ne3A_260 = arith.cmpi ne, %rem3A_258, %ne3A_259 : i32
          %lt3A_261 = arith.constant 0 : i32
          %lt3A_262 = arith.cmpi slt, %rem3A_258, %lt3A_261 : i32
          %lt3A_263 = arith.constant 0 : i32
          %lt3A_264 = arith.cmpi slt, %select_n3A_257, %lt3A_263 : i32
          %ne3A_265 = arith.xori %lt3A_262, %lt3A_264 : i1
          %and3A_266 = arith.andi %ne3A_265, %ne3A_260 : i1
          %add3A_267 = arith.addi %rem3A_258, %select_n3A_257 : i32
          %select_n3A_268 = arith.select %and3A_266, %add3A_267, %rem3A_258 : i32
          %ge3A = arith.constant 8 : i32
          %ge3A_269 = arith.cmpi sge, %while3A_233, %ge3A : i32
          %convert_element_type3A_270 = arith.extui %ge3A_269 : i1 to i32
          %cond3A_271 = arith.constant 0 : i32
          %cond3A_272 = arith.cmpi ne, %convert_element_type3A_270, %cond3A_271 : i32
          scf.if %cond3A_272 {
            %dma_wait3A_360 = arith.constant 0 : i32
            %dma_wait3A_361 = arith.constant 0 : i32
            %dma_wait3A_362 = tpu.memref_slice %arg14[%dma_wait3A_360, %dma_wait3A_361] : memref<8x128xf32, #tpu.memory_space<vmem>> -> memref<1x128xf32, #tpu.memory_space<vmem>>
            %dma_wait3A_363 = tpu.memref_squeeze %dma_wait3A_362 : memref<1x128xf32, #tpu.memory_space<vmem>> -> memref<128xf32, #tpu.memory_space<vmem>>
            %dma_wait3A_364 = arith.constant 0 : i32
            %dma_wait3A_365 = tpu.memref_slice %arg5[%dma_wait3A_364] : memref<2097152xf32, #tpu.memory_space<hbm>> -> memref<128xf32, #tpu.memory_space<hbm>>
            %dma_wait3A_366 = arith.constant 0 : i32
            %dma_wait3A_367 = tpu.memref_slice %arg14[%dma_wait3A_360, %dma_wait3A_366] : memref<8x128xf32, #tpu.memory_space<vmem>> -> memref<1x128xf32, #tpu.memory_space<vmem>>
            %dma_wait3A_368 = tpu.memref_squeeze %dma_wait3A_367 : memref<1x128xf32, #tpu.memory_space<vmem>> -> memref<128xf32, #tpu.memory_space<vmem>>
            %dma_wait3A_369 = arith.constant 0 : i32
            %dma_wait3A_370 = tpu.memref_slice %arg5[%dma_wait3A_369] : memref<2097152xf32, #tpu.memory_space<hbm>> -> memref<128xf32, #tpu.memory_space<hbm>>
            tpu.wait_dma2 semaphore(%arg16 : memref<!tpu.dma_semaphore, #tpu.memory_space<semaphore_mem>>) src(%dma_wait3A_370 : memref<128xf32, #tpu.memory_space<hbm>>) dst(%dma_wait3A_368 : memref<128xf32, #tpu.memory_space<vmem>>)
          } else {
          }
          %add3A_273 = arith.constant 0 : i32
          %add3A_274 = vector.broadcast %add3A_273 : i32 to vector<16xi32>
          %add3A_275 = arith.addi %add3A_274, %iota3A : vector<16xi32>
          %gather3A = arith.constant 0 : i32
          %gather3A_276 = arith.constant 0 : i32
          %gather3A_277 = tpu.memref_slice %arg12[%select_n3A_171, %gather3A, %gather3A_276] : memref<5x64x128xf32, #tpu.memory_space<vmem>> -> memref<1x64x128xf32, #tpu.memory_space<vmem>>
          %gather3A_278 = tpu.memref_squeeze %gather3A_277 : memref<1x64x128xf32, #tpu.memory_space<vmem>> -> memref<64x128xf32, #tpu.memory_space<vmem>>
          %gather3A_279 = tpu.vector_load_idx %gather3A_278[%add3A_275, %broadcast_in_dim3A_252] : memref<64x128xf32, #tpu.memory_space<vmem>>[vector<16xi32>, vector<16xi32>], vector<16xf32>,
          %swap3A_280 = arith.index_cast %select_n3A_268 : i32 to index
          %swap3A_281 = arith.constant 0 : index
          %swap3A_282 = tpu.vector_load %arg14[%swap3A_280, %swap3A_281] {strides = array<i32>} : memref<8x128xf32, #tpu.memory_space<vmem>>, vector<16xf32>,
          tpu.vector_store %arg14[%swap3A_280, %swap3A_281], %gather3A_279 {strides = array<i32>} : memref<8x128xf32, #tpu.memory_space<vmem>>, vector<16xf32>,
          %gather3A_283 = arith.constant 0 : i32
          %gather3A_284 = arith.constant 0 : i32
          %gather3A_285 = tpu.memref_slice %arg13[%select_n3A_171, %gather3A_283, %gather3A_284] : memref<5x64x128xf32, #tpu.memory_space<vmem>> -> memref<1x64x128xf32, #tpu.memory_space<vmem>>
          %gather3A_286 = tpu.memref_squeeze %gather3A_285 : memref<1x64x128xf32, #tpu.memory_space<vmem>> -> memref<64x128xf32, #tpu.memory_space<vmem>>
          %gather3A_287 = tpu.vector_load_idx %gather3A_286[%add3A_275, %broadcast_in_dim3A_252] : memref<64x128xf32, #tpu.memory_space<vmem>>[vector<16xi32>, vector<16xi32>], vector<16xf32>,
          %swap3A_288 = arith.index_cast %select_n3A_268 : i32 to index
          %swap3A_289 = arith.constant 64 : index
          %swap3A_290 = tpu.vector_load %arg14[%swap3A_288, %swap3A_289] {strides = array<i32>} : memref<8x128xf32, #tpu.memory_space<vmem>>, vector<16xf32>,
          tpu.vector_store %arg14[%swap3A_288, %swap3A_289], %gather3A_287 {strides = array<i32>} : memref<8x128xf32, #tpu.memory_space<vmem>>, vector<16xf32>,
          %add3A_291 = arith.constant 16 : i32
          %add3A_292 = vector.broadcast %add3A_291 : i32 to vector<16xi32>
          %add3A_293 = arith.addi %add3A_292, %iota3A : vector<16xi32>
          %gather3A_294 = arith.constant 0 : i32
          %gather3A_295 = arith.constant 0 : i32
          %gather3A_296 = tpu.memref_slice %arg12[%select_n3A_171, %gather3A_294, %gather3A_295] : memref<5x64x128xf32, #tpu.memory_space<vmem>> -> memref<1x64x128xf32, #tpu.memory_space<vmem>>
          %gather3A_297 = tpu.memref_squeeze %gather3A_296 : memref<1x64x128xf32, #tpu.memory_space<vmem>> -> memref<64x128xf32, #tpu.memory_space<vmem>>
          %gather3A_298 = tpu.vector_load_idx %gather3A_297[%add3A_293, %broadcast_in_dim3A_252] : memref<64x128xf32, #tpu.memory_space<vmem>>[vector<16xi32>, vector<16xi32>], vector<16xf32>,
          %swap3A_299 = arith.index_cast %select_n3A_268 : i32 to index
          %swap3A_300 = arith.constant 16 : index
          %swap3A_301 = tpu.vector_load %arg14[%swap3A_299, %swap3A_300] {strides = array<i32>} : memref<8x128xf32, #tpu.memory_space<vmem>>, vector<16xf32>,
          tpu.vector_store %arg14[%swap3A_299, %swap3A_300], %gather3A_298 {strides = array<i32>} : memref<8x128xf32, #tpu.memory_space<vmem>>, vector<16xf32>,
          %gather3A_302 = arith.constant 0 : i32
          %gather3A_303 = arith.constant 0 : i32
          %gather3A_304 = tpu.memref_slice %arg13[%select_n3A_171, %gather3A_302, %gather3A_303] : memref<5x64x128xf32, #tpu.memory_space<vmem>> -> memref<1x64x128xf32, #tpu.memory_space<vmem>>
          %gather3A_305 = tpu.memref_squeeze %gather3A_304 : memref<1x64x128xf32, #tpu.memory_space<vmem>> -> memref<64x128xf32, #tpu.memory_space<vmem>>
          %gather3A_306 = tpu.vector_load_idx %gather3A_305[%add3A_293, %broadcast_in_dim3A_252] : memref<64x128xf32, #tpu.memory_space<vmem>>[vector<16xi32>, vector<16xi32>], vector<16xf32>,
          %swap3A_307 = arith.index_cast %select_n3A_268 : i32 to index
          %swap3A_308 = arith.constant 80 : index
          %swap3A_309 = tpu.vector_load %arg14[%swap3A_307, %swap3A_308] {strides = array<i32>} : memref<8x128xf32, #tpu.memory_space<vmem>>, vector<16xf32>,
          tpu.vector_store %arg14[%swap3A_307, %swap3A_308], %gather3A_306 {strides = array<i32>} : memref<8x128xf32, #tpu.memory_space<vmem>>, vector<16xf32>,
          %add3A_310 = arith.constant 32 : i32
          %add3A_311 = vector.broadcast %add3A_310 : i32 to vector<16xi32>
          %add3A_312 = arith.addi %add3A_311, %iota3A : vector<16xi32>
          %gather3A_313 = arith.constant 0 : i32
          %gather3A_314 = arith.constant 0 : i32
          %gather3A_315 = tpu.memref_slice %arg12[%select_n3A_171, %gather3A_313, %gather3A_314] : memref<5x64x128xf32, #tpu.memory_space<vmem>> -> memref<1x64x128xf32, #tpu.memory_space<vmem>>
          %gather3A_316 = tpu.memref_squeeze %gather3A_315 : memref<1x64x128xf32, #tpu.memory_space<vmem>> -> memref<64x128xf32, #tpu.memory_space<vmem>>
          %gather3A_317 = tpu.vector_load_idx %gather3A_316[%add3A_312, %broadcast_in_dim3A_252] : memref<64x128xf32, #tpu.memory_space<vmem>>[vector<16xi32>, vector<16xi32>], vector<16xf32>,
          %swap3A_318 = arith.index_cast %select_n3A_268 : i32 to index
          %swap3A_319 = arith.constant 32 : index
          %swap3A_320 = tpu.vector_load %arg14[%swap3A_318, %swap3A_319] {strides = array<i32>} : memref<8x128xf32, #tpu.memory_space<vmem>>, vector<16xf32>,
          tpu.vector_store %arg14[%swap3A_318, %swap3A_319], %gather3A_317 {strides = array<i32>} : memref<8x128xf32, #tpu.memory_space<vmem>>, vector<16xf32>,
          %gather3A_321 = arith.constant 0 : i32
          %gather3A_322 = arith.constant 0 : i32
          %gather3A_323 = tpu.memref_slice %arg13[%select_n3A_171, %gather3A_321, %gather3A_322] : memref<5x64x128xf32, #tpu.memory_space<vmem>> -> memref<1x64x128xf32, #tpu.memory_space<vmem>>
          %gather3A_324 = tpu.memref_squeeze %gather3A_323 : memref<1x64x128xf32, #tpu.memory_space<vmem>> -> memref<64x128xf32, #tpu.memory_space<vmem>>
          %gather3A_325 = tpu.vector_load_idx %gather3A_324[%add3A_312, %broadcast_in_dim3A_252] : memref<64x128xf32, #tpu.memory_space<vmem>>[vector<16xi32>, vector<16xi32>], vector<16xf32>,
          %swap3A_326 = arith.index_cast %select_n3A_268 : i32 to index
          %swap3A_327 = arith.constant 96 : index
          %swap3A_328 = tpu.vector_load %arg14[%swap3A_326, %swap3A_327] {strides = array<i32>} : memref<8x128xf32, #tpu.memory_space<vmem>>, vector<16xf32>,
          tpu.vector_store %arg14[%swap3A_326, %swap3A_327], %gather3A_325 {strides = array<i32>} : memref<8x128xf32, #tpu.memory_space<vmem>>, vector<16xf32>,
          %add3A_329 = arith.constant 48 : i32
          %add3A_330 = vector.broadcast %add3A_329 : i32 to vector<16xi32>
          %add3A_331 = arith.addi %add3A_330, %iota3A : vector<16xi32>
          %gather3A_332 = arith.constant 0 : i32
          %gather3A_333 = arith.constant 0 : i32
          %gather3A_334 = tpu.memref_slice %arg12[%select_n3A_171, %gather3A_332, %gather3A_333] : memref<5x64x128xf32, #tpu.memory_space<vmem>> -> memref<1x64x128xf32, #tpu.memory_space<vmem>>
          %gather3A_335 = tpu.memref_squeeze %gather3A_334 : memref<1x64x128xf32, #tpu.memory_space<vmem>> -> memref<64x128xf32, #tpu.memory_space<vmem>>
          %gather3A_336 = tpu.vector_load_idx %gather3A_335[%add3A_331, %broadcast_in_dim3A_252] : memref<64x128xf32, #tpu.memory_space<vmem>>[vector<16xi32>, vector<16xi32>], vector<16xf32>,
          %swap3A_337 = arith.index_cast %select_n3A_268 : i32 to index
          %swap3A_338 = arith.constant 48 : index
          %swap3A_339 = tpu.vector_load %arg14[%swap3A_337, %swap3A_338] {strides = array<i32>} : memref<8x128xf32, #tpu.memory_space<vmem>>, vector<16xf32>,
          tpu.vector_store %arg14[%swap3A_337, %swap3A_338], %gather3A_336 {strides = array<i32>} : memref<8x128xf32, #tpu.memory_space<vmem>>, vector<16xf32>,
          %gather3A_340 = arith.constant 0 : i32
          %gather3A_341 = arith.constant 0 : i32
          %gather3A_342 = tpu.memref_slice %arg13[%select_n3A_171, %gather3A_340, %gather3A_341] : memref<5x64x128xf32, #tpu.memory_space<vmem>> -> memref<1x64x128xf32, #tpu.memory_space<vmem>>
          %gather3A_343 = tpu.memref_squeeze %gather3A_342 : memref<1x64x128xf32, #tpu.memory_space<vmem>> -> memref<64x128xf32, #tpu.memory_space<vmem>>
          %gather3A_344 = tpu.vector_load_idx %gather3A_343[%add3A_331, %broadcast_in_dim3A_252] : memref<64x128xf32, #tpu.memory_space<vmem>>[vector<16xi32>, vector<16xi32>], vector<16xf32>,
          %swap3A_345 = arith.index_cast %select_n3A_268 : i32 to index
          %swap3A_346 = arith.constant 112 : index
          %swap3A_347 = tpu.vector_load %arg14[%swap3A_345, %swap3A_346] {strides = array<i32>} : memref<8x128xf32, #tpu.memory_space<vmem>>, vector<16xf32>,
          tpu.vector_store %arg14[%swap3A_345, %swap3A_346], %gather3A_344 {strides = array<i32>} : memref<8x128xf32, #tpu.memory_space<vmem>>, vector<16xf32>,
          %mul3A_348 = arith.constant 128 : i32
          %mul3A_349 = arith.muli %shift_right_arithmetic3A_248, %mul3A_348 : i32
          %multiple_of3A_350 = tpu.assume_multiple %mul3A_349, 128 : i32
          %dma_start3A = arith.constant 0 : i32
          %dma_start3A_351 = tpu.memref_slice %arg14[%select_n3A_268, %dma_start3A] : memref<8x128xf32, #tpu.memory_space<vmem>> -> memref<1x128xf32, #tpu.memory_space<vmem>>
          %dma_start3A_352 = tpu.memref_squeeze %dma_start3A_351 : memref<1x128xf32, #tpu.memory_space<vmem>> -> memref<128xf32, #tpu.memory_space<vmem>>
          %dma_start3A_353 = tpu.memref_slice %arg5[%multiple_of3A_350] : memref<2097152xf32, #tpu.memory_space<hbm>> -> memref<128xf32, #tpu.memory_space<hbm>>
          %dma_start3A_354 = tpu.memref_slice %arg5[%multiple_of3A_350] : memref<2097152xf32, #tpu.memory_space<hbm>> -> memref<128xf32, #tpu.memory_space<hbm>>
          %dma_start3A_355 = arith.constant 0 : i32
          %dma_start3A_356 = tpu.memref_slice %arg14[%select_n3A_268, %dma_start3A_355] : memref<8x128xf32, #tpu.memory_space<vmem>> -> memref<1x128xf32, #tpu.memory_space<vmem>>
          %dma_start3A_357 = tpu.memref_squeeze %dma_start3A_356 : memref<1x128xf32, #tpu.memory_space<vmem>> -> memref<128xf32, #tpu.memory_space<vmem>>
          tpu.enqueue_dma source(%dma_start3A_357 : memref<128xf32, #tpu.memory_space<vmem>>) target(%dma_start3A_354 : memref<128xf32, #tpu.memory_space<hbm>>) target_semaphore(%arg16 : memref<!tpu.dma_semaphore, #tpu.memory_space<semaphore_mem>>)
          %add3A_358 = arith.constant 1 : i32
          %add3A_359 = arith.addi %while3A_233, %add3A_358 : i32
          scf.yield %add3A_359 : i32
        }
        scf.yield %while3A_231 : i32
      } else {
        scf.yield %while3A_127 : i32
      }
      scf.yield %cond3A_157 : i32
    }
    %min3A_114 = arith.constant 8 : i32
    %min3A_115 = arith.minsi %while3A_113, %min3A_114 : i32
    %while3A_116 = arith.constant 0 : i32
    %while3A_117 = arith.constant 0 : i32
    %while3A_118 = arith.subi %min3A_115, %while3A_117 : i32
    %while3A_119 = arith.addi %while3A_117, %while3A_118 : i32
    %while3A_120 = arith.constant 1 : i32
    %while3A_121 = arith.divsi %while3A_118, %while3A_120 : i32
    %while3A_122 = arith.muli %while3A_121, %while3A_120 : i32
    %while3A_123 = arith.addi %while3A_117, %while3A_122 : i32
    %while3A_124 = arith.constant 1 : i32
    scf.for %while3A_126 = %while3A_117 to %while3A_123 step %while3A_124  : i32 {
      %dma_wait3A = arith.constant 0 : i32
      %dma_wait3A_127 = arith.constant 0 : i32
      %dma_wait3A_128 = tpu.memref_slice %arg14[%dma_wait3A, %dma_wait3A_127] : memref<8x128xf32, #tpu.memory_space<vmem>> -> memref<1x128xf32, #tpu.memory_space<vmem>>
      %dma_wait3A_129 = tpu.memref_squeeze %dma_wait3A_128 : memref<1x128xf32, #tpu.memory_space<vmem>> -> memref<128xf32, #tpu.memory_space<vmem>>
      %dma_wait3A_130 = arith.constant 0 : i32
      %dma_wait3A_131 = tpu.memref_slice %arg5[%dma_wait3A_130] : memref<2097152xf32, #tpu.memory_space<hbm>> -> memref<128xf32, #tpu.memory_space<hbm>>
      %dma_wait3A_132 = arith.constant 0 : i32
      %dma_wait3A_133 = tpu.memref_slice %arg14[%dma_wait3A, %dma_wait3A_132] : memref<8x128xf32, #tpu.memory_space<vmem>> -> memref<1x128xf32, #tpu.memory_space<vmem>>
      %dma_wait3A_134 = tpu.memref_squeeze %dma_wait3A_133 : memref<1x128xf32, #tpu.memory_space<vmem>> -> memref<128xf32, #tpu.memory_space<vmem>>
      %dma_wait3A_135 = arith.constant 0 : i32
      %dma_wait3A_136 = tpu.memref_slice %arg5[%dma_wait3A_135] : memref<2097152xf32, #tpu.memory_space<hbm>> -> memref<128xf32, #tpu.memory_space<hbm>>
      tpu.wait_dma2 semaphore(%arg16 : memref<!tpu.dma_semaphore, #tpu.memory_space<semaphore_mem>>) src(%dma_wait3A_136 : memref<128xf32, #tpu.memory_space<hbm>>) dst(%dma_wait3A_134 : memref<128xf32, #tpu.memory_space<vmem>>)
    }
    %while3A_125 = arith.constant 1 : i32
    scf.for %while3A_126 = %while3A_123 to %while3A_119 step %while3A_125  : i32 {
      %dma_wait3A = arith.constant 0 : i32
      %dma_wait3A_127 = arith.constant 0 : i32
      %dma_wait3A_128 = tpu.memref_slice %arg14[%dma_wait3A, %dma_wait3A_127] : memref<8x128xf32, #tpu.memory_space<vmem>> -> memref<1x128xf32, #tpu.memory_space<vmem>>
      %dma_wait3A_129 = tpu.memref_squeeze %dma_wait3A_128 : memref<1x128xf32, #tpu.memory_space<vmem>> -> memref<128xf32, #tpu.memory_space<vmem>>
      %dma_wait3A_130 = arith.constant 0 : i32
      %dma_wait3A_131 = tpu.memref_slice %arg5[%dma_wait3A_130] : memref<2097152xf32, #tpu.memory_space<hbm>> -> memref<128xf32, #tpu.memory_space<hbm>>
      %dma_wait3A_132 = arith.constant 0 : i32
      %dma_wait3A_133 = tpu.memref_slice %arg14[%dma_wait3A, %dma_wait3A_132] : memref<8x128xf32, #tpu.memory_space<vmem>> -> memref<1x128xf32, #tpu.memory_space<vmem>>
      %dma_wait3A_134 = tpu.memref_squeeze %dma_wait3A_133 : memref<1x128xf32, #tpu.memory_space<vmem>> -> memref<128xf32, #tpu.memory_space<vmem>>
      %dma_wait3A_135 = arith.constant 0 : i32
      %dma_wait3A_136 = tpu.memref_slice %arg5[%dma_wait3A_135] : memref<2097152xf32, #tpu.memory_space<hbm>> -> memref<128xf32, #tpu.memory_space<hbm>>
      tpu.wait_dma2 semaphore(%arg16 : memref<!tpu.dma_semaphore, #tpu.memory_space<semaphore_mem>>) src(%dma_wait3A_136 : memref<128xf32, #tpu.memory_space<hbm>>) dst(%dma_wait3A_134 : memref<128xf32, #tpu.memory_space<vmem>>)
    }
    return
  }
}

</mosaic_0001>

<sc_bundles>
// kernel: kernel.4.cloned.1.call-start
scs
__scs_entry_jumppad:
0x0: {  	(pc) =	sbr.rel $0x88, $3  }
0x1: {  	(tag) =	ssettag $0x0;
	lr =	simm.s32 $0x1  }
0x2: {  	[smem:$0x3F9D] =	sst lr;
	_ =	strace $0xD0000000  }
0x3: {  	_ = 	snop  }
0x4: {  	_ = 	snop  }
0x5: {  	_ = 	snop  }
0x6: {  	_ = 	snop  }
0x7: {  	_ = 	snop  }
__scs_overlays_trampoline_lowered:
0x8: {  	[smem:$0x3FAC] =	sst s0  }
0x9: {  	[smem:$0x3FAD] =	sst s1  }
0xa: {  	[smem:$0x3FAE] =	sst s2  }
0xb: {  	[smem:$0x3FAF] =	sst s3  }
0xc: {  	[smem:$0x3FB0] =	sst s4  }
0xd: {  	[smem:$0x3FB1] =	sst s5  }
0xe: {  	[smem:$0x3FB2] =	sst s6  }
0xf: {  	[smem:$0x3FB3] =	sst s7  }
0x10: {  	[smem:$0x3FB4] =	sst s8  }
0x11: {  	[smem:$0x3FB5] =	sst s9;
	s0 =	simm.s32 @!p0 $0x0  }
0x12: {  	s1 =	sld [smem:$0x3F9B];
	s0 =	simm.s32 @p0 $0x1  }
0x13: {  	[smem:$0x3FB6] =	sst s0;
	s0 =	simm.s32 @!p1 $0x0  }
0x14: {  	s2 =	sld [smem:$0x3F9A];
	s0 =	simm.s32 @p1 $0x1  }
0x15: {  	[smem:$0x3FB7] =	sst s0;
	s0 =	simm.s32 @!p2 $0x0  }
0x16: {  	s3 =	sld [smem:$0x3FDB];
	s0 =	simm.s32 @p2 $0x1  }
0x17: {  	s4 =	simm.s32 $0x1BF5;
	[smem:$0x3FB9] =	sst s0  }
0x18: {  	s0 =	sld [smem:$0x3F9C];
	_ =	swait.ge [sflag:s4], $0x0  }
0x19: {  	s7 =	sld [smem:$0x3F9D]  }
0x1a: {  	s8 =	sadd.s32 $0xFFFFE003, lr  }
0x1b: {  	s9 =	sadd.s32 $0xFFFFFEF7, lr;
	s5 =	simm.s32 $0xFFFFFFFF;
	p2 =	slt.u32 s8, $0xFFFFF086  }
0x1c: {  	p1 =	slt.u32 s9, $0xF7A;
	s5 =	simm.s32 @!p2 $0x0  }
0x1d: {  	s5 =	simm.s32 @p1 $0x1;
	p0 =	seq.s32 s7, s2  }
0x1e: {  	s7 =	smul.u32 @!p0 $0xF7A, s2;
	p2 =	seq.s32 @!p0 s5, $0x0  }
0x1f: {  	s9 =	smul.u32 $0xF7A, s1;
	s8 =	simm.s32 @!p0 $0x1BF5;
	p2 =	por !p2, p0  }
0x20: {  	[sflag:s8] =	ssyncset.s32 @!p0 $0xFFFFF086;
	s6 =	sadd.s32 @!p0 s3, s7;
	s7 =	simm.s32 @!p0 $0x108  }
0x21: {  	s3 =	sadd.s32 s3, s9;
	s6 =	sadd.s32 @!p0 $0x88, s6;
	s7 =	simm.s32 @p2 $0x1082  }
0x22: {  	[simem:s7], [sflag:s8] =	dma.local @!p0 [hbm:s6], $0xF7A  }
0x23: {  	s9 =	sor.u32 $0xD0000000, s2;
	s6 =	simm.s32 $0x108;
	_ =	swait.ge @!p0 [sflag:s8], $0x0  }
0x24: {  	s3 =	sadd.s32 $0x88, s3;
	s6 =	simm.s32 @!p1 $0x1082;
	[sflag:s4] =	ssyncset.s32 $0xFFFFF086  }
0x25: {  	[simem:s6], [sflag:s4] =	dma.local [hbm:s3], $0xF7A  }
0x26: {  	[smem:$0x3F9D] =	sst s1;
	(tag) =	ssettag s2;
	_ =	strace s9  }
0x27: {  	s1 =	sld [smem:$0x3FAD]  }
0x28: {  	s2 =	sld [smem:$0x3FAE]  }
0x29: {  	s4 =	sld [smem:$0x3FB0]  }
0x2a: {  	p0 =	seq.s32 s5, $0x0;
	s5 =	sld [smem:$0x3FB1]  }
0x2b: {  	s6 =	sld [smem:$0x3FB2]  }
0x2c: {  	s7 =	sld [smem:$0x3FB3]  }
0x2d: {  	s3 =	simm.s32 $0x108;
	s8 =	sld [smem:$0x3FB4]  }
0x2e: {  	s3 =	simm.s32 @!p0 $0x1082;
	s9 =	sld [smem:$0x3FB5]  }
0x2f: {  	lr =	sadd.s32 s0, s3;
	s0 =	sld [smem:$0x3FAC]  }
0x30: {  	s3 =	sld [smem:$0x3FAF]  }
0x31: {  	[smem:$0x3FB8] =	sst s10  }
0x32: {  	s10 =	sld [smem:$0x3FB6];
	_ =	sdelay $0x3  }
0x33: {  	p0 =	seq.s32 s10, $0x1;
	s10 =	sld [smem:$0x3FB8];
	_ =	sdelay $0x3  }
0x34: {  	[smem:$0x3FB8] =	sst s10  }
0x35: {  	s10 =	sld [smem:$0x3FB7];
	_ =	sdelay $0x3  }
0x36: {  	p1 =	seq.s32 s10, $0x1;
	s10 =	sld [smem:$0x3FB8];
	_ =	sdelay $0x3  }
0x37: {  	[smem:$0x3FB8] =	sst s10  }
0x38: {  	s10 =	sld [smem:$0x3FB9]  }
0x39: {  	_ = 	snop;
	(pc) =	sbr.ind lr, $3  }
0x3a: {  	_ = 	snop  }
0x3b: {  	_ = 	snop  }
0x3c: {  	p2 =	seq.s32 s10, $0x1;
	s10 =	sld [smem:$0x3FB8]  }
0x3d: {  	_ =	shalt  }
0x3e: {  	_ =	shalt  }
0x3f: {  	_ =	shalt  }
0x40: {  	_ =	shalt  }
0x41: {  	_ =	shalt  }
0x42: {  	_ =	shalt  }
0x43: {  	_ =	shalt  }
0x44: {  	_ =	shalt  }
0x45: {  	_ =	shalt  }
0x46: {  	_ =	shalt  }
0x47: {  	_ =	shalt  }
0x48: {  	_ =	shalt  }
0x49: {  	_ =	shalt  }
0x4a: {  	_ =	shalt  }
0x4b: {  	_ =	shalt  }
0x4c: {  	_ =	shalt  }
0x4d: {  	_ =	shalt  }
0x4e: {  	_ =	shalt  }
0x4f: {  	_ =	shalt  }
0x50: {  	_ =	shalt  }
0x51: {  	_ =	shalt  }
0x52: {  	_ =	shalt  }
0x53: {  	_ =	shalt  }
0x54: {  	_ =	shalt  }
0x55: {  	_ =	shalt  }
0x56: {  	_ =	shalt  }
0x57: {  	_ =	shalt  }
0x58: {  	_ =	shalt  }
0x59: {  	_ =	shalt  }
0x5a: {  	_ =	shalt  }
0x5b: {  	_ =	shalt  }
0x5c: {  	_ =	shalt  }
0x5d: {  	_ =	shalt  }
0x5e: {  	_ =	shalt  }
0x5f: {  	_ =	shalt  }
0x60: {  	_ =	shalt  }
0x61: {  	_ =	shalt  }
0x62: {  	_ =	shalt  }
0x63: {  	_ =	shalt  }
0x64: {  	_ =	shalt  }
0x65: {  	_ =	shalt  }
0x66: {  	_ =	shalt  }
0x67: {  	_ =	shalt  }
0x68: {  	_ =	shalt  }
0x69: {  	_ =	shalt  }
0x6a: {  	_ =	shalt  }
0x6b: {  	_ =	shalt  }
0x6c: {  	_ =	shalt  }
0x6d: {  	_ =	shalt  }
0x6e: {  	_ =	shalt  }
0x6f: {  	_ =	shalt  }
0x70: {  	_ =	shalt  }
0x71: {  	_ =	shalt  }
0x72: {  	_ =	shalt  }
0x73: {  	_ =	shalt  }
0x74: {  	_ =	shalt  }
0x75: {  	_ =	shalt  }
0x76: {  	_ =	shalt  }
0x77: {  	_ =	shalt  }
0x78: {  	_ =	shalt  }
0x79: {  	_ =	shalt  }
0x7a: {  	_ =	shalt  }
0x7b: {  	_ =	shalt  }
0x7c: {  	_ =	shalt  }
0x7d: {  	_ =	shalt  }
0x7e: {  	_ =	shalt  }
0x7f: {  	_ =	shalt  }
0x80: {  	_ =	shalt  }
0x81: {  	_ =	shalt  }
0x82: {  	_ =	shalt  }
0x83: {  	_ =	shalt  }
0x84: {  	_ =	shalt  }
0x85: {  	_ =	shalt  }
0x86: {  	_ =	shalt  }
0x87: {  	_ =	shalt  }
.Lfunc_end0:
.L_simem_size_0:
called_computation_lowered:
.L_overlay_start_0:
0x88: {  	s2 =	sld [smem:$0x3FD9]  }
0x89: {  	s3 =	sld [smem:$0x3FFE];
	_ =	sdelay $0x1  }
0x8a: {  	s1 =	srdreg.scid  }
0x8b: {  	s0 =	sand.u32 $0x1, s1  }
0x8c: {  	s17 =	sshll.u32 s0, $0xA;
	s2 =	sadd.s32 s3, s2  }
0x8d: {  	s2 =	sadd.s32 s2, s17  }
0x8e: {  	[smem:$0x3FC4] =	sst s2  }
0x8f: {  	_ = 	snop  }
0x90: {  	s2 =	sld [smem:$0x3FC8]  }
0x91: {  	s18 =	sld [smem:$0x3FC7]  }
0x92: {  	s4 =	sld [smem:$0x3FC6];
	(tm) =	ssettm $0x1  }
0x93: {  	s5 =	sld [smem:$0x3FFB];
	_ =	sdelay $0x3  }
0x94: {  	_ =	strace s5  }
0x95: {  	s5 =	sld [smem:$0x3FFC];
	_ =	sdelay $0x3  }
0x96: {  	_ =	strace s5  }
0x97: {  	s5 =	sld [smem:$0x3FFD];
	_ =	sdelay $0x3  }
0x98: {  	_ =	strace s5  }
0x99: {  	_ =	strace $0x8FFFFFFF  }
0x9a: {  	s19 =	sld [smem:$0x3FDB];
	_ =	sdelay $0x1  }
0x9b: {  	s6 =	simm.s32 $_scs_section_size  }
0x9c: {  	s7 =	simm.s32 $_size__tile_overlayer_lowered;
	s8 =	simm.s32 $_tile_overlayer_lowered  }
0x9d: {  	s22 =	simm.s32 $0x1BFF;
	s21 =	sshll.u32 s8, $0x1;
	s5 =	sadd.s32 s6, s19  }
0x9e: {  	s9 =	simm.s32 $0x0;
	s20 =	sshll.u32 s7, $0x1;
	s7 =	sadd.s32 s21, s5  }
0x9f: {  	[timem:s9], [sflag:s22] =	dma.local [hbm:s7], s20  }
0xa0: {  	_ =	swait.ge [sflag:s22], s20  }
0xa1: {  	s6 =	ssub.s32 $0x0, s20;
	[sflag:s22] =	ssyncset.done $0x0  }
0xa2: {  	[sflag:s22] =	ssyncadd.s32 s6;
	_ =	sdelay $0x1  }
0xa3: {  	s23 =	simm.s32 $0x1B8B  }
0xa4: {  	_ =	swait.ge [sflag:s23], $0x1  }
0xa5: {  	[sflag:s23] =	ssyncset.done $0x0  }
0xa6: {  	s25 =	simm.s32 $0x1B8E;
	s24 =	sld [smem:$0x3FFE];
	[sflag:s23] =	ssyncadd.s32 $0xFFFFFFFF  }
0xa7: {  	s26 =	simm.s32 $execute0_lowered;
	[smem:$0x3FD2] =	sst s25  }
0xa8: {  	s7 =	sshll.u32 s26, $0x1;
	_ =	strace $0x80000046;
	[dreg:$0x1] =	wrdreg $0xFFFFFFFF  }
0xa9: {  	s28 =	simm.s32 $_size_execute0_lowered;
	s5 =	sadd.s32 s5, s7;
	[dreg:$0x0] =	wrdreg $0x0  }
0xaa: {  	s7 =	sshll.u32 s28, $0x1;
	[dreg:$0x2] =	wrdreg s5  }
0xab: {  	[dreg:$0x3] =	wrdreg s7  }
0xac: {  	[dreg:$0x4] =	wrdreg $0xC0  }
0xad: {  	_ =	task [dreg:s9], $0x5FFFF  }
0xae: {  	[dreg:$0x1] =	wrdreg $0xFFFFFFFF  }
0xaf: {  	[dreg:$0x0] =	wrdreg $0x60  }
0xb0: {  	[dreg:$0x2] =	wrdreg s2  }
0xb1: {  	[dreg:$0x3] =	wrdreg s18  }
0xb2: {  	[dreg:$0x4] =	wrdreg s4  }
0xb3: {  	[dreg:$0x5] =	wrdreg s24  }
0xb4: {  	[dreg:$0x6] =	wrdreg $0x9  }
0xb5: {  	_ =	task.clear_ibuf [dreg:s9], $0x7FFFF;
	_ =	strace $0x90000046  }
0xb6: {  	s29 =	simm.s32 $0x9;
	_ =	strace $0x80000048  }
0xb7: {  	_ =	swait.ge [sflag:s29], $0x1  }
0xb8: {  	[sflag:s29] =	ssyncadd.s32 $0xFFFFFFFF  }
0xb9: {  	_ =	strace $0x90000048  }
0xba: {  	_ =	sfence  }
0xbb: {  	s30 =	sld [smem:$0x0];
	_ =	sdelay $0x2  }
0xbc: {  	s31 =	sshll.u32 s1, $0xD;
	s1 =	sshrl.u32 s1, $0x2  }
0xbd: {  	s3 =	sand.u32 $0x4000, s31;
	s1 =	sadd.s32 s1, s30  }
0xbe: {  	s0 =	sor.u32 s3, s0;
	s1 =	sshll.u32 s1, $0x11  }
0xbf: {  	s0 =	sor.u32 s1, s0  }
0xc0: {  	s0 =	sadd.s32 $0x8F2B, s0  }
0xc1: {  	[sflag:s0] =	ssyncadd.remote.s32 $0x1  }
0xc2: {  	_ =	sfence.sel $0xFFFF  }
0xc3: {  	[dreg:$0x0] =	wrdreg $0xFFFFFFFF;
	(pc) =	sbr.abs _section_cstart, $3  }
0xc4: {  	[dreg:$0x1] =	wrdreg $0xFFFFFFFF  }
0xc5: {  	_ =	task.clear_ibuf [dreg:s9], $0x2FFFF;
	_ =	strace $0x9FFFFFFF  }
0xc6: {  	(tm) =	ssettm $0x7FFFFFFF  }
0xc7: {  	_ =	shalt  }
tec
execute0_lowered:
.L_overlay_start_1:
0x0: {  	(tag) =	ssettag $0x1  }
0x1: {  	s0 =	srdreg.scid;
	s3 =	rddreg [dreg:$0x1]  }
0x2: {  	s1 =	stileid.u32;
	s5 =	rddreg [dreg:$0x2]  }
0x3: {  	s2 =	rddreg [dreg:$0x3];
	s6 =	simm.s32 $0x0;
	s18 =	simm.s32 $0x3  }
0x4: {  	s19 =	simm.s32 $0x8080;
	s0 =	sand.u32 $0x1, s0;
	s1 =	sshll.u32 s1, $0x1  }
0x5: {  	s20 =	simm.s32 $0x8280;
	s21 =	simm.s32 $0x4000;
	s1 =	sor.u32 s0, s1  }
0x6: {  	s22 =	simm.s32 $0x1;
	s23 =	simm.s32 $0x2;
	s4 =	smul.u32 $0xF5, s1  }
0x7: {  	s24 =	simm.s32 $0x0;
	[smem:$0x7FF] =	sst s6;
	s8 =	sadd.s32 $0xA00, s2  }
0x8: {  	s0 =	ssub.s32 $0x2, s0;
	s1 =	smul.u32 $0x7A80, s1;
	s7 =	smin.u32 s4, $0x1D90  }
0x9: {  	_ =	strace $0x80000047;
	s10 =	sshrl.u32 s0, $0x1;
	s9 =	sadd.s32 $0xF5, s7  }
0xa: {  	s0 =	ssub.s32 s0, s10;
	s26 =	sadd.s32 s3, s1;
	s7 =	ssub.s32 s9, s4  }
0xb: {  	s28 =	sadd.s32 $0x80, s1;
	s29 =	sadd.s32 s5, s1;
	p0 =	slt.s32 s7, $0x1  }
0xc: {  	s31 =	sadd.s32 $0x100, s1;
	s1 =	sadd.s32 $0x180, s1;
	p3 =	seq.s32 @!p0 s7, $0x1  }
0xd: {  	s17 =	smax.u32 s0, $0x1;
	[dreg:$0x5] =	wrdreg s26;
	p1 =	por p3, p0  }
0xe: {  	[dreg:$0x6] =	wrdreg s29;
	s30 =	sadd.s32 s3, s28;
	p4 =	slt.u32 @!p1 s7, $0x3  }
0xf: {  	s2 =	sadd.s32 s5, s28;
	s13 =	sadd.s32 s3, s31;
	p2 =	por @!p0 p4, p3  }
0x10: {  	s14 =	sadd.s32 s5, s31;
	[dreg:$0x8] =	wrdreg s2;
	p2 =	por p2, p0  }
.Ltmp0:
0x11: {  	v2 =	vlaneseq.u32;
	s2 =	simm.s32 @!p1 $0x0;
	p5 =	seq.s32 @!p2 s7, $0x3;
	(pc) =	sbr.rel .LBB2_1-.Ltmp0, $4  }
0x12: {  	v3 =	vimm.s32 $0x0;
	v4 =	vmul.u32 $0x80, v2;
	s2 =	simm.s32 @p1 $0x1;
	p4 =	por @!p1 p5, p4;
	p1 =	sgt.s32 s7, $0x0  }
0x13: {  	vm0 =	vmmov $0x7fff;
	vm1 =	vmmov $0x1;
	v5 =	vor.u32 $0x80000000, v2;
	s15 =	sadd.s32 s3, s1;
	[dreg:$0x7] =	wrdreg s30;
	s0 =	simm.s32 @!p1 $0x0  }
0x14: {  	v6 =	vadd.s32 $0x1, v2;
	v7 =	vor.u32 $0x800, v4;
	v8 =	vor.u32 $0x1000, v4;
	[smem:$0x7FC] =	sst s2;
	p3 =	por @!p0 p4, p3;
	s0 =	simm.s32 @p1 $0x1  }
0x15: {  	v9 =	vor.u32 $0x1800, v4;
	v0 =	vmov s4;
	s16 =	sadd.s32 s5, s1;
	v1 =	vmov s9;
	p3 =	por p3, p0;
	[smem:$0x7FD] =	sst s0  }
.LBB2_18:
0x16: {  	[sflag:s23] =	ssyncadd.s32 $0xFFFFFF80  }
.LBB2_19:
0x17: {  	s24 =	sadd.s32 $0x1, s24  }
0x18: {  	p1 =	sne.s32 s24, s17  }
.Ltmp1:
0x19: {  	_ = 	snop;
	(pc) =	sbr.rel @!p1 .LBB2_20-.Ltmp1, $1  }
0x1a: {  	_ =	sdelay $0x3  }
.LBB2_1:
0x1b: {  	s0 =	rddreg [dreg:$0x0]  }
0x1c: {  	[tilespmem:s6], [sflag:$0x3] =	stream.linear.gather [hbm4b:s0+s6], $0x4000, $0x38;
	[tilespmem:$0x1C800] =	vst v63  }
0x1d: {  	s1 =	simm.s32 @!p0 $0x7A1400;
	_ =	swait.ge [sflag:s18], $0x4000  }
0x1e: {  	s2 =	simm.s32 @!p0 $0x8400;
	[sflag:s18] =	ssyncset.done $0x0;
	s31 =	sld [smem:$0x7FC]  }
0x1f: {  	s0 =	simm.s32 @!p0 $0x400;
	s9 =	rddreg [dreg:$0x5];
	[sflag:s18] =	ssyncadd.s32 $0xFFFFC000  }
0x20: {  	[tilespmem:s2], [sflag:$0x1] =	stream.strided.gather @!p0 [hbm4b:s9+s0], $0x2000, s1, s0, $0x38;
	[tilespmem:$0x1C800] =	vst v63  }
0x21: {  	s2 =	simm.s32 @!p0 $0x12400;
	s9 =	rddreg [dreg:$0x6];
	p1 =	seq.s32 s31, $0x1  }
0x22: {  	[tilespmem:s2], [sflag:$0x1] =	stream.strided.gather @!p0 [hbm4b:s9+s0], $0x2000, s1, s0, $0x38;
	[tilespmem:$0x1C800] =	vst v63  }
0x23: {  	s0 =	simm.s32 @!p1 $0x400  }
0x24: {  	s1 =	simm.s32 @!p1 $0x7A1400;
	s2 =	simm.s32 @!p1 $0xA400;
	s9 =	rddreg [dreg:$0x7]  }
0x25: {  	[tilespmem:s2], [sflag:$0x1] =	stream.strided.gather @!p1 [hbm4b:s9+s0], $0x2000, s1, s0, $0x38;
	[tilespmem:$0x1C800] =	vst v63  }
0x26: {  	s2 =	simm.s32 @!p1 $0x14400;
	s9 =	rddreg [dreg:$0x8]  }
0x27: {  	[tilespmem:s2], [sflag:$0x1] =	stream.strided.gather @!p1 [hbm4b:s9+s0], $0x2000, s1, s0, $0x38;
	[tilespmem:$0x1C800] =	vst v63  }
0x28: {  	s0 =	simm.s32 @!p2 $0x400;
	s1 =	simm.s32 @!p2 $0x7A1400;
	s2 =	simm.s32 @!p2 $0xC400  }
0x29: {  	[tilespmem:s2], [sflag:$0x1] =	stream.strided.gather @!p2 [hbm4b:s13+s0], $0x2000, s1, s0, $0x38;
	[tilespmem:$0x1C800] =	vst v63  }
0x2a: {  	s2 =	simm.s32 @!p2 $0x16400  }
0x2b: {  	[tilespmem:s2], [sflag:$0x1] =	stream.strided.gather @!p2 [hbm4b:s14+s0], $0x2000, s1, s0, $0x38;
	[tilespmem:$0x1C800] =	vst v63  }
0x2c: {  	s0 =	simm.s32 @!p3 $0x400;
	s1 =	simm.s32 @!p3 $0x7A1400;
	s2 =	simm.s32 @!p3 $0xE400  }
0x2d: {  	[tilespmem:s2], [sflag:$0x1] =	stream.strided.gather @!p3 [hbm4b:s15+s0], $0x2000, s1, s0, $0x38;
	[tilespmem:$0x1C800] =	vst v63  }
0x2e: {  	s2 =	simm.s32 @!p3 $0x18400  }
0x2f: {  	[tilespmem:s2], [sflag:$0x1] =	stream.strided.gather @!p3 [hbm4b:s16+s0], $0x2000, s1, s0, $0x38;
	[tilespmem:$0x1C800] =	vst v63  }
0x30: {  	[tilespmem:$0x8080] =	vst v3  }
0x31: {  	[tilespmem:$0x8090] =	vst v3  }
0x32: {  	[tilespmem:$0x80A0] =	vst v3  }
0x33: {  	[tilespmem:$0x80B0] =	vst v3  }
0x34: {  	[tilespmem:$0x80C0] =	vst v3  }
0x35: {  	[tilespmem:$0x80D0] =	vst v3  }
0x36: {  	[tilespmem:$0x80E0] =	vst v3  }
0x37: {  	[tilespmem:$0x80F0] =	vst v3  }
0x38: {  	[tilespmem:$0x8100] =	vst v3  }
0x39: {  	[tilespmem:$0x8110] =	vst v3  }
0x3a: {  	[tilespmem:$0x8120] =	vst v3  }
0x3b: {  	[tilespmem:$0x8130] =	vst v3  }
0x3c: {  	[tilespmem:$0x8140] =	vst v3  }
0x3d: {  	[tilespmem:$0x8150] =	vst v3  }
0x3e: {  	[tilespmem:$0x8160] =	vst v3  }
0x3f: {  	s1 =	simm.s32 $0x0;
	s0 =	simm.s32 $0x40;
	[tilespmem:$0x8170] =	vst v3  }
.LBB2_2:
0x40: {  	p5 =	sne.s32 s0, $0xFFC0;
	v10 =	vld [tilespmem:s1+$0x0];
	_ =	sdelay $0x4  }
0x41: {  	v10 =	vshra.s32 v10, $0x7  }
0x42: {  	v11 =	vsub.s32 v10, v0  }
0x43: {  	vm2 =	vge.s32 v10, v0;
	vm3 =	vlt.s32 v10, v1;
	vm4 =	vlt.s32 v11, $0xFF  }
0x44: {  	vm2 =	vmand vm2, vm3;
	v10 =	vnsel vm4, $0xFF, v11  }
0x45: {  	v10 =	vnsel vm2, $0xFF, v10  }
.Ltmp2:
0x46: {  	(pc) =	sbr.rel @p5 .LBB2_2-.Ltmp2, $3  }
0x47: {  	_ =	sdelay $0x1  }
0x48: {  	v11 =	vsel vm2, $0x1, v3  }
0x49: {  	s1 =	sshra.s32 s0, $0x2;
	s0 =	sadd.s32 $0x40, s0;
	[tilespmem:v10+s19+$0x0] =	vst.idx.add.s32.msk vm2, v11  }
0x4a: {  	v10 =	vld [tilespmem:s1+$0x0];
	_ =	sdelay $0x4  }
0x4b: {  	v10 =	vshra.s32 v10, $0x7  }
0x4c: {  	v11 =	vsub.s32 v10, v0  }
0x4d: {  	vm2 =	vge.s32 v10, v0;
	vm3 =	vlt.s32 v10, v1;
	vm4 =	vlt.s32 v11, $0xFF  }
0x4e: {  	vm2 =	vmand vm2, vm3;
	v10 =	vnsel vm4, $0xFF, v11  }
0x4f: {  	v10 =	vnsel vm2, $0xFF, v10;
	_ =	sdelay $0x3  }
0x50: {  	v11 =	vsel vm2, $0x1, v3  }
0x51: {  	s2 =	simm.s32 $0x0;
	[tilespmem:v10+s19+$0x0] =	vst.idx.add.s32.msk vm2, v11  }
0x52: {  	v13 =	vld [tilespmem:s2+$0x8080];
	_ =	sdelay $0x4  }
0x53: {  	(xrf0) =	vadd.scan.msk.s32 $0xffff, v13  }
0x54: {  	s1 =	simm.s32 $0x10  }
0x55: {  	v11 =	vld [tilespmem:s1+$0x8080]  }
0x56: {  	s28 =	simm.s32 $0x20  }
0x57: {  	v10 =	vld [tilespmem:s28+$0x8080];
	_ =	sdelay $0x1  }
0x58: {  	v18, _, _ =	vpop (xrf0)  }
0x59: {  	(xrf0) =	vadd.scan.msk.s32 $0xffff, v11;
	v12 =	vsel vm0, $0x0, v18  }
0x5a: {  	(xrf0) =	vadd.scan.msk.s32 $0xffff, v12  }
0x5b: {  	(xrf0) =	vadd.scan.msk.s32 $0xffff, v10  }
0x5c: {  	s0 =	simm.s32 $0x30  }
0x5d: {  	v15 =	vld [tilespmem:s0+$0x8080];
	_ =	sdelay $0x1  }
0x5e: {  	v16, _, _ =	vpop (xrf0)  }
0x5f: {  	v12 =	vsel vm0, $0x0, v16;
	v17, _, _ =	vpop (xrf0)  }
0x60: {  	(xrf0) =	vadd.scan.msk.s32 $0xffff, v12;
	v14, _, _ =	vpop (xrf0)  }
0x61: {  	(xrf0) =	vadd.scan.msk.s32 $0xffff, v15;
	v12 =	vsel vm0, $0x0, v14  }
0x62: {  	(xrf0) =	vadd.scan.msk.s32 $0xffff, v12;
	_ =	sdelay $0x1  }
0x63: {  	s25 =	simm.s32 $0x0  }
0x64: {  	v20 =	vsub.s32 s25, v13;
	(v2sf) =	vpush v17, $0xF  }
0x65: {  	v19, _, _ =	vpop (xrf0)  }
0x66: {  	v17, _, _ =	vpop (xrf0)  }
0x67: {  	s29 =	simm.s32 $0x40;
	v18 =	vadd.s32 v18, v20;
	(v2sf) =	vpush v19, $0xF;
	v20, _, _ =	vpop (xrf0)  }
0x68: {  	v12 =	vld [tilespmem:s29+$0x8080];
	(v2sf) =	vpush v20, $0xF;
	_ =	sdelay $0x4  }
0x69: {  	s26 =	simm.s32 $0x50;
	(xrf0) =	vadd.scan.msk.s32 $0xffff, v12  }
0x6a: {  	v13 =	vld [tilespmem:s26+$0x8080];
	v19 =	vsel vm0, $0x0, v17  }
0x6b: {  	(xrf0) =	vadd.scan.msk.s32 $0xffff, v19  }
0x6c: {  	s10 =	simm.s32 $0x180;
	s9 =	simm.s32 $0x0;
	[tilespmem:s2+$0x8180] =	vst v18  }
.LBB2_4:
0x6d: {  	s11 =	sshra.s32 s10, $0x2  }
0x6e: {  	[tilespmem:s2+$0x8280] =	vst v18;
	s2 =	smov.u32 s1;
	s1 =	smov.u32 s28;
	p5 =	seq.s32 s10, $0x3C0  }
.Ltmp3:
0x6f: {  	s10 =	sadd.s32 $0x40, s10;
	(xrf0) =	vadd.scan.msk.s32 $0xffff, v13;
	v19, _, _ =	vpop (xrf0);
	s28 =	spop (v2sf);
	(pc) =	sbr.rel @!p5 .LBB2_4-.Ltmp3, $4  }
0x70: {  	v20 =	vmov v13;
	v21 =	vsel vm0, $0x0, v19;
	s9 =	sadd.s32 s9, s28;
	v13 =	vld [tilespmem:s11+$0x8080];
	s28 =	smov.u32 s0;
	s0 =	smov.u32 s29  }
0x71: {  	s29 =	smov.u32 s26;
	s26 =	smov.u32 s11;
	(xrf0) =	vadd.scan.msk.s32 $0xffff, v21;
	v18, _, _ =	vpop (xrf0);
	v21 =	vsub.s32 s9, v11;
	v11 =	vmov v10;
	v10 =	vmov v15  }
0x72: {  	(v2sf) =	vpush v18, $0xF;
	v18 =	vadd.s32 v16, v21;
	v16 =	vmovc v14;
	v14 =	vmovc v17;
	v17 =	vmov v19  }
0x73: {  	v15 =	vmov v12;
	v12 =	vmov v20;
	[tilespmem:s2+$0x8180] =	vst v18  }
0x74: {  	_ = 	snop  }
0x75: {  	v19, _, _ =	vpop (xrf0)  }
0x76: {  	(xrf0) =	vadd.scan.msk.s32 $0xffff, v13;
	v20 =	vsel vm0, $0x0, v19  }
0x77: {  	(xrf0) =	vadd.scan.msk.s32 $0xffff, v20;
	_ =	sdelay $0x3  }
0x78: {  	v55, _, _ =	vpop (xrf0)  }
0x79: {  	(v2sf) =	vpush v55, $0xF;
	v21, _, _ =	vpop (xrf0)  }
0x7a: {  	v56, _, _ =	vpop (xrf0)  }
0x7b: {  	(v2sf) =	vpush v56, $0xF;
	_ =	sdelay $0x6  }
0x7c: {  	s10 =	spop (v2sf)  }
0x7d: {  	s9 =	sadd.s32 s9, s10  }
0x7e: {  	s31 =	spop (v2sf);
	v11 =	vsub.s32 s9, v11  }
0x7f: {  	[tilespmem:s2+$0x8280] =	vst v18;
	s9 =	sadd.s32 s9, s31;
	v11 =	vadd.s32 v16, v11  }
0x80: {  	v10 =	vsub.s32 s9, v10;
	[tilespmem:s1+$0x8180] =	vst v11;
	s10 =	spop (v2sf)  }
0x81: {  	[tilespmem:s1+$0x8280] =	vst v11;
	v10 =	vadd.s32 v14, v10;
	s11 =	sadd.s32 s9, s10  }
0x82: {  	[tilespmem:s28+$0x8180] =	vst v10;
	v11 =	vsub.s32 s11, v15;
	s12 =	spop (v2sf)  }
0x83: {  	[tilespmem:s28+$0x8280] =	vst v10;
	v10 =	vadd.s32 v17, v11;
	s1 =	sadd.s32 s11, s12  }
0x84: {  	[tilespmem:s0+$0x8180] =	vst v10;
	v11 =	vsub.s32 s1, v12;
	s28 =	spop (v2sf)  }
0x85: {  	[tilespmem:s0+$0x8280] =	vst v10;
	v10 =	vadd.s32 v19, v11;
	s30 =	sadd.s32 s1, s28  }
0x86: {  	[tilespmem:s29+$0x8180] =	vst v10;
	v11 =	vsub.s32 s30, v13  }
0x87: {  	[tilespmem:s29+$0x8280] =	vst v10;
	v10 =	vadd.s32 v21, v11  }
0x88: {  	[tilespmem:s26+$0x8180] =	vst v10  }
0x89: {  	[tilespmem:s26+$0x8280] =	vst v10  }
0x8a: {  	v10 =	vld [tilespmem:s25+$0x0];
	_ =	sdelay $0x3  }
0x8b: {  	v58 =	vmov s25  }
0x8c: {  	v12 =	vshll.u32 v58, $0x7;
	v11 =	vshra.s32 v10, $0x7  }
0x8d: {  	v12 =	vor.u32 v4, v12;
	vm2 =	vge.s32 v11, v0;
	vm3 =	vlt.s32 v11, v1  }
0x8e: {  	v10 =	vand.u32 $0x7F, v10;
	v11 =	vxor.u32 $0x80000000, v11;
	vm2 =	vmand vm2, vm3  }
0x8f: {  	v10 =	vor.u32 v12, v10;
	v11 =	vnsel vm2, $0xFFFFFFFF, v11  }
0x90: {  	(xrf1) =	vsort.ascd.msk.u32 $0xffff, v11, v10;
	_ =	sdelay $0xd  }
0x91: {  	v10, v11, _ =	vpop (xrf1)  }
0x92: {  	v22 =	vsel vm0, $0x0, v21;
	v59 =	vxor.u32 $0x80000000, v10  }
0x93: {  	(xrf0) =	vadd.scan.msk.s32 $0xffff, v22;
	[tilespmem:$0x8381] =	vst v59  }
0x94: {  	v60 =	vld [tilespmem:$0x8380];
	_ =	sdelay $0x1  }
0x95: {  	v61 =	vsub.s32 v59, v0  }
0x96: {  	vm2 =	vlt.s32 v61, $0xFF  }
0x97: {  	v14 =	vnsel vm2, $0xFF, v61;
	vm2 =	vne.s32 v10, $0xFFFFFFFF  }
0x98: {  	v57, _, _ =	vpop (xrf0);
	v10 =	vnsel vm2, $0xFF, v14;
	vm3 =	veq.s32 v59, v60  }
0x99: {  	(v2sf) =	vpush v57, $0xF;
	v12 =	vsel vm3, $0x80000000, v5  }
0x9a: {  	(xrf0) =	vmax.scan.msk.u32 $0xffff, v12;
	_ =	sdelay $0x2  }
0x9b: {  	v62 =	vld.idx.msk [tilespmem:v10+s20+$0x0], $0xffff;
	_ =	sdelay $0x2  }
0x9c: {  	v63, _, _ =	vpop (xrf0)  }
0x9d: {  	v13 =	vxor.u32 $0x7FFFFFFF, v63  }
0x9e: {  	v12 =	vadd.s32 v13, v62  }
0x9f: {  	v12 =	vadd.s32 v6, v12;
	_ =	sdelay $0x4  }
0xa0: {  	s0 =	simm.s32 $0x10;
	s31 =	spop (v2sf);
	[tilespmem:v12+s21+$0x0] =	vst.idx.msk vm2, v11;
	v11 =	vsel vm2, $0x1, v3  }
.LBB2_6:
0xa1: {  	p5 =	seq.s32 s0, $0x3FF0  }
0xa2: {  	[tilespmem:v10+s20+$0x0] =	vst.idx.add.s32.msk vm2, v11;
	s25 =	sadd.s32 $0x10, s25;
	s1 =	smov.u32 s0;
	s0 =	sadd.s32 $0x10, s0  }
0xa3: {  	v10 =	vld [tilespmem:s25+$0x0];
	_ =	sdelay $0x4  }
0xa4: {  	v12 =	vmov s1;
	v11 =	vshra.s32 v10, $0x7;
	v10 =	vand.u32 $0x7F, v10  }
0xa5: {  	v12 =	vshll.u32 v12, $0x7;
	vm2 =	vge.s32 v11, v0;
	vm3 =	vlt.s32 v11, v1  }
0xa6: {  	v12 =	vor.u32 v4, v12;
	v11 =	vxor.u32 $0x80000000, v11;
	vm2 =	vmand vm2, vm3  }
0xa7: {  	v10 =	vor.u32 v12, v10;
	v11 =	vnsel vm2, $0xFFFFFFFF, v11  }
0xa8: {  	(xrf1) =	vsort.ascd.msk.u32 $0xffff, v11, v10;
	_ =	sdelay $0xd  }
0xa9: {  	v10, v11, _ =	vpop (xrf1)  }
0xaa: {  	v12 =	vxor.u32 $0x80000000, v10  }
0xab: {  	v13 =	vsub.s32 v12, v0;
	[tilespmem:$0x8381] =	vst v12  }
0xac: {  	vm2 =	vlt.s32 v13, $0xFF;
	v14 =	vld [tilespmem:$0x8380]  }
0xad: {  	v13 =	vnsel vm2, $0xFF, v13;
	_ =	sdelay $0x1  }
0xae: {  	vm2 =	vne.s32 v10, $0xFFFFFFFF  }
0xaf: {  	v10 =	vnsel vm2, $0xFF, v13  }
0xb0: {  	vm3 =	veq.s32 v12, v14  }
0xb1: {  	v12 =	vsel vm3, $0x80000000, v5  }
0xb2: {  	(xrf0) =	vmax.scan.msk.u32 $0xffff, v12;
	_ =	sdelay $0x1  }
0xb3: {  	v12 =	vld.idx.msk [tilespmem:v10+s20+$0x0], $0xffff;
	_ =	sdelay $0x3  }
0xb4: {  	v13, _, _ =	vpop (xrf0)  }
0xb5: {  	v13 =	vxor.u32 $0x7FFFFFFF, v13  }
0xb6: {  	v12 =	vadd.s32 v13, v12  }
0xb7: {  	v12 =	vadd.s32 v6, v12  }
.Ltmp4:
0xb8: {  	(pc) =	sbr.rel @!p5 .LBB2_6-.Ltmp4, $2  }
0xb9: {  	_ =	sdelay $0x2  }
0xba: {  	[tilespmem:v12+s21+$0x0] =	vst.idx.msk vm2, v11;
	v11 =	vsel vm2, $0x1, v3  }
0xbb: {  	s0 =	sld [smem:$0x7FD];
	_ =	sdelay $0x2  }
0xbc: {  	p1 =	seq.s32 s0, $0x1  }
.Ltmp5:
0xbd: {  	_ = 	snop;
	(pc) =	sbr.rel @p1 .LBB2_8-.Ltmp5, $4  }
.Ltmp6:
0xbe: {  	_ = 	snop;
	(pc) =	sbr.rel @!p1 .LBB2_19-.Ltmp6, $4  }
0xbf: {  	_ = 	snop  }
0xc0: {  	_ = 	snop  }
0xc1: {  	[tilespmem:v10+s20+$0x0] =	vst.idx.add.s32.msk vm2, v11;
	s31 =	simm.s32 $0x0;
	s25 =	simm.s32 $0x0  }
0xc2: {  	_ = 	snop  }
.LBB2_9:
0xc3: {  	_ =	swait.ge [sflag:s22], $0x2000  }
0xc4: {  	[sflag:s22] =	ssyncset.done $0x0  }
0xc5: {  	[sflag:s22] =	ssyncadd.s32 $0xFFFFE000  }
0xc6: {  	_ =	swait.ge [sflag:s22], $0x2000  }
0xc7: {  	[sflag:s22] =	ssyncset.done $0x0  }
0xc8: {  	[sflag:s22] =	ssyncadd.s32 $0xFFFFE000  }
.LBB2_14:
0xc9: {  	s25 =	sadd.s32 $0x1, s25  }
0xca: {  	p1 =	slt.s32 s25, s7  }
.Ltmp7:
0xcb: {  	_ = 	snop;
	(pc) =	sbr.rel @!p1 .LBB2_15-.Ltmp7, $1  }
0xcc: {  	_ =	sdelay $0x3  }
.LBB2_8:
0xcd: {  	s2 =	sadd.s32 $0x4, s25  }
0xce: {  	s1 =	sand.u32 $0x7FFFFFF0, s25;
	p5 =	sge.s32 s2, s7  }
0xcf: {  	v10 =	vld [tilespmem:s1+$0x8080];
	s0 =	sand.u32 @!p5 $0x7FFFFFF0, s2  }
0xd0: {  	v11 =	vld @!p5 [tilespmem:s0+$0x8080]  }
0xd1: {  	s30 =	sand.u32 $0xF, s25  }
0xd2: {  	v12 =	vmov s30;
	s0 =	sand.u32 @!p5 $0xF, s2  }
0xd3: {  	vm2 =	veq.s32 v12, v2;
	v13 =	vlaneseq.u32 @!p5;
	v12 =	vmov @!p5 s0  }
0xd4: {  	vm3 =	veq.s32 @!p5 v12, v13;
	v10 =	vnsel vm2, $0x0, v10  }
0xd5: {  	(xrf0) =	vadd.scan.msk.s32 $0xffff, v10;
	v10 =	vnsel @!p5 vm3, $0x0, v11  }
0xd6: {  	(xrf0) =	vadd.scan.msk.s32 @!p5 $0xffff, v10;
	_ =	sdelay $0x4  }
0xd7: {  	v10, _, _ =	vpop (xrf0)  }
0xd8: {  	(v2sf) =	vpush v10, $0xF;
	v10, _, _ =	vpop @!p5 (xrf0)  }
0xd9: {  	(v2sf) =	vpush @!p5 v10, $0xF;
	_ =	sdelay $0xd  }
0xda: {  	s0 =	spop (v2sf)  }
0xdb: {  	s9 =	spop @!p5 (v2sf)  }
0xdc: {  	p4 =	slt.s32 @!p5 s9, $0x1  }
0xdd: {  	p6 =	por p4, p5  }
0xde: {  	s10 =	sadd.s32 @!p6 s4, s2  }
0xdf: {  	s10 =	sshll.u32 @!p6 s10, $0x7  }
0xe0: {  	s9 =	smulhi.u32 @!p6 $0xCCCCCCCD, s2;
	p1 =	slt.s32 @!p6 s10, $0xF41C0  }
0xe1: {  	p1 =	por @!p5 !p1, p4  }
0xe2: {  	s9 =	sshrl.u32 @!p6 s9, $0x2;
	p1 =	por !p1, p5  }
0xe3: {  	s9 =	smul.u32 @!p6 $0x5, s9;
	s10 =	simm.s32 @!p1 $0xF41C0;
	p1 =	sgt.u32 s25, $0x3  }
0xe4: {  	p4 =	sne.s32 @!p1 s0, $0x0  }
0xe5: {  	s26 =	simm.s32 @!p6 $0x400;
	s2 =	ssub.s32 @!p6 s2, s9;
	p1 =	por p1, p4  }
.Ltmp8:
0xe6: {  	s2 =	sshll.u32 @!p6 s2, $0xD;
	s9 =	sand.u32 @!p6 $0xFFFFF80, s10;
	(pc) =	sbr.rel @!p1 .LBB2_9-.Ltmp8, $4  }
0xe7: {  	s28 =	simm.s32 @!p6 $0x7A1400;
	s10 =	sadd.s32 @!p6 $0x8400, s2;
	s11 =	sadd.s32 @!p6 s3, s9  }
0xe8: {  	[tilespmem:s10], [sflag:$0x1] =	stream.strided.gather @!p6 [hbm4b:s11+s26], $0x2000, s28, s26, $0x38;
	[tilespmem:$0x1C800] =	vst v63  }
0xe9: {  	s2 =	sadd.s32 @!p6 $0x12400, s2;
	s9 =	sadd.s32 @!p6 s5, s9  }
0xea: {  	[tilespmem:s2], [sflag:$0x1] =	stream.strided.gather @!p6 [hbm4b:s9+s26], $0x2000, s28, s26, $0x38;
	[tilespmem:$0x1C800] =	vst v63  }
0xeb: {  	p1 =	slt.s32 s0, $0x1  }
.Ltmp9:
0xec: {  	_ = 	snop;
	(pc) =	sbr.rel @p1 .LBB2_14-.Ltmp9, $1  }
0xed: {  	_ =	sdelay $0x3  }
0xee: {  	_ =	swait.ge [sflag:s22], $0x2000  }
0xef: {  	[sflag:s22] =	ssyncset.done $0x0  }
0xf0: {  	[sflag:s22] =	ssyncadd.s32 $0xFFFFE000  }
0xf1: {  	_ =	swait.ge [sflag:s22], $0x2000  }
0xf2: {  	[sflag:s22] =	ssyncset.done $0x0  }
0xf3: {  	[sflag:s22] =	ssyncadd.s32 $0xFFFFE000  }
0xf4: {  	v10 =	vld [tilespmem:s1+$0x8180];
	_ =	sdelay $0x4  }
0xf5: {  	v10 =	vnsel vm2, $0x0, v10  }
0xf6: {  	(xrf0) =	vadd.scan.msk.s32 $0xffff, v10;
	_ =	sdelay $0x5  }
0xf7: {  	v10, _, _ =	vpop (xrf0)  }
0xf8: {  	(v2sf) =	vpush v10, $0xF;
	_ =	sdelay $0xe  }
0xf9: {  	s2 =	spop (v2sf)  }
0xfa: {  	s1 =	sadd.s32 $0x4000, s2  }
0xfb: {  	v10 =	vld [tilespmem:s1+$0x0];
	_ =	sdelay $0x4  }
0xfc: {  	v10 =	vnsel vm1, $0x0, v10  }
0xfd: {  	(xrf0) =	vadd.scan.msk.s32 $0xffff, v10;
	_ =	sdelay $0x5  }
0xfe: {  	v10, _, _ =	vpop (xrf0)  }
0xff: {  	(v2sf) =	vpush v10, $0xF;
	_ =	sdelay $0xb  }
0x100: {  	s2 =	sadd.s32 s4, s25  }
0x101: {  	s2 =	sshll.u32 s2, $0x7  }
0x102: {  	p1 =	slt.s32 s2, $0xF41C0;
	s9 =	smov.u32 s2  }
0x103: {  	s9 =	simm.s32 @!p1 $0xF41C0;
	s10 =	spop (v2sf)  }
0x104: {  	s11 =	smulhi.u32 $0xCCCCCCCD, s25;
	s26 =	ssub.s32 s2, s9;
	s9 =	sand.u32 $0x7F, s10  }
0x105: {  	s2 =	sor.u32 s26, s9  }
0x106: {  	s11 =	sshrl.u32 s11, $0x2;
	v10 =	vmov s2  }
0x107: {  	s12 =	smul.u32 $0x5, s11;
	p1 =	slt.s32 s31, $0x8;
	v11 =	vadd.s32 v4, v10  }
0x108: {  	s9 =	simm.s32 @!p1 $0x2  }
0x109: {  	s2 =	ssub.s32 s25, s12;
	_ =	swait.ge @!p1 [sflag:s9], $0x80  }
0x10a: {  	s2 =	sshll.u32 s2, $0xD;
	[sflag:s9] =	ssyncset.done @!p1 $0x0  }
0x10b: {  	s28 =	sadd.s32 $0x8400, s2;
	[sflag:s9] =	ssyncadd.s32 @!p1 $0xFFFFFF80  }
0x10c: {  	v12 =	vld.idx.msk [tilespmem:v11+s28+$0x0], $0xffff;
	_ =	sdelay $0x2  }
0x10d: {  	s9 =	sshll.u32 s31, $0x7  }
0x10e: {  	s12 =	sand.u32 $0x380, s9  }
0x10f: {  	s29 =	sadd.s32 $0x12400, s2;
	[tilespmem:s12+$0x1C400] =	vst v12  }
0x110: {  	v11 =	vld.idx.msk [tilespmem:v11+s29+$0x0], $0xffff  }
0x111: {  	v62 =	vadd.s32 v7, v10;
	_ =	sdelay $0x3  }
0x112: {  	[tilespmem:s12+$0x1C440] =	vst v11  }
0x113: {  	v11 =	vld.idx.msk [tilespmem:v62+s28+$0x0], $0xffff;
	_ =	sdelay $0x4  }
0x114: {  	[tilespmem:s12+$0x1C410] =	vst v11  }
0x115: {  	v11 =	vld.idx.msk [tilespmem:v62+s29+$0x0], $0xffff  }
0x116: {  	v63 =	vadd.s32 v8, v10;
	_ =	sdelay $0x3  }
0x117: {  	[tilespmem:s12+$0x1C450] =	vst v11  }
0x118: {  	v11 =	vld.idx.msk [tilespmem:v63+s28+$0x0], $0xffff;
	_ =	sdelay $0x4  }
0x119: {  	[tilespmem:s12+$0x1C420] =	vst v11  }
0x11a: {  	v11 =	vld.idx.msk [tilespmem:v63+s29+$0x0], $0xffff  }
0x11b: {  	v10 =	vadd.s32 v9, v10;
	_ =	sdelay $0x3  }
0x11c: {  	[tilespmem:s12+$0x1C460] =	vst v11  }
0x11d: {  	v11 =	vld.idx.msk [tilespmem:v10+s28+$0x0], $0xffff;
	_ =	sdelay $0x4  }
0x11e: {  	s2 =	sadd.s32 $0xFFFFFFFF, s0;
	[tilespmem:s12+$0x1C430] =	vst v11  }
0x11f: {  	p1 =	sne.s32 s2, $0x0;
	v10 =	vld.idx.msk [tilespmem:v10+s29+$0x0], $0xffff  }
.Ltmp10:
0x120: {  	_ = 	snop;
	(pc) =	sbr.rel @!p1 .LBB2_13-.Ltmp10, $4  }
0x121: {  	_ = 	snop  }
0x122: {  	s30 =	sadd.s32 s31, s0;
	s11 =	sshrl.u32 s10, $0x3  }
0x123: {  	s1 =	sadd.s32 $0x1, s1;
	s10 =	sand.u32 $0x1FFFFFF0, s11;
	s31 =	sadd.s32 $0x1, s31  }
0x124: {  	s0 =	sadd.s32 $0x80, s9;
	s9 =	sadd.s32 s8, s10;
	s11 =	sor.u32 $0x1C400, s12;
	[tilespmem:s12+$0x1C470] =	vst v10  }
.LBB2_12:
0x125: {  	[hbm4b:s9+s6] =	stream.linear.scatter [tilespmem:s11], [sflag:$0x2], $0x80, $0x38;
	[tilespmem:$0x1C800] =	vst v63  }
0x126: {  	s2 =	sadd.s32 $0xFFFFFFFF, s2;
	v10 =	vld [tilespmem:s1+$0x0]  }
0x127: {  	p5 =	sne.s32 s2, $0x0;
	_ =	sdelay $0x3  }
0x128: {  	v10 =	vnsel vm1, $0x0, v10  }
0x129: {  	(xrf0) =	vadd.scan.msk.s32 $0xffff, v10;
	_ =	sdelay $0x5  }
0x12a: {  	v10, _, _ =	vpop (xrf0)  }
0x12b: {  	(v2sf) =	vpush v10, $0xF;
	_ =	sdelay $0xe  }
0x12c: {  	s9 =	spop (v2sf)  }
0x12d: {  	s10 =	sand.u32 $0x7F, s9;
	s9 =	sshrl.u32 s9, $0x3  }
0x12e: {  	s10 =	sor.u32 s26, s10;
	s9 =	sand.u32 $0x1FFFFFF0, s9  }
0x12f: {  	v10 =	vmov s10  }
0x130: {  	p1 =	slt.s32 s31, $0x8;
	v11 =	vadd.s32 v4, v10  }
0x131: {  	s10 =	simm.s32 @!p1 $0x2  }
0x132: {  	_ =	swait.ge @!p1 [sflag:s10], $0x80  }
0x133: {  	[sflag:s10] =	ssyncset.done @!p1 $0x0  }
0x134: {  	[sflag:s10] =	ssyncadd.s32 @!p1 $0xFFFFFF80  }
0x135: {  	v12 =	vld.idx.msk [tilespmem:v11+s28+$0x0], $0xffff;
	_ =	sdelay $0x4  }
0x136: {  	s10 =	sand.u32 $0x380, s0  }
0x137: {  	[tilespmem:s10+$0x1C400] =	vst v12  }
0x138: {  	v11 =	vld.idx.msk [tilespmem:v11+s29+$0x0], $0xffff;
	_ =	sdelay $0x1  }
0x139: {  	v12 =	vadd.s32 v7, v10;
	_ =	sdelay $0x3  }
0x13a: {  	[tilespmem:s10+$0x1C440] =	vst v11  }
0x13b: {  	v11 =	vld.idx.msk [tilespmem:v12+s28+$0x0], $0xffff;
	_ =	sdelay $0x5  }
0x13c: {  	[tilespmem:s10+$0x1C410] =	vst v11  }
0x13d: {  	v11 =	vld.idx.msk [tilespmem:v12+s29+$0x0], $0xffff;
	_ =	sdelay $0x1  }
0x13e: {  	v12 =	vadd.s32 v8, v10;
	_ =	sdelay $0x3  }
0x13f: {  	[tilespmem:s10+$0x1C450] =	vst v11  }
0x140: {  	v11 =	vld.idx.msk [tilespmem:v12+s28+$0x0], $0xffff;
	_ =	sdelay $0x5  }
0x141: {  	[tilespmem:s10+$0x1C420] =	vst v11  }
0x142: {  	v11 =	vld.idx.msk [tilespmem:v12+s29+$0x0], $0xffff;
	_ =	sdelay $0x1  }
0x143: {  	v10 =	vadd.s32 v9, v10;
	_ =	sdelay $0x3  }
0x144: {  	[tilespmem:s10+$0x1C460] =	vst v11  }
0x145: {  	v11 =	vld.idx.msk [tilespmem:v10+s28+$0x0], $0xffff;
	_ =	sdelay $0x5  }
0x146: {  	[tilespmem:s10+$0x1C430] =	vst v11  }
0x147: {  	v10 =	vld.idx.msk [tilespmem:v10+s29+$0x0], $0xffff;
	_ =	sdelay $0x1  }
.Ltmp11:
0x148: {  	(pc) =	sbr.rel @p5 .LBB2_12-.Ltmp11, $3  }
0x149: {  	_ =	sdelay $0x1  }
0x14a: {  	s1 =	sadd.s32 $0x1, s1;
	s0 =	sadd.s32 $0x80, s0  }
0x14b: {  	s31 =	sadd.s32 $0x1, s31;
	s9 =	sadd.s32 s8, s9;
	s11 =	sor.u32 $0x1C400, s10;
	[tilespmem:s10+$0x1C470] =	vst v10  }
.LBB2_13:
.Ltmp12:
0x14c: {  	(pc) =	sbr.rel .LBB2_14-.Ltmp12, $3  }
0x14d: {  	_ =	sdelay $0x1  }
0x14e: {  	[hbm4b:s9+s6] =	stream.linear.scatter [tilespmem:s11], [sflag:$0x2], $0x80, $0x38;
	[tilespmem:$0x1C800] =	vst v63  }
0x14f: {  	s31 =	smov.u32 s30  }
.LBB2_15:
0x150: {  	p1 =	slt.s32 s31, $0x1  }
.Ltmp13:
0x151: {  	_ = 	snop;
	(pc) =	sbr.rel @p1 .LBB2_19-.Ltmp13, $1  }
0x152: {  	_ =	sdelay $0x3  }
0x153: {  	p1 =	slt.s32 s31, $0x8  }
0x154: {  	s31 =	simm.s32 @!p1 $0x8  }
0x155: {  	p1 =	sne.s32 s31, $0x1  }
.Ltmp14:
0x156: {  	_ = 	snop;
	(pc) =	sbr.rel @!p1 .LBB2_18-.Ltmp14, $3  }
0x157: {  	_ =	sdelay $0x1  }
0x158: {  	_ =	swait.ge [sflag:s23], $0x80  }
0x159: {  	[sflag:s23] =	ssyncset.done $0x0;
	s0 =	sadd.s32 $0xFFFFFFFF, s31  }
.LBB2_17:
0x15a: {  	p1 =	sne.s32 s0, $0x1;
	s0 =	sadd.s32 $0xFFFFFFFF, s0;
	[sflag:s23] =	ssyncadd.s32 $0xFFFFFF80  }
.Ltmp15:
0x15b: {  	(pc) =	sbr.rel @p1 .LBB2_17-.Ltmp15, $3  }
0x15c: {  	_ =	sdelay $0x1  }
0x15d: {  	_ =	swait.ge [sflag:s23], $0x80  }
0x15e: {  	[sflag:s23] =	ssyncset.done $0x0  }
.Ltmp16:
0x15f: {  	_ = 	snop;
	(pc) =	sbr.rel .LBB2_18-.Ltmp16, $1  }
0x160: {  	_ =	sdelay $0x3  }
.LBB2_20:
0x161: {  	_ =	sfence.sel $0x180000  }
0x162: {  	[bflag:$0x0] =	sbarrier.arrive $0xFFFF  }
0x163: {  	_ =	strace $0x90000047  }
0x164: {  	s0 =	stileid.u32;
	[bflag:$0x2] =	sbarrier.arrive $0xFFFF  }
0x165: {  	p0 =	sne.s32 s0, $0x0;
	s0 =	rddreg [dreg:$0x4]  }
0x166: {  	s0 =	sadd.s32 @!p0 $0x100000, s0  }
0x167: {  	[sflag:s0] =	ssyncadd.tile.s32 @!p0 $0x1;
	_ =	shalt  }
.Lfunc_end2:
_tile_overlayer_lowered:
.L_overlay_start_2:
0x168: {  	(tag) =	ssettag $0x2  }
0x169: {  	s0 =	rddreg [dreg:$0x0];
	s2 =	stileid.u32  }
0x16a: {  	s1 =	rddreg [dreg:$0x1];
	p0 =	sne.s32 s2, $0x0  }
0x16b: {  	s3 =	rddreg [dreg:$0x2];
	[bflag:$0x3] =	sbarrier.arrive $0xFFFF;
	s2 =	simm.s32 @!p0 $0x1C03  }
0x16c: {  	[timem:s3], [sflag:s2] =	dma.local @!p0 [hbm:s0], s1  }
0x16d: {  	s0 =	simm.s32 @!p0 $0x3  }
0x16e: {  	_ =	swait.ge @!p0 [sflag:s0], s1  }
0x16f: {  	s1 =	ssub.s32 @!p0 $0x0, s1;
	[sflag:s0] =	ssyncset.done @!p0 $0x0  }
0x170: {  	[sflag:s0] =	ssyncadd.s32 @!p0 s1  }
0x171: {  	[bflag:$0x3] =	sbarrier.arrive $0xFFFF  }
0x172: {  	_ =	shalt  }

// kernel: kernel.7.cloned.1.call-start
scs
__scs_entry_jumppad:
0x0: {  	(pc) =	sbr.rel $0x88, $3  }
0x1: {  	(tag) =	ssettag $0x0;
	lr =	simm.s32 $0x1  }
0x2: {  	[smem:$0x3F9D] =	sst lr;
	_ =	strace $0xD0000000  }
0x3: {  	_ = 	snop  }
0x4: {  	_ = 	snop  }
0x5: {  	_ = 	snop  }
0x6: {  	_ = 	snop  }
0x7: {  	_ = 	snop  }
__scs_overlays_trampoline_lowered:
0x8: {  	[smem:$0x3FAC] =	sst s0  }
0x9: {  	[smem:$0x3FAD] =	sst s1  }
0xa: {  	[smem:$0x3FAE] =	sst s2  }
0xb: {  	[smem:$0x3FAF] =	sst s3  }
0xc: {  	[smem:$0x3FB0] =	sst s4  }
0xd: {  	[smem:$0x3FB1] =	sst s5  }
0xe: {  	[smem:$0x3FB2] =	sst s6  }
0xf: {  	[smem:$0x3FB3] =	sst s7  }
0x10: {  	[smem:$0x3FB4] =	sst s8  }
0x11: {  	[smem:$0x3FB5] =	sst s9;
	s0 =	simm.s32 @!p0 $0x0  }
0x12: {  	s1 =	sld [smem:$0x3F9B];
	s0 =	simm.s32 @p0 $0x1  }
0x13: {  	[smem:$0x3FB6] =	sst s0;
	s0 =	simm.s32 @!p1 $0x0  }
0x14: {  	s2 =	sld [smem:$0x3F9A];
	s0 =	simm.s32 @p1 $0x1  }
0x15: {  	[smem:$0x3FB7] =	sst s0;
	s0 =	simm.s32 @!p2 $0x0  }
0x16: {  	s3 =	sld [smem:$0x3FDB];
	s0 =	simm.s32 @p2 $0x1  }
0x17: {  	s4 =	simm.s32 $0x1BF5;
	[smem:$0x3FB9] =	sst s0  }
0x18: {  	s0 =	sld [smem:$0x3F9C];
	_ =	swait.ge [sflag:s4], $0x0  }
0x19: {  	s7 =	sld [smem:$0x3F9D]  }
0x1a: {  	s8 =	sadd.s32 $0xFFFFE003, lr  }
0x1b: {  	s9 =	sadd.s32 $0xFFFFFEF7, lr;
	s5 =	simm.s32 $0xFFFFFFFF;
	p2 =	slt.u32 s8, $0xFFFFF086  }
0x1c: {  	p1 =	slt.u32 s9, $0xF7A;
	s5 =	simm.s32 @!p2 $0x0  }
0x1d: {  	s5 =	simm.s32 @p1 $0x1;
	p0 =	seq.s32 s7, s2  }
0x1e: {  	s7 =	smul.u32 @!p0 $0xF7A, s2;
	p2 =	seq.s32 @!p0 s5, $0x0  }
0x1f: {  	s9 =	smul.u32 $0xF7A, s1;
	s8 =	simm.s32 @!p0 $0x1BF5;
	p2 =	por !p2, p0  }
0x20: {  	[sflag:s8] =	ssyncset.s32 @!p0 $0xFFFFF086;
	s6 =	sadd.s32 @!p0 s3, s7;
	s7 =	simm.s32 @!p0 $0x108  }
0x21: {  	s3 =	sadd.s32 s3, s9;
	s6 =	sadd.s32 @!p0 $0x88, s6;
	s7 =	simm.s32 @p2 $0x1082  }
0x22: {  	[simem:s7], [sflag:s8] =	dma.local @!p0 [hbm:s6], $0xF7A  }
0x23: {  	s9 =	sor.u32 $0xD0000000, s2;
	s6 =	simm.s32 $0x108;
	_ =	swait.ge @!p0 [sflag:s8], $0x0  }
0x24: {  	s3 =	sadd.s32 $0x88, s3;
	s6 =	simm.s32 @!p1 $0x1082;
	[sflag:s4] =	ssyncset.s32 $0xFFFFF086  }
0x25: {  	[simem:s6], [sflag:s4] =	dma.local [hbm:s3], $0xF7A  }
0x26: {  	[smem:$0x3F9D] =	sst s1;
	(tag) =	ssettag s2;
	_ =	strace s9  }
0x27: {  	s1 =	sld [smem:$0x3FAD]  }
0x28: {  	s2 =	sld [smem:$0x3FAE]  }
0x29: {  	s4 =	sld [smem:$0x3FB0]  }
0x2a: {  	p0 =	seq.s32 s5, $0x0;
	s5 =	sld [smem:$0x3FB1]  }
0x2b: {  	s6 =	sld [smem:$0x3FB2]  }
0x2c: {  	s7 =	sld [smem:$0x3FB3]  }
0x2d: {  	s3 =	simm.s32 $0x108;
	s8 =	sld [smem:$0x3FB4]  }
0x2e: {  	s3 =	simm.s32 @!p0 $0x1082;
	s9 =	sld [smem:$0x3FB5]  }
0x2f: {  	lr =	sadd.s32 s0, s3;
	s0 =	sld [smem:$0x3FAC]  }
0x30: {  	s3 =	sld [smem:$0x3FAF]  }
0x31: {  	[smem:$0x3FB8] =	sst s10  }
0x32: {  	s10 =	sld [smem:$0x3FB6];
	_ =	sdelay $0x3  }
0x33: {  	p0 =	seq.s32 s10, $0x1;
	s10 =	sld [smem:$0x3FB8];
	_ =	sdelay $0x3  }
0x34: {  	[smem:$0x3FB8] =	sst s10  }
0x35: {  	s10 =	sld [smem:$0x3FB7];
	_ =	sdelay $0x3  }
0x36: {  	p1 =	seq.s32 s10, $0x1;
	s10 =	sld [smem:$0x3FB8];
	_ =	sdelay $0x3  }
0x37: {  	[smem:$0x3FB8] =	sst s10  }
0x38: {  	s10 =	sld [smem:$0x3FB9]  }
0x39: {  	_ = 	snop;
	(pc) =	sbr.ind lr, $3  }
0x3a: {  	_ = 	snop  }
0x3b: {  	_ = 	snop  }
0x3c: {  	p2 =	seq.s32 s10, $0x1;
	s10 =	sld [smem:$0x3FB8]  }
0x3d: {  	_ =	shalt  }
0x3e: {  	_ =	shalt  }
0x3f: {  	_ =	shalt  }
0x40: {  	_ =	shalt  }
0x41: {  	_ =	shalt  }
0x42: {  	_ =	shalt  }
0x43: {  	_ =	shalt  }
0x44: {  	_ =	shalt  }
0x45: {  	_ =	shalt  }
0x46: {  	_ =	shalt  }
0x47: {  	_ =	shalt  }
0x48: {  	_ =	shalt  }
0x49: {  	_ =	shalt  }
0x4a: {  	_ =	shalt  }
0x4b: {  	_ =	shalt  }
0x4c: {  	_ =	shalt  }
0x4d: {  	_ =	shalt  }
0x4e: {  	_ =	shalt  }
0x4f: {  	_ =	shalt  }
0x50: {  	_ =	shalt  }
0x51: {  	_ =	shalt  }
0x52: {  	_ =	shalt  }
0x53: {  	_ =	shalt  }
0x54: {  	_ =	shalt  }
0x55: {  	_ =	shalt  }
0x56: {  	_ =	shalt  }
0x57: {  	_ =	shalt  }
0x58: {  	_ =	shalt  }
0x59: {  	_ =	shalt  }
0x5a: {  	_ =	shalt  }
0x5b: {  	_ =	shalt  }
0x5c: {  	_ =	shalt  }
0x5d: {  	_ =	shalt  }
0x5e: {  	_ =	shalt  }
0x5f: {  	_ =	shalt  }
0x60: {  	_ =	shalt  }
0x61: {  	_ =	shalt  }
0x62: {  	_ =	shalt  }
0x63: {  	_ =	shalt  }
0x64: {  	_ =	shalt  }
0x65: {  	_ =	shalt  }
0x66: {  	_ =	shalt  }
0x67: {  	_ =	shalt  }
0x68: {  	_ =	shalt  }
0x69: {  	_ =	shalt  }
0x6a: {  	_ =	shalt  }
0x6b: {  	_ =	shalt  }
0x6c: {  	_ =	shalt  }
0x6d: {  	_ =	shalt  }
0x6e: {  	_ =	shalt  }
0x6f: {  	_ =	shalt  }
0x70: {  	_ =	shalt  }
0x71: {  	_ =	shalt  }
0x72: {  	_ =	shalt  }
0x73: {  	_ =	shalt  }
0x74: {  	_ =	shalt  }
0x75: {  	_ =	shalt  }
0x76: {  	_ =	shalt  }
0x77: {  	_ =	shalt  }
0x78: {  	_ =	shalt  }
0x79: {  	_ =	shalt  }
0x7a: {  	_ =	shalt  }
0x7b: {  	_ =	shalt  }
0x7c: {  	_ =	shalt  }
0x7d: {  	_ =	shalt  }
0x7e: {  	_ =	shalt  }
0x7f: {  	_ =	shalt  }
0x80: {  	_ =	shalt  }
0x81: {  	_ =	shalt  }
0x82: {  	_ =	shalt  }
0x83: {  	_ =	shalt  }
0x84: {  	_ =	shalt  }
0x85: {  	_ =	shalt  }
0x86: {  	_ =	shalt  }
0x87: {  	_ =	shalt  }
.Lfunc_end0:
.L_simem_size_0:
called_computation.1_lowered:
.L_overlay_start_0:
0x88: {  	s2 =	sld [smem:$0x3FD9]  }
0x89: {  	s3 =	sld [smem:$0x3FFE];
	_ =	sdelay $0x1  }
0x8a: {  	s1 =	srdreg.scid  }
0x8b: {  	s0 =	sand.u32 $0x1, s1  }
0x8c: {  	s17 =	sshll.u32 s0, $0xA;
	s2 =	sadd.s32 s3, s2  }
0x8d: {  	s2 =	sadd.s32 s2, s17  }
0x8e: {  	[smem:$0x3FC4] =	sst s2  }
0x8f: {  	_ = 	snop  }
0x90: {  	s2 =	sld [smem:$0x3FD0];
	(tm) =	ssettm $0x1  }
0x91: {  	s18 =	sld [smem:$0x3FFB];
	_ =	sdelay $0x3  }
0x92: {  	_ =	strace s18  }
0x93: {  	s3 =	sld [smem:$0x3FFC];
	_ =	sdelay $0x3  }
0x94: {  	_ =	strace s3  }
0x95: {  	s3 =	sld [smem:$0x3FFD];
	_ =	sdelay $0x3  }
0x96: {  	_ =	strace s3  }
0x97: {  	_ =	strace $0x8FFFFFFF  }
0x98: {  	s19 =	sld [smem:$0x3FDB];
	_ =	sdelay $0x1  }
0x99: {  	s4 =	simm.s32 $_scs_section_size  }
0x9a: {  	s5 =	simm.s32 $_size__tile_overlayer_lowered;
	s6 =	simm.s32 $_tile_overlayer_lowered  }
0x9b: {  	s22 =	simm.s32 $0x1BFF;
	s21 =	sshll.u32 s6, $0x1;
	s3 =	sadd.s32 s4, s19  }
0x9c: {  	s7 =	simm.s32 $0x0;
	s20 =	sshll.u32 s5, $0x1;
	s5 =	sadd.s32 s21, s3  }
0x9d: {  	[timem:s7], [sflag:s22] =	dma.local [hbm:s5], s20  }
0x9e: {  	_ =	swait.ge [sflag:s22], s20  }
0x9f: {  	s4 =	ssub.s32 $0x0, s20;
	[sflag:s22] =	ssyncset.done $0x0  }
0xa0: {  	[sflag:s22] =	ssyncadd.s32 s4;
	_ =	sdelay $0x1  }
0xa1: {  	s23 =	simm.s32 $0x1B8B  }
0xa2: {  	_ =	swait.ge [sflag:s23], $0x1  }
0xa3: {  	[sflag:s23] =	ssyncset.done $0x0  }
0xa4: {  	s25 =	simm.s32 $0x1B8E;
	s24 =	sld [smem:$0x3FFE];
	[sflag:s23] =	ssyncadd.s32 $0xFFFFFFFF  }
0xa5: {  	s26 =	simm.s32 $execute0_lowered;
	[smem:$0x3FD2] =	sst s25  }
0xa6: {  	s5 =	sshll.u32 s26, $0x1;
	_ =	strace $0x80000049;
	[dreg:$0x1] =	wrdreg $0xFFFFFFFF  }
0xa7: {  	s28 =	simm.s32 $_size_execute0_lowered;
	s3 =	sadd.s32 s3, s5;
	[dreg:$0x0] =	wrdreg $0x0  }
0xa8: {  	s5 =	sshll.u32 s28, $0x1;
	[dreg:$0x2] =	wrdreg s3  }
0xa9: {  	[dreg:$0x3] =	wrdreg s5  }
0xaa: {  	[dreg:$0x4] =	wrdreg $0xC0  }
0xab: {  	_ =	task [dreg:s7], $0x5FFFF  }
0xac: {  	[dreg:$0x1] =	wrdreg $0xFFFFFFFF  }
0xad: {  	[dreg:$0x0] =	wrdreg $0x60  }
0xae: {  	[dreg:$0x2] =	wrdreg s2  }
0xaf: {  	[dreg:$0x3] =	wrdreg s24  }
0xb0: {  	[dreg:$0x4] =	wrdreg $0x9  }
0xb1: {  	_ =	task.clear_ibuf [dreg:s7], $0x5FFFF;
	_ =	strace $0x90000049  }
0xb2: {  	s29 =	simm.s32 $0x9;
	_ =	strace $0x8000004B  }
0xb3: {  	_ =	swait.ge [sflag:s29], $0x1  }
0xb4: {  	[sflag:s29] =	ssyncadd.s32 $0xFFFFFFFF  }
0xb5: {  	_ =	strace $0x9000004B  }
0xb6: {  	_ =	sfence  }
0xb7: {  	s30 =	sld [smem:$0x0];
	_ =	sdelay $0x2  }
0xb8: {  	s31 =	sshll.u32 s1, $0xD;
	s1 =	sshrl.u32 s1, $0x2  }
0xb9: {  	s3 =	sand.u32 $0x4000, s31;
	s1 =	sadd.s32 s1, s30  }
0xba: {  	s0 =	sor.u32 s3, s0;
	s1 =	sshll.u32 s1, $0x11  }
0xbb: {  	s0 =	sor.u32 s1, s0  }
0xbc: {  	s0 =	sadd.s32 $0x8F2B, s0  }
0xbd: {  	[sflag:s0] =	ssyncadd.remote.s32 $0x1  }
0xbe: {  	_ =	sfence.sel $0xFFFF  }
0xbf: {  	[dreg:$0x0] =	wrdreg $0xFFFFFFFF;
	(pc) =	sbr.abs _section_cstart, $3  }
0xc0: {  	[dreg:$0x1] =	wrdreg $0xFFFFFFFF  }
0xc1: {  	_ =	task.clear_ibuf [dreg:s7], $0x2FFFF;
	_ =	strace $0x9FFFFFFF  }
0xc2: {  	(tm) =	ssettm $0x7FFFFFFF  }
0xc3: {  	_ =	shalt  }
tec
execute0_lowered:
.L_overlay_start_1:
0x0: {  	(tag) =	ssettag $0x1  }
0x1: {  	s4 =	rddreg [dreg:$0x0]  }
0x2: {  	s3 =	rddreg [dreg:$0x1]  }
0x3: {  	s0 =	rddreg [dreg:$0x2]  }
0x4: {  	s5 =	srdreg.scid;
	s1 =	stileid.u32  }
0x5: {  	s2 =	simm.s32 $0x0;
	s5 =	sand.u32 $0x1, s5;
	s6 =	sshll.u32 s1, $0x1  }
0x6: {  	s10 =	simm.s32 $0x0;
	[smem:$0x7FF] =	sst s2;
	s6 =	sor.u32 s5, s6  }
0x7: {  	_ =	strace $0x8000004A;
	s5 =	ssub.s32 $0x2, s5;
	s7 =	sshll.u32 s6, $0xD  }
0x8: {  	s6 =	sshll.u32 s6, $0xC;
	s31 =	sshrl.u32 s5, $0x1;
	s7 =	sadd.s32 s7, s3  }
0x9: {  	s8 =	sadd.s32 s6, s3;
	s9 =	ssub.s32 s5, s31;
	s4 =	sadd.s32 s4, s6  }
0xa: {  	s3 =	sadd.s32 $0xA00, s7;
	s5 =	sadd.s32 $0x40A00, s8;
	s6 =	smax.u32 s9, $0x1  }
0xb: {  	s7 =	simm.s32 $0x8000;
	s8 =	simm.s32 $0x2;
	s9 =	simm.s32 $0x1  }
.LBB2_1:
0xc: {  	[tilespmem:s7], [sflag:$0x1] =	stream.linear.gather [hbm4b:s3+s2], $0x10000, $0x38;
	[tilespmem:$0x18000] =	vst v63  }
0xd: {  	_ = 	snop  }
0xe: {  	[tilespmem:s2], [sflag:$0x2] =	stream.linear.gather [hbm4b:s4+s2], $0x8000, $0x38;
	[tilespmem:$0x18000] =	vst v63  }
0xf: {  	_ =	swait.ge [sflag:s8], $0x8000  }
0x10: {  	[sflag:s8] =	ssyncset.done $0x0  }
0x11: {  	[sflag:s8] =	ssyncadd.s32 $0xFFFF8000  }
0x12: {  	_ =	swait.ge [sflag:s9], $0x10000  }
0x13: {  	[sflag:s9] =	ssyncset.done $0x0  }
0x14: {  	s11 =	simm.s32 $0x80;
	[sflag:s9] =	ssyncadd.s32 $0xFFFF0000  }
0x15: {  	s14 =	simm.s32 $0x8100;
	v0 =	vld [tilespmem:s11+$0x40]  }
0x16: {  	v1 =	vld [tilespmem:s14+$0x80]  }
0x17: {  	v2 =	vld [tilespmem:s14+$0xC0]  }
0x18: {  	v3 =	vld [tilespmem:s14+$0xFFFFFF00]  }
0x19: {  	v4 =	vld [tilespmem:s14+$0xFFFFFF80]  }
0x1a: {  	v5 =	vld [tilespmem:s14+$0xFFFFFF40]  }
0x1b: {  	v7 =	vld [tilespmem:s11+$0x0]  }
0x1c: {  	v9 =	vld [tilespmem:s14+$0x0]  }
0x1d: {  	v10 =	vld [tilespmem:s14+$0x40]  }
0x1e: {  	v11 =	vld [tilespmem:s11+$0xFFFFFFB0]  }
0x1f: {  	s13 =	simm.s32 $0x8300;
	v12 =	vld [tilespmem:s11+$0x30]  }
0x20: {  	v14 =	vld [tilespmem:s13+$0xFFFFFF80];
	v0 =	vmul.f32 v1, v0  }
0x21: {  	v15 =	vld [tilespmem:s13+$0xFFFFFF40]  }
0x22: {  	s12 =	simm.s32 $0x180;
	v0 =	vadd.f32 v2, v0;
	v2 =	vld [tilespmem:s11+$0xFFFFFF80]  }
0x23: {  	v17 =	vld [tilespmem:s12+$0x0]  }
0x24: {  	[tilespmem:s11+$0x40] =	vst v0;
	v0 =	vld [tilespmem:s11+$0x50]  }
0x25: {  	v6 =	vld [tilespmem:s14+$0x90]  }
0x26: {  	v19 =	vld [tilespmem:s13+$0x0]  }
0x27: {  	v8 =	vld [tilespmem:s14+$0xD0];
	v2 =	vmul.f32 v3, v2  }
0x28: {  	v1 =	vld [tilespmem:s11+$0xFFFFFFC0]  }
0x29: {  	v3 =	vld [tilespmem:s14+$0xFFFFFFC0];
	v2 =	vadd.f32 v5, v2  }
0x2a: {  	v5 =	vld [tilespmem:s11+$0xFFFFFF90];
	v0 =	vmul.f32 v6, v0  }
0x2b: {  	v6 =	vld [tilespmem:s11+$0xFFFFFFD0];
	[tilespmem:s11+$0xFFFFFF80] =	vst v2  }
0x2c: {  	v0 =	vadd.f32 v8, v0;
	v2 =	vld [tilespmem:s14+$0xFFFFFF10]  }
0x2d: {  	v1 =	vmul.f32 v4, v1;
	v4 =	vld [tilespmem:s14+$0xFFFFFF50]  }
0x2e: {  	v8 =	vld [tilespmem:s11+$0x10];
	[tilespmem:s11+$0x50] =	vst v0;
	v0 =	vmul.f32 v9, v7  }
0x2f: {  	v1 =	vadd.f32 v3, v1;
	v7 =	vld [tilespmem:s11+$0x60]  }
0x30: {  	v3 =	vld [tilespmem:s14+$0xA0];
	v0 =	vadd.f32 v10, v0  }
0x31: {  	[tilespmem:s11+$0xFFFFFFC0] =	vst v1;
	v1 =	vmul.f32 v2, v5;
	v2 =	vld [tilespmem:s14+$0xE0]  }
0x32: {  	[tilespmem:s11+$0x0] =	vst v0;
	v0 =	vld [tilespmem:s14+$0xFFFFFF90]  }
0x33: {  	v5 =	vld [tilespmem:s14+$0x10]  }
0x34: {  	v1 =	vadd.f32 v4, v1;
	v4 =	vld [tilespmem:s14+$0xFFFFFFD0]  }
0x35: {  	v3 =	vmul.f32 v3, v7;
	v7 =	vld [tilespmem:s14+$0x50]  }
0x36: {  	v20 =	vld [tilespmem:s13+$0x40]  }
0x37: {  	[tilespmem:s11+$0xFFFFFF90] =	vst v1;
	v1 =	vld [tilespmem:s11+$0xFFFFFFA0];
	v0 =	vmul.f32 v0, v6  }
0x38: {  	v2 =	vadd.f32 v2, v3;
	v3 =	vld [tilespmem:s14+$0xFFFFFF20];
	v5 =	vmul.f32 v5, v8  }
0x39: {  	v9 =	vld [tilespmem:s11+$0xFFFFFFE0];
	v0 =	vadd.f32 v4, v0  }
0x3a: {  	v4 =	vld [tilespmem:s11+$0x20];
	v5 =	vadd.f32 v7, v5  }
0x3b: {  	[tilespmem:s11+$0xFFFFFFD0] =	vst v0;
	v0 =	vld [tilespmem:s14+$0xFFFFFF60]  }
0x3c: {  	[tilespmem:s11+$0x10] =	vst v5;
	v5 =	vld [tilespmem:s14+$0xFFFFFFA0]  }
0x3d: {  	v1 =	vmul.f32 v3, v1;
	v3 =	vld [tilespmem:s14+$0xFFFFFFE0]  }
0x3e: {  	v8 =	vld [tilespmem:s14+$0x20]  }
0x3f: {  	v48 =	vld [tilespmem:s12+$0xFFFFFF90]  }
0x40: {  	v10 =	vld [tilespmem:s14+$0x60]  }
0x41: {  	v49 =	vld [tilespmem:s12+$0xFFFFFFD0];
	v0 =	vadd.f32 v0, v1;
	v1 =	vmul.f32 v5, v9  }
0x42: {  	v51 =	vld [tilespmem:s12+$0x60]  }
0x43: {  	v52 =	vld [tilespmem:s12+$0x10];
	[tilespmem:s11+$0xFFFFFFA0] =	vst v0;
	v0 =	vmul.f32 v8, v4;
	v1 =	vadd.f32 v3, v1  }
0x44: {  	v3 =	vld [tilespmem:s12+$0x40]  }
0x45: {  	v0 =	vadd.f32 v10, v0;
	[tilespmem:s11+$0xFFFFFFE0] =	vst v1;
	v1 =	vld [tilespmem:s13+$0x80]  }
0x46: {  	v56 =	vld [tilespmem:s12+$0xFFFFFFE0]  }
0x47: {  	[tilespmem:s11+$0x20] =	vst v0;
	v0 =	vld [tilespmem:s13+$0xC0]  }
0x48: {  	v57 =	vld [tilespmem:s12+$0x70]  }
0x49: {  	[tilespmem:s11+$0x60] =	vst v2;
	v2 =	vld [tilespmem:s11+$0x70]  }
0x4a: {  	v6 =	vld [tilespmem:s14+$0xB0];
	v1 =	vmul.f32 v1, v3  }
0x4b: {  	v7 =	vld [tilespmem:s14+$0xF0]  }
0x4c: {  	v4 =	vld [tilespmem:s13+$0xFFFFFF00];
	v0 =	vadd.f32 v0, v1  }
0x4d: {  	v1 =	vld [tilespmem:s12+$0xFFFFFF80]  }
0x4e: {  	[tilespmem:s12+$0x40] =	vst v0;
	v0 =	vld [tilespmem:s12+$0x50]  }
0x4f: {  	v16 =	vld [tilespmem:s13+$0x90]  }
0x50: {  	v59 =	vld [tilespmem:s12+$0x20]  }
0x51: {  	v2 =	vmul.f32 v6, v2;
	v18 =	vld [tilespmem:s13+$0xD0]  }
0x52: {  	v3 =	vld [tilespmem:s12+$0xFFFFFFC0]  }
0x53: {  	v7 =	vadd.f32 v7, v2;
	v2 =	vld [tilespmem:s12+$0xFFFFFFF0];
	v1 =	vmul.f32 v4, v1  }
0x54: {  	v4 =	vld [tilespmem:s13+$0xFFFFFFC0];
	v0 =	vmul.f32 v16, v0  }
0x55: {  	v9 =	vld [tilespmem:s11+$0xFFFFFFF0];
	v1 =	vadd.f32 v15, v1  }
0x56: {  	v5 =	vld [tilespmem:s14+$0xFFFFFF30];
	v0 =	vadd.f32 v18, v0  }
0x57: {  	v8 =	vld [tilespmem:s14+$0xFFFFFF70];
	v3 =	vmul.f32 v14, v3;
	[tilespmem:s12+$0xFFFFFF80] =	vst v1  }
0x58: {  	v1 =	vld [tilespmem:s13+$0xFFFFFF10];
	[tilespmem:s12+$0x50] =	vst v0;
	v0 =	vmul.f32 v19, v17  }
0x59: {  	v3 =	vadd.f32 v4, v3;
	v4 =	vld [tilespmem:s13+$0xA0]  }
0x5a: {  	v50 =	vld [tilespmem:s13+$0xFFFFFF50];
	v0 =	vadd.f32 v20, v0  }
0x5b: {  	[tilespmem:s12+$0xFFFFFFC0] =	vst v3;
	v3 =	vld [tilespmem:s13+$0xE0]  }
0x5c: {  	[tilespmem:s12+$0x0] =	vst v0;
	v0 =	vld [tilespmem:s13+$0xFFFFFF90]  }
0x5d: {  	v1 =	vmul.f32 v1, v48;
	v53 =	vld [tilespmem:s13+$0x10]  }
0x5e: {  	v54 =	vld [tilespmem:s13+$0xFFFFFFD0];
	v4 =	vmul.f32 v4, v51  }
0x5f: {  	v1 =	vadd.f32 v50, v1;
	v55 =	vld [tilespmem:s13+$0x50]  }
0x60: {  	v10 =	vld [tilespmem:s14+$0xFFFFFFB0];
	v3 =	vadd.f32 v3, v4  }
0x61: {  	v63 =	vld [tilespmem:s14+$0xFFFFFFF0];
	[tilespmem:s12+$0xFFFFFF90] =	vst v1;
	v0 =	vmul.f32 v0, v49  }
0x62: {  	v1 =	vld [tilespmem:s12+$0xFFFFFFA0];
	[tilespmem:s12+$0x60] =	vst v3;
	v3 =	vmul.f32 v53, v52  }
0x63: {  	v4 =	vld [tilespmem:s13+$0xFFFFFF20];
	v0 =	vadd.f32 v54, v0  }
0x64: {  	v61 =	vld [tilespmem:s13+$0xFFFFFF60];
	v3 =	vadd.f32 v55, v3  }
0x65: {  	v58 =	vld [tilespmem:s13+$0xB0];
	[tilespmem:s12+$0xFFFFFFD0] =	vst v0  }
0x66: {  	[tilespmem:s12+$0x10] =	vst v3;
	v3 =	vld [tilespmem:s13+$0xFFFFFFA0]  }
0x67: {  	v60 =	vld [tilespmem:s13+$0x20]  }
0x68: {  	v62 =	vld [tilespmem:s13+$0xFFFFFFE0]  }
0x69: {  	v6 =	vld [tilespmem:s13+$0x60]  }
0x6a: {  	v13 =	vld [tilespmem:s14+$0x30];
	v1 =	vmul.f32 v4, v1  }
0x6b: {  	v0 =	vld [tilespmem:s13+$0xF0];
	v16 =	vmul.f32 v3, v56  }
0x6c: {  	[tilespmem:s11+$0x70] =	vst v7;
	v7 =	vmul.f32 v5, v11;
	v5 =	vld [tilespmem:s14+$0x70];
	v1 =	vadd.f32 v61, v1;
	v17 =	vmul.f32 v60, v59  }
0x6d: {  	v4 =	vld [tilespmem:s12+$0xFFFFFFB0];
	v11 =	vadd.f32 v62, v16  }
0x6e: {  	v14 =	vmul.f32 v58, v57;
	[tilespmem:s12+$0xFFFFFFA0] =	vst v1;
	v3 =	vld [tilespmem:s12+$0x30];
	v1 =	vadd.f32 v6, v17  }
0x6f: {  	v6 =	vadd.f32 v8, v7;
	v8 =	vld [tilespmem:s13+$0xFFFFFF30];
	[tilespmem:s12+$0xFFFFFFE0] =	vst v11  }
0x70: {  	v10 =	vmul.f32 v10, v9;
	v7 =	vadd.f32 v0, v14;
	[tilespmem:s12+$0x20] =	vst v1;
	v9 =	vld [tilespmem:s13+$0xFFFFFFB0]  }
0x71: {  	v0 =	vmul.f32 v13, v12;
	[tilespmem:s11+$0xFFFFFFB0] =	vst v6;
	v6 =	vld [tilespmem:s13+$0x30]  }
0x72: {  	s15 =	simm.s32 $0x280;
	s16 =	simm.s32 $0x8300;
	s14 =	simm.s32 $0x4;
	[tilespmem:s12+$0x70] =	vst v7;
	v7 =	vld [tilespmem:s13+$0xFFFFFF70];
	v1 =	vadd.f32 v63, v10  }
.LBB2_2:
0x73: {  	v10 =	vld [tilespmem:s15+$0x40];
	s13 =	sadd.s32 $0x200, s13;
	v0 =	vadd.f32 v5, v0  }
0x74: {  	s14 =	sadd.s32 $0x4, s14;
	v5 =	vld [tilespmem:s13+$0x80];
	v4 =	vmul.f32 v8, v4;
	[tilespmem:s11+$0xFFFFFFF0] =	vst v1  }
0x75: {  	p0 =	slt.u32 s14, $0x1FC;
	v8 =	vld [tilespmem:s13+$0xFFFFFF00];
	v1 =	vmul.f32 v9, v2;
	[tilespmem:s11+$0x30] =	vst v0;
	s11 =	smov.u32 s12;
	s12 =	smov.u32 s15  }
0x76: {  	v2 =	vld [tilespmem:s13+$0xC0];
	v0 =	vmul.f32 v6, v3  }
0x77: {  	v3 =	vld [tilespmem:s15+$0xFFFFFFC0];
	v4 =	vadd.f32 v7, v4  }
0x78: {  	v6 =	vld [tilespmem:s13+$0xFFFFFF80]  }
0x79: {  	v7 =	vld [tilespmem:s15+$0x0];
	v5 =	vmul.f32 v5, v10;
	[tilespmem:s11+$0xFFFFFFB0] =	vst v4  }
0x7a: {  	v4 =	vld [tilespmem:s13+$0x0]  }
0x7b: {  	v9 =	vld [tilespmem:s15+$0xFFFFFF80];
	v2 =	vadd.f32 v2, v5  }
0x7c: {  	v5 =	vld [tilespmem:s13+$0xFFFFFF40]  }
0x7d: {  	v3 =	vmul.f32 v6, v3;
	[tilespmem:s15+$0x40] =	vst v2;
	v2 =	vld [tilespmem:s15+$0x50]  }
0x7e: {  	v6 =	vld [tilespmem:s13+$0x90]  }
0x7f: {  	v10 =	vld [tilespmem:s13+$0xFFFFFFC0];
	v4 =	vmul.f32 v4, v7  }
0x80: {  	v7 =	vmul.f32 v8, v9;
	v8 =	vld [tilespmem:s13+$0xD0]  }
0x81: {  	v9 =	vld [tilespmem:s13+$0x40]  }
0x82: {  	v5 =	vadd.f32 v5, v7;
	v7 =	vld [tilespmem:s15+$0xFFFFFF90]  }
0x83: {  	v11 =	vld [tilespmem:s15+$0xFFFFFFD0];
	v2 =	vmul.f32 v6, v2  }
0x84: {  	[tilespmem:s15+$0xFFFFFF80] =	vst v5;
	v3 =	vadd.f32 v10, v3;
	v5 =	vld [tilespmem:s15+$0x10]  }
0x85: {  	v6 =	vld [tilespmem:s13+$0xFFFFFF10];
	v2 =	vadd.f32 v8, v2  }
0x86: {  	v8 =	vld [tilespmem:s13+$0xFFFFFF50];
	[tilespmem:s15+$0xFFFFFFC0] =	vst v3;
	v3 =	vadd.f32 v9, v4  }
0x87: {  	[tilespmem:s15+$0x50] =	vst v2;
	v2 =	vld [tilespmem:s15+$0x60]  }
0x88: {  	[tilespmem:s15+$0x0] =	vst v3;
	v3 =	vld [tilespmem:s13+$0xA0]  }
0x89: {  	v4 =	vld [tilespmem:s13+$0xFFFFFF90]  }
0x8a: {  	v6 =	vmul.f32 v6, v7;
	v7 =	vld [tilespmem:s13+$0xE0]  }
0x8b: {  	v9 =	vld [tilespmem:s13+$0x10]  }
0x8c: {  	v6 =	vadd.f32 v8, v6;
	v8 =	vld [tilespmem:s13+$0xFFFFFFD0]  }
0x8d: {  	v10 =	vld [tilespmem:s13+$0x50];
	v2 =	vmul.f32 v3, v2  }
0x8e: {  	[tilespmem:s15+$0xFFFFFF90] =	vst v6;
	v3 =	vld [tilespmem:s15+$0xFFFFFFA0];
	v4 =	vmul.f32 v4, v11  }
0x8f: {  	v6 =	vld [tilespmem:s13+$0xFFFFFF20];
	v2 =	vadd.f32 v7, v2  }
0x90: {  	v7 =	vld [tilespmem:s15+$0xFFFFFFE0];
	v5 =	vmul.f32 v9, v5  }
0x91: {  	v4 =	vadd.f32 v8, v4;
	[tilespmem:s15+$0x60] =	vst v2;
	v2 =	vld [tilespmem:s15+$0x70]  }
0x92: {  	v5 =	vadd.f32 v10, v5;
	v8 =	vld [tilespmem:s13+$0xB0]  }
0x93: {  	[tilespmem:s15+$0xFFFFFFD0] =	vst v4;
	v9 =	vld [tilespmem:s15+$0x20]  }
0x94: {  	v3 =	vmul.f32 v6, v3;
	[tilespmem:s15+$0x10] =	vst v5;
	v4 =	vld [tilespmem:s13+$0xF0]  }
0x95: {  	v5 =	vld [tilespmem:s13+$0xFFFFFFA0]  }
0x96: {  	v6 =	vld [tilespmem:s13+$0x20]  }
0x97: {  	v10 =	vld [tilespmem:s13+$0xFFFFFF60];
	v2 =	vmul.f32 v8, v2  }
0x98: {  	v8 =	vld [tilespmem:s13+$0xFFFFFFE0]  }
0x99: {  	v11 =	vld [tilespmem:s13+$0x60];
	v12 =	vadd.f32 v4, v2  }
0x9a: {  	v4 =	vld [tilespmem:s15+$0xFFFFFFB0];
	v5 =	vmul.f32 v5, v7  }
0x9b: {  	v2 =	vld [tilespmem:s15+$0xFFFFFFF0];
	v6 =	vmul.f32 v6, v9;
	[tilespmem:s15+$0x70] =	vst v12  }
0x9c: {  	v7 =	vadd.f32 v10, v3;
	v3 =	vld [tilespmem:s15+$0x30]  }
0x9d: {  	v9 =	vadd.f32 v8, v5;
	v10 =	vld [tilespmem:s16+$0xFFFFFFF0]  }
.Ltmp0:
0x9e: {  	[tilespmem:s15+$0xFFFFFFA0] =	vst v7;
	v6 =	vadd.f32 v11, v6;
	v5 =	vld [tilespmem:s16+$0x70];
	s16 =	smov.u32 s13;
	(pc) =	sbr.rel @p0 .LBB2_2-.Ltmp0, $4  }
0x9f: {  	v8 =	vld [tilespmem:s13+$0xFFFFFF30];
	[tilespmem:s15+$0xFFFFFFE0] =	vst v9  }
0xa0: {  	v9 =	vld [tilespmem:s13+$0xFFFFFFB0];
	[tilespmem:s15+$0x20] =	vst v6  }
0xa1: {  	v6 =	vld [tilespmem:s13+$0x30]  }
0xa2: {  	s15 =	sadd.s32 $0x100, s15;
	v7 =	vld [tilespmem:s13+$0xFFFFFF70];
	v1 =	vadd.f32 v10, v1  }
0xa3: {  	v10 =	vld [tilespmem:s16+$0xFFFFFFF0]  }
0xa4: {  	v11 =	vld [tilespmem:s16+$0x70]  }
0xa5: {  	v4 =	vmul.f32 v8, v4  }
0xa6: {  	v0 =	vadd.f32 v5, v0;
	v2 =	vmul.f32 v9, v2  }
0xa7: {  	[tilespmem:s11+$0xFFFFFFF0] =	vst v1;
	v61 =	vmul.f32 v6, v3;
	v62 =	vadd.f32 v7, v4  }
0xa8: {  	[tilespmem:s11+$0x30] =	vst v0;
	v63 =	vadd.f32 v10, v2  }
0xa9: {  	s10 =	sadd.s32 $0x1, s10;
	v1 =	vadd.f32 v11, v61;
	[tilespmem:s12+$0xFFFFFFB0] =	vst v62  }
0xaa: {  	p0 =	sne.s32 s10, s6;
	[tilespmem:s12+$0xFFFFFFF0] =	vst v63  }
.Ltmp1:
0xab: {  	[tilespmem:s12+$0x30] =	vst v1;
	(pc) =	sbr.rel @p0 .LBB2_1-.Ltmp1, $4  }
0xac: {  	[hbm4b:s5+s2] =	stream.linear.scatter [tilespmem:s2], [sflag:$0x2], $0x8000, $0x38;
	[tilespmem:$0x18000] =	vst v63  }
0xad: {  	_ =	swait.ge [sflag:s8], $0x8000  }
0xae: {  	[sflag:s8] =	ssyncset.done $0x0  }
0xaf: {  	[sflag:s8] =	ssyncadd.s32 $0xFFFF8000  }
0xb0: {  	_ =	sfence.sel $0x180000  }
0xb1: {  	[bflag:$0x0] =	sbarrier.arrive $0xFFFF  }
0xb2: {  	p0 =	sne.s32 s1, $0x0;
	_ =	strace $0x9000004A  }
0xb3: {  	s0 =	sadd.s32 @!p0 $0x100000, s0;
	[bflag:$0x2] =	sbarrier.arrive $0xFFFF  }
0xb4: {  	[sflag:s0] =	ssyncadd.tile.s32 @!p0 $0x1;
	_ =	shalt  }
.Lfunc_end2:
_tile_overlayer_lowered:
.L_overlay_start_2:
0xb5: {  	(tag) =	ssettag $0x2  }
0xb6: {  	s0 =	rddreg [dreg:$0x0];
	s2 =	stileid.u32  }
0xb7: {  	s1 =	rddreg [dreg:$0x1];
	p0 =	sne.s32 s2, $0x0  }
0xb8: {  	s3 =	rddreg [dreg:$0x2];
	[bflag:$0x3] =	sbarrier.arrive $0xFFFF;
	s2 =	simm.s32 @!p0 $0x1C02  }
0xb9: {  	[timem:s3], [sflag:s2] =	dma.local @!p0 [hbm:s0], s1  }
0xba: {  	s0 =	simm.s32 @!p0 $0x2  }
0xbb: {  	_ =	swait.ge @!p0 [sflag:s0], s1  }
0xbc: {  	s1 =	ssub.s32 @!p0 $0x0, s1;
	[sflag:s0] =	ssyncset.done @!p0 $0x0  }
0xbd: {  	[sflag:s0] =	ssyncadd.s32 @!p0 s1  }
0xbe: {  	[bflag:$0x3] =	sbarrier.arrive $0xFFFF  }
0xbf: {  	_ =	shalt  }

</sc_bundles>
